<compile_context>
chip_gen: v7x
topology: tpu7x:2x2x1
jax: 0.10.2.dev20260603
libtpu: 0.0.44.dev20260713+nightly
codegen_flags: <defaults>
</compile_context>

<pallas_src>
import jax
import jax.numpy as jnp
from jax import lax
from jax.experimental import pallas as pl
from jax.experimental.pallas import tpu as pltpu
from jax.experimental.pallas import tpu_sc as plsc

N_NODES = 10000
N_PAD = 10240
N_EDGES = 320000
D = 128
NUM_GRAPHS = 64
CHUNK = 128
NCHUNKS = N_EDGES // CHUNK
NWORKERS = 32
KMAX = -(-NCHUNKS // NWORKERS)
ROWS_PER_SUB = N_PAD // 16
ROW_BLK = 1000
GRID = N_NODES // ROW_BLK

_SC_MESH = plsc.VectorSubcoreMesh(core_axis_name="c", subcore_axis_name="s")


def _zero_acc(const_hbm, acc_sh, sid):
    zrow = sid * ROWS_PER_SUB
    for j in range(ROWS_PER_SUB // CHUNK):
        pltpu.sync_copy(const_hbm, acc_sh.at[pl.ds(zrow + j * CHUNK, CHUNK)])


def _writeout(acc_sh, out0, out1, cid, sid, bounce):
    zrow = sid * ROWS_PER_SUB
    for j in range(ROWS_PER_SUB // CHUNK):
        off = zrow + j * CHUNK
        pltpu.sync_copy(acc_sh.at[pl.ds(off, CHUNK)], bounce)

        @pl.when(cid == 0)
        def _():
            pltpu.sync_copy(bounce, out0.at[pl.ds(off, CHUNK)])

        @pl.when(cid == 1)
        def _():
            pltpu.sync_copy(bounce, out1.at[pl.ds(off, CHUNK)])


def _sc_scatter_body(idx_hbm, g_hbm, const_hbm, out0, out1,
                     ib, rows_v, acc_sh, sem):
    cid = lax.axis_index("c")
    sid = lax.axis_index("s")
    wid = sid * 2 + cid

    _zero_acc(const_hbm, acc_sh, sid)
    plsc.subcore_barrier()

    @pl.loop(0, KMAX)
    def _(k):
        ch = k * NWORKERS + wid

        @pl.when(ch < NCHUNKS)
        def _():
            pltpu.sync_copy(idx_hbm.at[ch], ib)
            pltpu.async_copy(g_hbm.at[ib.at[0]], rows_v, sem).wait()
            pltpu.sync_copy(rows_v, acc_sh.at[ib.at[1]], add=True)

    plsc.subcore_barrier()
    _writeout(acc_sh, out0, out1, cid, sid, rows_v)


_sc_scatter = pl.kernel(
    _sc_scatter_body,
    out_type=(jax.ShapeDtypeStruct((N_PAD, D), jnp.float32),
              jax.ShapeDtypeStruct((N_PAD, D), jnp.float32)),
    mesh=_SC_MESH,
    scratch_types=[
        pltpu.VMEM((2, CHUNK), jnp.int32),
        pltpu.VMEM((CHUNK, D), jnp.float32),
        pltpu.VMEM_SHARED((N_PAD, D), jnp.float32),
        pltpu.SemaphoreType.DMA,
    ],
)


def _sc_degree_body(dst_hbm, ones_hbm, const_hbm, out0, out1,
                    dst_v, rows_v, acc_sh):
    cid = lax.axis_index("c")
    sid = lax.axis_index("s")
    wid = sid * 2 + cid

    _zero_acc(const_hbm, acc_sh, sid)
    pltpu.sync_copy(ones_hbm, rows_v)
    plsc.subcore_barrier()

    @pl.loop(0, KMAX)
    def _(k):
        ch = k * NWORKERS + wid

        @pl.when(ch < NCHUNKS)
        def _():
            base = ch * CHUNK
            pltpu.sync_copy(dst_hbm.at[pl.ds(base, CHUNK)], dst_v)
            pltpu.sync_copy(rows_v, acc_sh.at[dst_v], add=True)

    plsc.subcore_barrier()
    _writeout(acc_sh, out0, out1, cid, sid, rows_v)


_sc_degree = pl.kernel(
    _sc_degree_body,
    out_type=(jax.ShapeDtypeStruct((N_PAD, D), jnp.float32),
              jax.ShapeDtypeStruct((N_PAD, D), jnp.float32)),
    mesh=_SC_MESH,
    scratch_types=[
        pltpu.VMEM((CHUNK,), jnp.int32),
        pltpu.VMEM((CHUNK, D), jnp.float32),
        pltpu.VMEM_SHARED((N_PAD, D), jnp.float32),
    ],
)



def _dinv_body(d0_ref, d1_ref, out_ref):
    deg = d0_ref[...] + d1_ref[...] + 1.0
    out_ref[...] = lax.rsqrt(deg)


def _dinv_kernel(d0, d1):
    blk = pl.BlockSpec((1024, D), lambda i: (i, 0))
    return pl.pallas_call(
        _dinv_body,
        grid=(N_PAD // 1024,),
        in_specs=[blk, blk],
        out_specs=blk,
        out_shape=jax.ShapeDtypeStruct((N_PAD, D), jnp.float32),
    )(d0, d1)


def _dot(a, b):
    return jax.lax.dot_general(a, b, (((1,), (0,)), ((), ())),
                               precision=lax.Precision.HIGHEST,
                               preferred_element_type=jnp.float32)


def _prep1_body(x_ref, w0_ref, b0_ref, w1_ref, dinv_ref, out_ref):
    h = jnp.maximum(_dot(x_ref[...], w0_ref[...]) + b0_ref[...][None, :], 0.0)
    out_ref[...] = dinv_ref[...] * _dot(h, w1_ref[...])


def _prep1(x, W0, b0, Wc1, dinv):
    rblk = pl.BlockSpec((ROW_BLK, D), lambda i: (i, 0))
    wblk = pl.BlockSpec((D, D), lambda i: (0, 0))
    bblk = pl.BlockSpec((D,), lambda i: (0,))
    return pl.pallas_call(
        _prep1_body,
        grid=(GRID,),
        in_specs=[rblk, wblk, bblk, wblk, rblk],
        out_specs=rblk,
        out_shape=jax.ShapeDtypeStruct((N_NODES, D), jnp.float32),
    )(x, W0, b0, Wc1, dinv)


def _comb_body(p0_ref, p1_ref, g_ref, dinv_ref, b_ref, w_ref, out_ref):
    dinv = dinv_ref[...]
    h = dinv * (p0_ref[...] + p1_ref[...] + g_ref[...]) + b_ref[...][None, :]
    h = jnp.maximum(h, 0.0)
    out_ref[...] = dinv * _dot(h, w_ref[...])


def _comb(p0, p1, g, dinv, b, W):
    rblk = pl.BlockSpec((ROW_BLK, D), lambda i: (i, 0))
    wblk = pl.BlockSpec((D, D), lambda i: (0, 0))
    bblk = pl.BlockSpec((D,), lambda i: (0,))
    return pl.pallas_call(
        _comb_body,
        grid=(GRID,),
        in_specs=[rblk, rblk, rblk, rblk, bblk, wblk],
        out_specs=rblk,
        out_shape=jax.ShapeDtypeStruct((N_NODES, D), jnp.float32),
    )(p0, p1, g, dinv, b, W)


def _final_body(p0_ref, p1_ref, g_ref, dinv_ref, b_ref, batch_ref, out_ref,
                sums_ref, cnts_ref):
    i = pl.program_id(0)

    @pl.when(i == 0)
    def _():
        sums_ref[...] = jnp.zeros_like(sums_ref)
        cnts_ref[...] = jnp.zeros_like(cnts_ref)

    dinv = dinv_ref[...]
    h = dinv * (p0_ref[...] + p1_ref[...] + g_ref[...]) + b_ref[...][None, :]
    h = jnp.maximum(h, 0.0)
    seg = batch_ref[0, 0, :]
    gids = lax.broadcasted_iota(jnp.int32, (NUM_GRAPHS, ROW_BLK), 0)
    onehot = jnp.where(gids == seg[None, :], 1.0, 0.0)
    sums_ref[...] += _dot(onehot, h)
    cnt = jnp.sum(onehot, axis=1, keepdims=True)
    cnts_ref[...] += jnp.broadcast_to(cnt, (NUM_GRAPHS, D))

    @pl.when(i == GRID - 1)
    def _():
        out_ref[...] = sums_ref[...] / jnp.maximum(cnts_ref[...], 1.0)


def _final_pool(p0, p1, g, dinv, b, batch3):
    rblk = pl.BlockSpec((ROW_BLK, D), lambda i: (i, 0))
    bblk = pl.BlockSpec((D,), lambda i: (0,))
    sblk = pl.BlockSpec((1, 1, ROW_BLK), lambda i: (i, 0, 0))
    oblk = pl.BlockSpec((NUM_GRAPHS, D), lambda i: (0, 0))
    return pl.pallas_call(
        _final_body,
        grid=(GRID,),
        in_specs=[rblk, rblk, rblk, rblk, bblk, sblk],
        out_specs=oblk,
        out_shape=jax.ShapeDtypeStruct((NUM_GRAPHS, D), jnp.float32),
        scratch_shapes=[pltpu.VMEM((NUM_GRAPHS, D), jnp.float32),
                        pltpu.VMEM((NUM_GRAPHS, D), jnp.float32)],
    )(p0, p1, g, dinv, b, batch3)


def kernel(x, edge_index, batch, W0, b0, Wc1, bc1, Wc2, bc2, Wc3, bc3):
    src = edge_index[0]
    dst = edge_index[1]
    idx = jnp.stack([src.reshape(NCHUNKS, CHUNK),
                     dst.reshape(NCHUNKS, CHUNK)], axis=1)
    zeros_blk = jnp.zeros((CHUNK, D), jnp.float32)
    ones_blk = jnp.ones((CHUNK, D), jnp.float32)

    d0, d1 = _sc_degree(dst, ones_blk, zeros_blk)
    dinv = _dinv_kernel(d0, d1)

    g = _prep1(x, W0, b0, Wc1, dinv)
    p0, p1 = _sc_scatter(idx, g, zeros_blk)
    g = _comb(p0[:N_NODES], p1[:N_NODES], g, dinv[:N_NODES], bc1, Wc2)
    p0, p1 = _sc_scatter(idx, g, zeros_blk)
    g = _comb(p0[:N_NODES], p1[:N_NODES], g, dinv[:N_NODES], bc2, Wc3)
    p0, p1 = _sc_scatter(idx, g, zeros_blk)

    batch3 = batch.reshape(GRID, 1, ROW_BLK)
    return _final_pool(p0[:N_NODES], p1[:N_NODES], g, dinv[:N_NODES], bc3,
                       batch3)

# --- scband reference (transcript-rebuilt; emitter-appended) ---
"""Pipeline reference for scband-gnngraph-encoder-10222022165153 (READ-ONLY COPY).

The authoritative reference and input builder live on the scoring server;
editing this copy changes nothing except your own understanding.
"""

import jax, jax.numpy as jnp
import numpy as np

N_NODES = 10000
N_EDGES = 320000
D_FEAT = 128
HIDDEN = 128
NUM_GRAPHS = 64


def setup_inputs(seed: int = 0) -> dict:
    key = jax.random.key(seed)
    ks = jax.random.split(key, 12)
    x = jax.random.normal(ks[0], (N_NODES, D_FEAT), dtype=jnp.float32)
    edge_index = jax.random.randint(ks[1], (2, N_EDGES), 0, N_NODES, dtype=jnp.int64 if jax.config.jax_enable_x64 else jnp.int32).astype(jnp.int32)
    batch = jnp.sort(jax.random.randint(ks[2], (N_NODES,), 0, NUM_GRAPHS).astype(jnp.int32))
    s = 1.0 / np.sqrt(D_FEAT)
    W0 = jax.random.uniform(ks[3], (D_FEAT, HIDDEN), minval=-s, maxval=s, dtype=jnp.float32)
    b0 = jax.random.uniform(ks[4], (HIDDEN,), minval=-s, maxval=s, dtype=jnp.float32)
    sh = 1.0 / np.sqrt(HIDDEN)
    Wc1 = jax.random.uniform(ks[5], (HIDDEN, HIDDEN), minval=-sh, maxval=sh, dtype=jnp.float32)
    bc1 = jnp.zeros((HIDDEN,), dtype=jnp.float32)
    Wc2 = jax.random.uniform(ks[6], (HIDDEN, HIDDEN), minval=-sh, maxval=sh, dtype=jnp.float32)
    bc2 = jnp.zeros((HIDDEN,), dtype=jnp.float32)
    Wc3 = jax.random.uniform(ks[7], (HIDDEN, HIDDEN), minval=-sh, maxval=sh, dtype=jnp.float32)
    bc3 = jnp.zeros((HIDDEN,), dtype=jnp.float32)
    return {"x": x, "edge_index": edge_index, "batch": batch,
            "W0": W0, "b0": b0, "Wc1": Wc1, "bc1": bc1,
            "Wc2": Wc2, "bc2": bc2, "Wc3": Wc3, "bc3": bc3}


def gcn_conv(x, src, dst, W, b, num_nodes):
    # PyG GCNConv: add self-loops, symmetric deg^{-1/2} normalization, x @ W, scatter-add, + bias
    h = x @ W
    deg = jnp.zeros((num_nodes,), dtype=x.dtype).at[dst].add(1.0)
    deg_inv_sqrt = jnp.where(deg > 0, deg ** -0.5, 0.0)
    norm = deg_inv_sqrt[src] * deg_inv_sqrt[dst]
    msg = h[src] * norm[:, None]
    out = jnp.zeros((num_nodes, h.shape[1]), dtype=x.dtype).at[dst].add(msg)
    return out + b


def reference(x, edge_index, batch, W0, b0, Wc1, bc1, Wc2, bc2, Wc3, bc3):
    num_nodes = x.shape[0]
    loop = jnp.arange(num_nodes, dtype=edge_index.dtype)
    src = jnp.concatenate([edge_index[0], loop])
    dst = jnp.concatenate([edge_index[1], loop])
    h = jax.nn.relu(x @ W0 + b0)
    for (W, b) in ((Wc1, bc1), (Wc2, bc2), (Wc3, bc3)):
        h = gcn_conv(h, src, dst, W, b, num_nodes)
        h = jax.nn.relu(h)
        # dropout is identity in eval mode
    # global_mean_pool over batch segment ids
    sums = jax.ops.segment_sum(h, batch, num_segments=NUM_GRAPHS)
    counts = jax.ops.segment_sum(jnp.ones((num_nodes,), dtype=h.dtype), batch, num_segments=NUM_GRAPHS)
    pooled = sums / jnp.maximum(counts, 1.0)[:, None]
    return pooled

if __name__ == "__main__":
    import jax
    _d = setup_inputs()
    print(jax.jit(kernel)(*tuple(_d.values())))

</pallas_src>

<mosaic_0001>
#map = affine_map<(d0, d1) -> (0, 0, 0)>
#map1 = affine_map<(d0, d1) -> (0, 0)>
module attributes {stable_mosaic.version = 14 : i64} {
  func.func @_sc_scatter_body(%arg0: i32, %arg1: i32, %arg2: memref<2500x2x128xi32, #tpu.memory_space<hbm>>, %arg3: memref<10000x128xf32, #tpu.memory_space<hbm>>, %arg4: memref<128x128xf32, #tpu.memory_space<hbm>>, %arg5: memref<10240x128xf32, #tpu.memory_space<hbm>>, %arg6: memref<10240x128xf32, #tpu.memory_space<hbm>>, %arg7: memref<2x128xi32, #tpu.memory_space<vmem>>, %arg8: memref<128x128xf32, #tpu.memory_space<vmem>>, %arg9: memref<10240x128xf32, #tpu.memory_space<vmem_shared>>, %arg10: memref<!tpu.dma_semaphore, #tpu.memory_space<semaphore_mem>>) attributes {dimension_semantics = [#tpu.dimension_semantics<core_parallel>, #tpu.dimension_semantics<subcore_parallel>], iteration_bounds = array<i64: 2, 16>, scalar_prefetch = 0 : i64, scratch_operands = 4 : i64, tpu.core_type = #tpu.core_type<sc_vector_subcore>, window_params = [{transform_indices = #map}, {transform_indices = #map1}, {transform_indices = #map1}, {transform_indices = #map1}, {transform_indices = #map1}]} {
    %mul3A = arith.constant 2 : i32
    %mul3A_0 = arith.muli %arg1, %mul3A : i32
    %add3A = arith.addi %mul3A_0, %arg0 : i32
    %mul3A_1 = arith.constant 640 : i32
    %mul3A_2 = arith.muli %arg1, %mul3A_1 : i32
    %add3A_3 = arith.constant 0 : i32
    %add3A_4 = arith.addi %mul3A_2, %add3A_3 : i32
    "tpu.region"() ({
      %run_scoped3A = tpu.sem_alloc : memref<!tpu.dma_semaphore, #tpu.memory_space<semaphore_mem>>
      %dma_start3A = arith.constant 0 : i32
      %dma_start3A_77 = tpu.memref_slice %arg9[%add3A_4, %dma_start3A] : memref<10240x128xf32, #tpu.memory_space<vmem_shared>> -> memref<128x128xf32, #tpu.memory_space<vmem_shared>>
      tpu.enqueue_dma source(%arg4 : memref<128x128xf32, #tpu.memory_space<hbm>>) target(%dma_start3A_77 : memref<128x128xf32, #tpu.memory_space<vmem_shared>>) target_semaphore(%run_scoped3A : memref<!tpu.dma_semaphore, #tpu.memory_space<semaphore_mem>>)
      %dma_wait3A = arith.constant 0 : i32
      %dma_wait3A_78 = tpu.memref_slice %arg9[%add3A_4, %dma_wait3A] : memref<10240x128xf32, #tpu.memory_space<vmem_shared>> -> memref<128x128xf32, #tpu.memory_space<vmem_shared>>
      tpu.wait_dma2 semaphore(%run_scoped3A : memref<!tpu.dma_semaphore, #tpu.memory_space<semaphore_mem>>) src(%arg4 : memref<128x128xf32, #tpu.memory_space<hbm>>) dst(%dma_wait3A_78 : memref<128x128xf32, #tpu.memory_space<vmem_shared>>)
      tpu.yield
    }) : () -> ()
    %add3A_5 = arith.constant 128 : i32
    %add3A_6 = arith.addi %mul3A_2, %add3A_5 : i32
    "tpu.region"() ({
      %run_scoped3A = tpu.sem_alloc : memref<!tpu.dma_semaphore, #tpu.memory_space<semaphore_mem>>
      %dma_start3A = arith.constant 0 : i32
      %dma_start3A_77 = tpu.memref_slice %arg9[%add3A_6, %dma_start3A] : memref<10240x128xf32, #tpu.memory_space<vmem_shared>> -> memref<128x128xf32, #tpu.memory_space<vmem_shared>>
      tpu.enqueue_dma source(%arg4 : memref<128x128xf32, #tpu.memory_space<hbm>>) target(%dma_start3A_77 : memref<128x128xf32, #tpu.memory_space<vmem_shared>>) target_semaphore(%run_scoped3A : memref<!tpu.dma_semaphore, #tpu.memory_space<semaphore_mem>>)
      %dma_wait3A = arith.constant 0 : i32
      %dma_wait3A_78 = tpu.memref_slice %arg9[%add3A_6, %dma_wait3A] : memref<10240x128xf32, #tpu.memory_space<vmem_shared>> -> memref<128x128xf32, #tpu.memory_space<vmem_shared>>
      tpu.wait_dma2 semaphore(%run_scoped3A : memref<!tpu.dma_semaphore, #tpu.memory_space<semaphore_mem>>) src(%arg4 : memref<128x128xf32, #tpu.memory_space<hbm>>) dst(%dma_wait3A_78 : memref<128x128xf32, #tpu.memory_space<vmem_shared>>)
      tpu.yield
    }) : () -> ()
    %add3A_7 = arith.constant 256 : i32
    %add3A_8 = arith.addi %mul3A_2, %add3A_7 : i32
    "tpu.region"() ({
      %run_scoped3A = tpu.sem_alloc : memref<!tpu.dma_semaphore, #tpu.memory_space<semaphore_mem>>
      %dma_start3A = arith.constant 0 : i32
      %dma_start3A_77 = tpu.memref_slice %arg9[%add3A_8, %dma_start3A] : memref<10240x128xf32, #tpu.memory_space<vmem_shared>> -> memref<128x128xf32, #tpu.memory_space<vmem_shared>>
      tpu.enqueue_dma source(%arg4 : memref<128x128xf32, #tpu.memory_space<hbm>>) target(%dma_start3A_77 : memref<128x128xf32, #tpu.memory_space<vmem_shared>>) target_semaphore(%run_scoped3A : memref<!tpu.dma_semaphore, #tpu.memory_space<semaphore_mem>>)
      %dma_wait3A = arith.constant 0 : i32
      %dma_wait3A_78 = tpu.memref_slice %arg9[%add3A_8, %dma_wait3A] : memref<10240x128xf32, #tpu.memory_space<vmem_shared>> -> memref<128x128xf32, #tpu.memory_space<vmem_shared>>
      tpu.wait_dma2 semaphore(%run_scoped3A : memref<!tpu.dma_semaphore, #tpu.memory_space<semaphore_mem>>) src(%arg4 : memref<128x128xf32, #tpu.memory_space<hbm>>) dst(%dma_wait3A_78 : memref<128x128xf32, #tpu.memory_space<vmem_shared>>)
      tpu.yield
    }) : () -> ()
    %add3A_9 = arith.constant 384 : i32
    %add3A_10 = arith.addi %mul3A_2, %add3A_9 : i32
    "tpu.region"() ({
      %run_scoped3A = tpu.sem_alloc : memref<!tpu.dma_semaphore, #tpu.memory_space<semaphore_mem>>
      %dma_start3A = arith.constant 0 : i32
      %dma_start3A_77 = tpu.memref_slice %arg9[%add3A_10, %dma_start3A] : memref<10240x128xf32, #tpu.memory_space<vmem_shared>> -> memref<128x128xf32, #tpu.memory_space<vmem_shared>>
      tpu.enqueue_dma source(%arg4 : memref<128x128xf32, #tpu.memory_space<hbm>>) target(%dma_start3A_77 : memref<128x128xf32, #tpu.memory_space<vmem_shared>>) target_semaphore(%run_scoped3A : memref<!tpu.dma_semaphore, #tpu.memory_space<semaphore_mem>>)
      %dma_wait3A = arith.constant 0 : i32
      %dma_wait3A_78 = tpu.memref_slice %arg9[%add3A_10, %dma_wait3A] : memref<10240x128xf32, #tpu.memory_space<vmem_shared>> -> memref<128x128xf32, #tpu.memory_space<vmem_shared>>
      tpu.wait_dma2 semaphore(%run_scoped3A : memref<!tpu.dma_semaphore, #tpu.memory_space<semaphore_mem>>) src(%arg4 : memref<128x128xf32, #tpu.memory_space<hbm>>) dst(%dma_wait3A_78 : memref<128x128xf32, #tpu.memory_space<vmem_shared>>)
      tpu.yield
    }) : () -> ()
    %add3A_11 = arith.constant 512 : i32
    %add3A_12 = arith.addi %mul3A_2, %add3A_11 : i32
    "tpu.region"() ({
      %run_scoped3A = tpu.sem_alloc : memref<!tpu.dma_semaphore, #tpu.memory_space<semaphore_mem>>
      %dma_start3A = arith.constant 0 : i32
      %dma_start3A_77 = tpu.memref_slice %arg9[%add3A_12, %dma_start3A] : memref<10240x128xf32, #tpu.memory_space<vmem_shared>> -> memref<128x128xf32, #tpu.memory_space<vmem_shared>>
      tpu.enqueue_dma source(%arg4 : memref<128x128xf32, #tpu.memory_space<hbm>>) target(%dma_start3A_77 : memref<128x128xf32, #tpu.memory_space<vmem_shared>>) target_semaphore(%run_scoped3A : memref<!tpu.dma_semaphore, #tpu.memory_space<semaphore_mem>>)
      %dma_wait3A = arith.constant 0 : i32
      %dma_wait3A_78 = tpu.memref_slice %arg9[%add3A_12, %dma_wait3A] : memref<10240x128xf32, #tpu.memory_space<vmem_shared>> -> memref<128x128xf32, #tpu.memory_space<vmem_shared>>
      tpu.wait_dma2 semaphore(%run_scoped3A : memref<!tpu.dma_semaphore, #tpu.memory_space<semaphore_mem>>) src(%arg4 : memref<128x128xf32, #tpu.memory_space<hbm>>) dst(%dma_wait3A_78 : memref<128x128xf32, #tpu.memory_space<vmem_shared>>)
      tpu.yield
    }) : () -> ()
    %barrier3A = arith.constant 0 : index
    tpu.barrier barrier_id(%barrier3A)
    %scan3A = arith.constant 0 : i32
    %scan3A_13 = arith.constant 79 : i32
    %scan3A_14 = arith.addi %scan3A, %scan3A_13 : i32
    %scan3A_15 = arith.constant 1 : i32
    scf.for %scan3A_77 = %scan3A to %scan3A_14 step %scan3A_15  : i32 {
      %mul3A_78 = arith.constant 1 : i32
      %mul3A_79 = arith.muli %scan3A_77, %mul3A_78 : i32
      %add3A_80 = arith.constant 0 : i32
      %add3A_81 = arith.addi %add3A_80, %mul3A_79 : i32
      %mul3A_82 = arith.constant 32 : i32
      %mul3A_83 = arith.muli %add3A_81, %mul3A_82 : i32
      %add3A_84 = arith.addi %mul3A_83, %add3A : i32
      %lt3A = arith.constant 2500 : i32
      %lt3A_85 = arith.cmpi slt, %add3A_84, %lt3A : i32
      %convert_element_type3A_86 = arith.extui %lt3A_85 : i1 to i32
      %cond3A_87 = arith.constant 0 : i32
      %cond3A_88 = arith.cmpi ne, %convert_element_type3A_86, %cond3A_87 : i32
      scf.if %cond3A_88 {
        "tpu.region"() ({
          %run_scoped3A_101 = tpu.sem_alloc : memref<!tpu.dma_semaphore, #tpu.memory_space<semaphore_mem>>
          %dma_start3A_102 = arith.constant 0 : i32
          %dma_start3A_103 = arith.constant 0 : i32
          %dma_start3A_104 = tpu.memref_slice %arg2[%add3A_84, %dma_start3A_102, %dma_start3A_103] : memref<2500x2x128xi32, #tpu.memory_space<hbm>> -> memref<1x2x128xi32, #tpu.memory_space<hbm>>
          %dma_start3A_105 = tpu.memref_squeeze %dma_start3A_104 : memref<1x2x128xi32, #tpu.memory_space<hbm>> -> memref<2x128xi32, #tpu.memory_space<hbm>>
          %dma_start3A_106 = arith.constant 0 : i32
          %dma_start3A_107 = arith.constant 0 : i32
          %dma_start3A_108 = tpu.memref_slice %arg2[%add3A_84, %dma_start3A_106, %dma_start3A_107] : memref<2500x2x128xi32, #tpu.memory_space<hbm>> -> memref<1x2x128xi32, #tpu.memory_space<hbm>>
          %dma_start3A_109 = tpu.memref_squeeze %dma_start3A_108 : memref<1x2x128xi32, #tpu.memory_space<hbm>> -> memref<2x128xi32, #tpu.memory_space<hbm>>
          tpu.enqueue_dma source(%dma_start3A_109 : memref<2x128xi32, #tpu.memory_space<hbm>>) target(%arg7 : memref<2x128xi32, #tpu.memory_space<vmem>>) target_semaphore(%run_scoped3A_101 : memref<!tpu.dma_semaphore, #tpu.memory_space<semaphore_mem>>)
          %dma_wait3A_110 = arith.constant 0 : i32
          %dma_wait3A_111 = arith.constant 0 : i32
          %dma_wait3A_112 = tpu.memref_slice %arg2[%add3A_84, %dma_wait3A_110, %dma_wait3A_111] : memref<2500x2x128xi32, #tpu.memory_space<hbm>> -> memref<1x2x128xi32, #tpu.memory_space<hbm>>
          %dma_wait3A_113 = tpu.memref_squeeze %dma_wait3A_112 : memref<1x2x128xi32, #tpu.memory_space<hbm>> -> memref<2x128xi32, #tpu.memory_space<hbm>>
          %dma_wait3A_114 = arith.constant 0 : i32
          %dma_wait3A_115 = arith.constant 0 : i32
          %dma_wait3A_116 = tpu.memref_slice %arg2[%add3A_84, %dma_wait3A_114, %dma_wait3A_115] : memref<2500x2x128xi32, #tpu.memory_space<hbm>> -> memref<1x2x128xi32, #tpu.memory_space<hbm>>
          %dma_wait3A_117 = tpu.memref_squeeze %dma_wait3A_116 : memref<1x2x128xi32, #tpu.memory_space<hbm>> -> memref<2x128xi32, #tpu.memory_space<hbm>>
          tpu.wait_dma2 semaphore(%run_scoped3A_101 : memref<!tpu.dma_semaphore, #tpu.memory_space<semaphore_mem>>) src(%dma_wait3A_117 : memref<2x128xi32, #tpu.memory_space<hbm>>) dst(%arg7 : memref<2x128xi32, #tpu.memory_space<vmem>>)
          tpu.yield
        }) : () -> ()
        %dma_start3A = arith.constant 0 : i32
        %dma_start3A_89 = arith.constant 0 : i32
        %dma_start3A_90 = tpu.memref_slice %arg7[%dma_start3A, %dma_start3A_89] : memref<2x128xi32, #tpu.memory_space<vmem>> -> memref<1x128xi32, #tpu.memory_space<vmem>>
        %dma_start3A_91 = tpu.memref_squeeze %dma_start3A_90 : memref<1x128xi32, #tpu.memory_space<vmem>> -> memref<128xi32, #tpu.memory_space<vmem>>
        %dma_start3A_92 = arith.constant 0 : i32
        %dma_start3A_93 = arith.constant 0 : i32
        %dma_start3A_94 = tpu.memref_slice %arg3[%dma_start3A_92, %dma_start3A_93] : memref<10000x128xf32, #tpu.memory_space<hbm>> -> memref<10000x128xf32, #tpu.memory_space<hbm>>
        tpu.enqueue_indirect_dma source(%dma_start3A_94 : memref<10000x128xf32, #tpu.memory_space<hbm>>) target(%arg8 : memref<128x128xf32, #tpu.memory_space<vmem>>) offsets(%dma_start3A_91 : memref<128xi32, #tpu.memory_space<vmem>>) semaphore(%arg10 : memref<!tpu.dma_semaphore, #tpu.memory_space<semaphore_mem>>)
        %dma_wait3A = arith.constant 0 : i32
        %dma_wait3A_95 = arith.constant 0 : i32
        %dma_wait3A_96 = tpu.memref_slice %arg7[%dma_wait3A, %dma_wait3A_95] : memref<2x128xi32, #tpu.memory_space<vmem>> -> memref<1x128xi32, #tpu.memory_space<vmem>>
        %dma_wait3A_97 = tpu.memref_squeeze %dma_wait3A_96 : memref<1x128xi32, #tpu.memory_space<vmem>> -> memref<128xi32, #tpu.memory_space<vmem>>
        %dma_wait3A_98 = arith.constant 0 : i32
        %dma_wait3A_99 = arith.constant 0 : i32
        %dma_wait3A_100 = tpu.memref_slice %arg3[%dma_wait3A_98, %dma_wait3A_99] : memref<10000x128xf32, #tpu.memory_space<hbm>> -> memref<10000x128xf32, #tpu.memory_space<hbm>>
        tpu.wait_indirect_dma semaphore(%arg10 : memref<!tpu.dma_semaphore, #tpu.memory_space<semaphore_mem>>) src(%dma_wait3A_100 : memref<10000x128xf32, #tpu.memory_space<hbm>>) dst(%arg8 : memref<128x128xf32, #tpu.memory_space<vmem>>)
        %run_scoped3A = arith.constant 1 : i32
        "tpu.region"() ({
          %run_scoped3A_101 = tpu.sem_alloc : memref<!tpu.dma_semaphore, #tpu.memory_space<semaphore_mem>>
          %dma_start3A_102 = arith.constant 0 : i32
          %dma_start3A_103 = tpu.memref_slice %arg7[%run_scoped3A, %dma_start3A_102] : memref<2x128xi32, #tpu.memory_space<vmem>> -> memref<1x128xi32, #tpu.memory_space<vmem>>
          %dma_start3A_104 = tpu.memref_squeeze %dma_start3A_103 : memref<1x128xi32, #tpu.memory_space<vmem>> -> memref<128xi32, #tpu.memory_space<vmem>>
          %dma_start3A_105 = arith.constant 0 : i32
          %dma_start3A_106 = arith.constant 0 : i32
          %dma_start3A_107 = tpu.memref_slice %arg9[%dma_start3A_105, %dma_start3A_106] : memref<10240x128xf32, #tpu.memory_space<vmem_shared>> -> memref<10240x128xf32, #tpu.memory_space<vmem_shared>>
          tpu.enqueue_indirect_dma source(%arg8 : memref<128x128xf32, #tpu.memory_space<vmem>>) target(%dma_start3A_107 : memref<10240x128xf32, #tpu.memory_space<vmem_shared>>) offsets(%dma_start3A_104 : memref<128xi32, #tpu.memory_space<vmem>>) semaphore(%run_scoped3A_101 : memref<!tpu.dma_semaphore, #tpu.memory_space<semaphore_mem>>) {add = true}
          %dma_wait3A_108 = arith.constant 0 : i32
          %dma_wait3A_109 = tpu.memref_slice %arg7[%run_scoped3A, %dma_wait3A_108] : memref<2x128xi32, #tpu.memory_space<vmem>> -> memref<1x128xi32, #tpu.memory_space<vmem>>
          %dma_wait3A_110 = tpu.memref_squeeze %dma_wait3A_109 : memref<1x128xi32, #tpu.memory_space<vmem>> -> memref<128xi32, #tpu.memory_space<vmem>>
          %dma_wait3A_111 = arith.constant 0 : i32
          %dma_wait3A_112 = arith.constant 0 : i32
          %dma_wait3A_113 = tpu.memref_slice %arg9[%dma_wait3A_111, %dma_wait3A_112] : memref<10240x128xf32, #tpu.memory_space<vmem_shared>> -> memref<10240x128xf32, #tpu.memory_space<vmem_shared>>
          tpu.wait_indirect_dma semaphore(%run_scoped3A_101 : memref<!tpu.dma_semaphore, #tpu.memory_space<semaphore_mem>>) src(%arg8 : memref<128x128xf32, #tpu.memory_space<vmem>>) dst(%dma_wait3A_113 : memref<10240x128xf32, #tpu.memory_space<vmem_shared>>)
          tpu.yield
        }) : () -> ()
      } else {
      }
    }
    %scan3A_16 = arith.constant 79 : i32
    %barrier3A_17 = arith.constant 0 : index
    tpu.barrier barrier_id(%barrier3A_17)
    %mul3A_18 = arith.constant 640 : i32
    %mul3A_19 = arith.muli %arg1, %mul3A_18 : i32
    %add3A_20 = arith.constant 0 : i32
    %add3A_21 = arith.addi %mul3A_19, %add3A_20 : i32
    "tpu.region"() ({
      %run_scoped3A = tpu.sem_alloc : memref<!tpu.dma_semaphore, #tpu.memory_space<semaphore_mem>>
      %dma_start3A = arith.constant 0 : i32
      %dma_start3A_77 = tpu.memref_slice %arg9[%add3A_21, %dma_start3A] : memref<10240x128xf32, #tpu.memory_space<vmem_shared>> -> memref<128x128xf32, #tpu.memory_space<vmem_shared>>
      %dma_start3A_78 = arith.constant 0 : i32
      %dma_start3A_79 = tpu.memref_slice %arg9[%add3A_21, %dma_start3A_78] : memref<10240x128xf32, #tpu.memory_space<vmem_shared>> -> memref<128x128xf32, #tpu.memory_space<vmem_shared>>
      tpu.enqueue_dma source(%dma_start3A_79 : memref<128x128xf32, #tpu.memory_space<vmem_shared>>) target(%arg8 : memref<128x128xf32, #tpu.memory_space<vmem>>) target_semaphore(%run_scoped3A : memref<!tpu.dma_semaphore, #tpu.memory_space<semaphore_mem>>)
      %dma_wait3A = arith.constant 0 : i32
      %dma_wait3A_80 = tpu.memref_slice %arg9[%add3A_21, %dma_wait3A] : memref<10240x128xf32, #tpu.memory_space<vmem_shared>> -> memref<128x128xf32, #tpu.memory_space<vmem_shared>>
      %dma_wait3A_81 = arith.constant 0 : i32
      %dma_wait3A_82 = tpu.memref_slice %arg9[%add3A_21, %dma_wait3A_81] : memref<10240x128xf32, #tpu.memory_space<vmem_shared>> -> memref<128x128xf32, #tpu.memory_space<vmem_shared>>
      tpu.wait_dma2 semaphore(%run_scoped3A : memref<!tpu.dma_semaphore, #tpu.memory_space<semaphore_mem>>) src(%dma_wait3A_82 : memref<128x128xf32, #tpu.memory_space<vmem_shared>>) dst(%arg8 : memref<128x128xf32, #tpu.memory_space<vmem>>)
      tpu.yield
    }) : () -> ()
    %eq3A = arith.constant 0 : i32
    %eq3A_22 = arith.cmpi eq, %arg0, %eq3A : i32
    %convert_element_type3A = arith.extui %eq3A_22 : i1 to i32
    %cond3A = arith.constant 0 : i32
    %cond3A_23 = arith.cmpi ne, %convert_element_type3A, %cond3A : i32
    scf.if %cond3A_23 {
      "tpu.region"() ({
        %run_scoped3A = tpu.sem_alloc : memref<!tpu.dma_semaphore, #tpu.memory_space<semaphore_mem>>
        %dma_start3A = arith.constant 0 : i32
        %dma_start3A_77 = tpu.memref_slice %arg5[%add3A_21, %dma_start3A] : memref<10240x128xf32, #tpu.memory_space<hbm>> -> memref<128x128xf32, #tpu.memory_space<hbm>>
        %dma_start3A_78 = arith.constant 0 : i32
        %dma_start3A_79 = tpu.memref_slice %arg5[%add3A_21, %dma_start3A_78] : memref<10240x128xf32, #tpu.memory_space<hbm>> -> memref<128x128xf32, #tpu.memory_space<hbm>>
        tpu.enqueue_dma source(%arg8 : memref<128x128xf32, #tpu.memory_space<vmem>>) target(%dma_start3A_79 : memref<128x128xf32, #tpu.memory_space<hbm>>) target_semaphore(%run_scoped3A : memref<!tpu.dma_semaphore, #tpu.memory_space<semaphore_mem>>)
        %dma_wait3A = arith.constant 0 : i32
        %dma_wait3A_80 = tpu.memref_slice %arg5[%add3A_21, %dma_wait3A] : memref<10240x128xf32, #tpu.memory_space<hbm>> -> memref<128x128xf32, #tpu.memory_space<hbm>>
        %dma_wait3A_81 = arith.constant 0 : i32
        %dma_wait3A_82 = tpu.memref_slice %arg5[%add3A_21, %dma_wait3A_81] : memref<10240x128xf32, #tpu.memory_space<hbm>> -> memref<128x128xf32, #tpu.memory_space<hbm>>
        tpu.wait_dma2 semaphore(%run_scoped3A : memref<!tpu.dma_semaphore, #tpu.memory_space<semaphore_mem>>) src(%arg8 : memref<128x128xf32, #tpu.memory_space<vmem>>) dst(%dma_wait3A_82 : memref<128x128xf32, #tpu.memory_space<hbm>>)
        tpu.yield
      }) : () -> ()
    } else {
    }
    %eq3A_24 = arith.constant 1 : i32
    %eq3A_25 = arith.cmpi eq, %arg0, %eq3A_24 : i32
    %convert_element_type3A_26 = arith.extui %eq3A_25 : i1 to i32
    %cond3A_27 = arith.constant 0 : i32
    %cond3A_28 = arith.cmpi ne, %convert_element_type3A_26, %cond3A_27 : i32
    scf.if %cond3A_28 {
      "tpu.region"() ({
        %run_scoped3A = tpu.sem_alloc : memref<!tpu.dma_semaphore, #tpu.memory_space<semaphore_mem>>
        %dma_start3A = arith.constant 0 : i32
        %dma_start3A_77 = tpu.memref_slice %arg6[%add3A_21, %dma_start3A] : memref<10240x128xf32, #tpu.memory_space<hbm>> -> memref<128x128xf32, #tpu.memory_space<hbm>>
        %dma_start3A_78 = arith.constant 0 : i32
        %dma_start3A_79 = tpu.memref_slice %arg6[%add3A_21, %dma_start3A_78] : memref<10240x128xf32, #tpu.memory_space<hbm>> -> memref<128x128xf32, #tpu.memory_space<hbm>>
        tpu.enqueue_dma source(%arg8 : memref<128x128xf32, #tpu.memory_space<vmem>>) target(%dma_start3A_79 : memref<128x128xf32, #tpu.memory_space<hbm>>) target_semaphore(%run_scoped3A : memref<!tpu.dma_semaphore, #tpu.memory_space<semaphore_mem>>)
        %dma_wait3A = arith.constant 0 : i32
        %dma_wait3A_80 = tpu.memref_slice %arg6[%add3A_21, %dma_wait3A] : memref<10240x128xf32, #tpu.memory_space<hbm>> -> memref<128x128xf32, #tpu.memory_space<hbm>>
        %dma_wait3A_81 = arith.constant 0 : i32
        %dma_wait3A_82 = tpu.memref_slice %arg6[%add3A_21, %dma_wait3A_81] : memref<10240x128xf32, #tpu.memory_space<hbm>> -> memref<128x128xf32, #tpu.memory_space<hbm>>
        tpu.wait_dma2 semaphore(%run_scoped3A : memref<!tpu.dma_semaphore, #tpu.memory_space<semaphore_mem>>) src(%arg8 : memref<128x128xf32, #tpu.memory_space<vmem>>) dst(%dma_wait3A_82 : memref<128x128xf32, #tpu.memory_space<hbm>>)
        tpu.yield
      }) : () -> ()
    } else {
    }
    %add3A_29 = arith.constant 128 : i32
    %add3A_30 = arith.addi %mul3A_19, %add3A_29 : i32
    "tpu.region"() ({
      %run_scoped3A = tpu.sem_alloc : memref<!tpu.dma_semaphore, #tpu.memory_space<semaphore_mem>>
      %dma_start3A = arith.constant 0 : i32
      %dma_start3A_77 = tpu.memref_slice %arg9[%add3A_30, %dma_start3A] : memref<10240x128xf32, #tpu.memory_space<vmem_shared>> -> memref<128x128xf32, #tpu.memory_space<vmem_shared>>
      %dma_start3A_78 = arith.constant 0 : i32
      %dma_start3A_79 = tpu.memref_slice %arg9[%add3A_30, %dma_start3A_78] : memref<10240x128xf32, #tpu.memory_space<vmem_shared>> -> memref<128x128xf32, #tpu.memory_space<vmem_shared>>
      tpu.enqueue_dma source(%dma_start3A_79 : memref<128x128xf32, #tpu.memory_space<vmem_shared>>) target(%arg8 : memref<128x128xf32, #tpu.memory_space<vmem>>) target_semaphore(%run_scoped3A : memref<!tpu.dma_semaphore, #tpu.memory_space<semaphore_mem>>)
      %dma_wait3A = arith.constant 0 : i32
      %dma_wait3A_80 = tpu.memref_slice %arg9[%add3A_30, %dma_wait3A] : memref<10240x128xf32, #tpu.memory_space<vmem_shared>> -> memref<128x128xf32, #tpu.memory_space<vmem_shared>>
      %dma_wait3A_81 = arith.constant 0 : i32
      %dma_wait3A_82 = tpu.memref_slice %arg9[%add3A_30, %dma_wait3A_81] : memref<10240x128xf32, #tpu.memory_space<vmem_shared>> -> memref<128x128xf32, #tpu.memory_space<vmem_shared>>
      tpu.wait_dma2 semaphore(%run_scoped3A : memref<!tpu.dma_semaphore, #tpu.memory_space<semaphore_mem>>) src(%dma_wait3A_82 : memref<128x128xf32, #tpu.memory_space<vmem_shared>>) dst(%arg8 : memref<128x128xf32, #tpu.memory_space<vmem>>)
      tpu.yield
    }) : () -> ()
    %eq3A_31 = arith.constant 0 : i32
    %eq3A_32 = arith.cmpi eq, %arg0, %eq3A_31 : i32
    %convert_element_type3A_33 = arith.extui %eq3A_32 : i1 to i32
    %cond3A_34 = arith.constant 0 : i32
    %cond3A_35 = arith.cmpi ne, %convert_element_type3A_33, %cond3A_34 : i32
    scf.if %cond3A_35 {
      "tpu.region"() ({
        %run_scoped3A = tpu.sem_alloc : memref<!tpu.dma_semaphore, #tpu.memory_space<semaphore_mem>>
        %dma_start3A = arith.constant 0 : i32
        %dma_start3A_77 = tpu.memref_slice %arg5[%add3A_30, %dma_start3A] : memref<10240x128xf32, #tpu.memory_space<hbm>> -> memref<128x128xf32, #tpu.memory_space<hbm>>
        %dma_start3A_78 = arith.constant 0 : i32
        %dma_start3A_79 = tpu.memref_slice %arg5[%add3A_30, %dma_start3A_78] : memref<10240x128xf32, #tpu.memory_space<hbm>> -> memref<128x128xf32, #tpu.memory_space<hbm>>
        tpu.enqueue_dma source(%arg8 : memref<128x128xf32, #tpu.memory_space<vmem>>) target(%dma_start3A_79 : memref<128x128xf32, #tpu.memory_space<hbm>>) target_semaphore(%run_scoped3A : memref<!tpu.dma_semaphore, #tpu.memory_space<semaphore_mem>>)
        %dma_wait3A = arith.constant 0 : i32
        %dma_wait3A_80 = tpu.memref_slice %arg5[%add3A_30, %dma_wait3A] : memref<10240x128xf32, #tpu.memory_space<hbm>> -> memref<128x128xf32, #tpu.memory_space<hbm>>
        %dma_wait3A_81 = arith.constant 0 : i32
        %dma_wait3A_82 = tpu.memref_slice %arg5[%add3A_30, %dma_wait3A_81] : memref<10240x128xf32, #tpu.memory_space<hbm>> -> memref<128x128xf32, #tpu.memory_space<hbm>>
        tpu.wait_dma2 semaphore(%run_scoped3A : memref<!tpu.dma_semaphore, #tpu.memory_space<semaphore_mem>>) src(%arg8 : memref<128x128xf32, #tpu.memory_space<vmem>>) dst(%dma_wait3A_82 : memref<128x128xf32, #tpu.memory_space<hbm>>)
        tpu.yield
      }) : () -> ()
    } else {
    }
    %eq3A_36 = arith.constant 1 : i32
    %eq3A_37 = arith.cmpi eq, %arg0, %eq3A_36 : i32
    %convert_element_type3A_38 = arith.extui %eq3A_37 : i1 to i32
    %cond3A_39 = arith.constant 0 : i32
    %cond3A_40 = arith.cmpi ne, %convert_element_type3A_38, %cond3A_39 : i32
    scf.if %cond3A_40 {
      "tpu.region"() ({
        %run_scoped3A = tpu.sem_alloc : memref<!tpu.dma_semaphore, #tpu.memory_space<semaphore_mem>>
        %dma_start3A = arith.constant 0 : i32
        %dma_start3A_77 = tpu.memref_slice %arg6[%add3A_30, %dma_start3A] : memref<10240x128xf32, #tpu.memory_space<hbm>> -> memref<128x128xf32, #tpu.memory_space<hbm>>
        %dma_start3A_78 = arith.constant 0 : i32
        %dma_start3A_79 = tpu.memref_slice %arg6[%add3A_30, %dma_start3A_78] : memref<10240x128xf32, #tpu.memory_space<hbm>> -> memref<128x128xf32, #tpu.memory_space<hbm>>
        tpu.enqueue_dma source(%arg8 : memref<128x128xf32, #tpu.memory_space<vmem>>) target(%dma_start3A_79 : memref<128x128xf32, #tpu.memory_space<hbm>>) target_semaphore(%run_scoped3A : memref<!tpu.dma_semaphore, #tpu.memory_space<semaphore_mem>>)
        %dma_wait3A = arith.constant 0 : i32
        %dma_wait3A_80 = tpu.memref_slice %arg6[%add3A_30, %dma_wait3A] : memref<10240x128xf32, #tpu.memory_space<hbm>> -> memref<128x128xf32, #tpu.memory_space<hbm>>
        %dma_wait3A_81 = arith.constant 0 : i32
        %dma_wait3A_82 = tpu.memref_slice %arg6[%add3A_30, %dma_wait3A_81] : memref<10240x128xf32, #tpu.memory_space<hbm>> -> memref<128x128xf32, #tpu.memory_space<hbm>>
        tpu.wait_dma2 semaphore(%run_scoped3A : memref<!tpu.dma_semaphore, #tpu.memory_space<semaphore_mem>>) src(%arg8 : memref<128x128xf32, #tpu.memory_space<vmem>>) dst(%dma_wait3A_82 : memref<128x128xf32, #tpu.memory_space<hbm>>)
        tpu.yield
      }) : () -> ()
    } else {
    }
    %add3A_41 = arith.constant 256 : i32
    %add3A_42 = arith.addi %mul3A_19, %add3A_41 : i32
    "tpu.region"() ({
      %run_scoped3A = tpu.sem_alloc : memref<!tpu.dma_semaphore, #tpu.memory_space<semaphore_mem>>
      %dma_start3A = arith.constant 0 : i32
      %dma_start3A_77 = tpu.memref_slice %arg9[%add3A_42, %dma_start3A] : memref<10240x128xf32, #tpu.memory_space<vmem_shared>> -> memref<128x128xf32, #tpu.memory_space<vmem_shared>>
      %dma_start3A_78 = arith.constant 0 : i32
      %dma_start3A_79 = tpu.memref_slice %arg9[%add3A_42, %dma_start3A_78] : memref<10240x128xf32, #tpu.memory_space<vmem_shared>> -> memref<128x128xf32, #tpu.memory_space<vmem_shared>>
      tpu.enqueue_dma source(%dma_start3A_79 : memref<128x128xf32, #tpu.memory_space<vmem_shared>>) target(%arg8 : memref<128x128xf32, #tpu.memory_space<vmem>>) target_semaphore(%run_scoped3A : memref<!tpu.dma_semaphore, #tpu.memory_space<semaphore_mem>>)
      %dma_wait3A = arith.constant 0 : i32
      %dma_wait3A_80 = tpu.memref_slice %arg9[%add3A_42, %dma_wait3A] : memref<10240x128xf32, #tpu.memory_space<vmem_shared>> -> memref<128x128xf32, #tpu.memory_space<vmem_shared>>
      %dma_wait3A_81 = arith.constant 0 : i32
      %dma_wait3A_82 = tpu.memref_slice %arg9[%add3A_42, %dma_wait3A_81] : memref<10240x128xf32, #tpu.memory_space<vmem_shared>> -> memref<128x128xf32, #tpu.memory_space<vmem_shared>>
      tpu.wait_dma2 semaphore(%run_scoped3A : memref<!tpu.dma_semaphore, #tpu.memory_space<semaphore_mem>>) src(%dma_wait3A_82 : memref<128x128xf32, #tpu.memory_space<vmem_shared>>) dst(%arg8 : memref<128x128xf32, #tpu.memory_space<vmem>>)
      tpu.yield
    }) : () -> ()
    %eq3A_43 = arith.constant 0 : i32
    %eq3A_44 = arith.cmpi eq, %arg0, %eq3A_43 : i32
    %convert_element_type3A_45 = arith.extui %eq3A_44 : i1 to i32
    %cond3A_46 = arith.constant 0 : i32
    %cond3A_47 = arith.cmpi ne, %convert_element_type3A_45, %cond3A_46 : i32
    scf.if %cond3A_47 {
      "tpu.region"() ({
        %run_scoped3A = tpu.sem_alloc : memref<!tpu.dma_semaphore, #tpu.memory_space<semaphore_mem>>
        %dma_start3A = arith.constant 0 : i32
        %dma_start3A_77 = tpu.memref_slice %arg5[%add3A_42, %dma_start3A] : memref<10240x128xf32, #tpu.memory_space<hbm>> -> memref<128x128xf32, #tpu.memory_space<hbm>>
        %dma_start3A_78 = arith.constant 0 : i32
        %dma_start3A_79 = tpu.memref_slice %arg5[%add3A_42, %dma_start3A_78] : memref<10240x128xf32, #tpu.memory_space<hbm>> -> memref<128x128xf32, #tpu.memory_space<hbm>>
        tpu.enqueue_dma source(%arg8 : memref<128x128xf32, #tpu.memory_space<vmem>>) target(%dma_start3A_79 : memref<128x128xf32, #tpu.memory_space<hbm>>) target_semaphore(%run_scoped3A : memref<!tpu.dma_semaphore, #tpu.memory_space<semaphore_mem>>)
        %dma_wait3A = arith.constant 0 : i32
        %dma_wait3A_80 = tpu.memref_slice %arg5[%add3A_42, %dma_wait3A] : memref<10240x128xf32, #tpu.memory_space<hbm>> -> memref<128x128xf32, #tpu.memory_space<hbm>>
        %dma_wait3A_81 = arith.constant 0 : i32
        %dma_wait3A_82 = tpu.memref_slice %arg5[%add3A_42, %dma_wait3A_81] : memref<10240x128xf32, #tpu.memory_space<hbm>> -> memref<128x128xf32, #tpu.memory_space<hbm>>
        tpu.wait_dma2 semaphore(%run_scoped3A : memref<!tpu.dma_semaphore, #tpu.memory_space<semaphore_mem>>) src(%arg8 : memref<128x128xf32, #tpu.memory_space<vmem>>) dst(%dma_wait3A_82 : memref<128x128xf32, #tpu.memory_space<hbm>>)
        tpu.yield
      }) : () -> ()
    } else {
    }
    %eq3A_48 = arith.constant 1 : i32
    %eq3A_49 = arith.cmpi eq, %arg0, %eq3A_48 : i32
    %convert_element_type3A_50 = arith.extui %eq3A_49 : i1 to i32
    %cond3A_51 = arith.constant 0 : i32
    %cond3A_52 = arith.cmpi ne, %convert_element_type3A_50, %cond3A_51 : i32
    scf.if %cond3A_52 {
      "tpu.region"() ({
        %run_scoped3A = tpu.sem_alloc : memref<!tpu.dma_semaphore, #tpu.memory_space<semaphore_mem>>
        %dma_start3A = arith.constant 0 : i32
        %dma_start3A_77 = tpu.memref_slice %arg6[%add3A_42, %dma_start3A] : memref<10240x128xf32, #tpu.memory_space<hbm>> -> memref<128x128xf32, #tpu.memory_space<hbm>>
        %dma_start3A_78 = arith.constant 0 : i32
        %dma_start3A_79 = tpu.memref_slice %arg6[%add3A_42, %dma_start3A_78] : memref<10240x128xf32, #tpu.memory_space<hbm>> -> memref<128x128xf32, #tpu.memory_space<hbm>>
        tpu.enqueue_dma source(%arg8 : memref<128x128xf32, #tpu.memory_space<vmem>>) target(%dma_start3A_79 : memref<128x128xf32, #tpu.memory_space<hbm>>) target_semaphore(%run_scoped3A : memref<!tpu.dma_semaphore, #tpu.memory_space<semaphore_mem>>)
        %dma_wait3A = arith.constant 0 : i32
        %dma_wait3A_80 = tpu.memref_slice %arg6[%add3A_42, %dma_wait3A] : memref<10240x128xf32, #tpu.memory_space<hbm>> -> memref<128x128xf32, #tpu.memory_space<hbm>>
        %dma_wait3A_81 = arith.constant 0 : i32
        %dma_wait3A_82 = tpu.memref_slice %arg6[%add3A_42, %dma_wait3A_81] : memref<10240x128xf32, #tpu.memory_space<hbm>> -> memref<128x128xf32, #tpu.memory_space<hbm>>
        tpu.wait_dma2 semaphore(%run_scoped3A : memref<!tpu.dma_semaphore, #tpu.memory_space<semaphore_mem>>) src(%arg8 : memref<128x128xf32, #tpu.memory_space<vmem>>) dst(%dma_wait3A_82 : memref<128x128xf32, #tpu.memory_space<hbm>>)
        tpu.yield
      }) : () -> ()
    } else {
    }
    %add3A_53 = arith.constant 384 : i32
    %add3A_54 = arith.addi %mul3A_19, %add3A_53 : i32
    "tpu.region"() ({
      %run_scoped3A = tpu.sem_alloc : memref<!tpu.dma_semaphore, #tpu.memory_space<semaphore_mem>>
      %dma_start3A = arith.constant 0 : i32
      %dma_start3A_77 = tpu.memref_slice %arg9[%add3A_54, %dma_start3A] : memref<10240x128xf32, #tpu.memory_space<vmem_shared>> -> memref<128x128xf32, #tpu.memory_space<vmem_shared>>
      %dma_start3A_78 = arith.constant 0 : i32
      %dma_start3A_79 = tpu.memref_slice %arg9[%add3A_54, %dma_start3A_78] : memref<10240x128xf32, #tpu.memory_space<vmem_shared>> -> memref<128x128xf32, #tpu.memory_space<vmem_shared>>
      tpu.enqueue_dma source(%dma_start3A_79 : memref<128x128xf32, #tpu.memory_space<vmem_shared>>) target(%arg8 : memref<128x128xf32, #tpu.memory_space<vmem>>) target_semaphore(%run_scoped3A : memref<!tpu.dma_semaphore, #tpu.memory_space<semaphore_mem>>)
      %dma_wait3A = arith.constant 0 : i32
      %dma_wait3A_80 = tpu.memref_slice %arg9[%add3A_54, %dma_wait3A] : memref<10240x128xf32, #tpu.memory_space<vmem_shared>> -> memref<128x128xf32, #tpu.memory_space<vmem_shared>>
      %dma_wait3A_81 = arith.constant 0 : i32
      %dma_wait3A_82 = tpu.memref_slice %arg9[%add3A_54, %dma_wait3A_81] : memref<10240x128xf32, #tpu.memory_space<vmem_shared>> -> memref<128x128xf32, #tpu.memory_space<vmem_shared>>
      tpu.wait_dma2 semaphore(%run_scoped3A : memref<!tpu.dma_semaphore, #tpu.memory_space<semaphore_mem>>) src(%dma_wait3A_82 : memref<128x128xf32, #tpu.memory_space<vmem_shared>>) dst(%arg8 : memref<128x128xf32, #tpu.memory_space<vmem>>)
      tpu.yield
    }) : () -> ()
    %eq3A_55 = arith.constant 0 : i32
    %eq3A_56 = arith.cmpi eq, %arg0, %eq3A_55 : i32
    %convert_element_type3A_57 = arith.extui %eq3A_56 : i1 to i32
    %cond3A_58 = arith.constant 0 : i32
    %cond3A_59 = arith.cmpi ne, %convert_element_type3A_57, %cond3A_58 : i32
    scf.if %cond3A_59 {
      "tpu.region"() ({
        %run_scoped3A = tpu.sem_alloc : memref<!tpu.dma_semaphore, #tpu.memory_space<semaphore_mem>>
        %dma_start3A = arith.constant 0 : i32
        %dma_start3A_77 = tpu.memref_slice %arg5[%add3A_54, %dma_start3A] : memref<10240x128xf32, #tpu.memory_space<hbm>> -> memref<128x128xf32, #tpu.memory_space<hbm>>
        %dma_start3A_78 = arith.constant 0 : i32
        %dma_start3A_79 = tpu.memref_slice %arg5[%add3A_54, %dma_start3A_78] : memref<10240x128xf32, #tpu.memory_space<hbm>> -> memref<128x128xf32, #tpu.memory_space<hbm>>
        tpu.enqueue_dma source(%arg8 : memref<128x128xf32, #tpu.memory_space<vmem>>) target(%dma_start3A_79 : memref<128x128xf32, #tpu.memory_space<hbm>>) target_semaphore(%run_scoped3A : memref<!tpu.dma_semaphore, #tpu.memory_space<semaphore_mem>>)
        %dma_wait3A = arith.constant 0 : i32
        %dma_wait3A_80 = tpu.memref_slice %arg5[%add3A_54, %dma_wait3A] : memref<10240x128xf32, #tpu.memory_space<hbm>> -> memref<128x128xf32, #tpu.memory_space<hbm>>
        %dma_wait3A_81 = arith.constant 0 : i32
        %dma_wait3A_82 = tpu.memref_slice %arg5[%add3A_54, %dma_wait3A_81] : memref<10240x128xf32, #tpu.memory_space<hbm>> -> memref<128x128xf32, #tpu.memory_space<hbm>>
        tpu.wait_dma2 semaphore(%run_scoped3A : memref<!tpu.dma_semaphore, #tpu.memory_space<semaphore_mem>>) src(%arg8 : memref<128x128xf32, #tpu.memory_space<vmem>>) dst(%dma_wait3A_82 : memref<128x128xf32, #tpu.memory_space<hbm>>)
        tpu.yield
      }) : () -> ()
    } else {
    }
    %eq3A_60 = arith.constant 1 : i32
    %eq3A_61 = arith.cmpi eq, %arg0, %eq3A_60 : i32
    %convert_element_type3A_62 = arith.extui %eq3A_61 : i1 to i32
    %cond3A_63 = arith.constant 0 : i32
    %cond3A_64 = arith.cmpi ne, %convert_element_type3A_62, %cond3A_63 : i32
    scf.if %cond3A_64 {
      "tpu.region"() ({
        %run_scoped3A = tpu.sem_alloc : memref<!tpu.dma_semaphore, #tpu.memory_space<semaphore_mem>>
        %dma_start3A = arith.constant 0 : i32
        %dma_start3A_77 = tpu.memref_slice %arg6[%add3A_54, %dma_start3A] : memref<10240x128xf32, #tpu.memory_space<hbm>> -> memref<128x128xf32, #tpu.memory_space<hbm>>
        %dma_start3A_78 = arith.constant 0 : i32
        %dma_start3A_79 = tpu.memref_slice %arg6[%add3A_54, %dma_start3A_78] : memref<10240x128xf32, #tpu.memory_space<hbm>> -> memref<128x128xf32, #tpu.memory_space<hbm>>
        tpu.enqueue_dma source(%arg8 : memref<128x128xf32, #tpu.memory_space<vmem>>) target(%dma_start3A_79 : memref<128x128xf32, #tpu.memory_space<hbm>>) target_semaphore(%run_scoped3A : memref<!tpu.dma_semaphore, #tpu.memory_space<semaphore_mem>>)
        %dma_wait3A = arith.constant 0 : i32
        %dma_wait3A_80 = tpu.memref_slice %arg6[%add3A_54, %dma_wait3A] : memref<10240x128xf32, #tpu.memory_space<hbm>> -> memref<128x128xf32, #tpu.memory_space<hbm>>
        %dma_wait3A_81 = arith.constant 0 : i32
        %dma_wait3A_82 = tpu.memref_slice %arg6[%add3A_54, %dma_wait3A_81] : memref<10240x128xf32, #tpu.memory_space<hbm>> -> memref<128x128xf32, #tpu.memory_space<hbm>>
        tpu.wait_dma2 semaphore(%run_scoped3A : memref<!tpu.dma_semaphore, #tpu.memory_space<semaphore_mem>>) src(%arg8 : memref<128x128xf32, #tpu.memory_space<vmem>>) dst(%dma_wait3A_82 : memref<128x128xf32, #tpu.memory_space<hbm>>)
        tpu.yield
      }) : () -> ()
    } else {
    }
    %add3A_65 = arith.constant 512 : i32
    %add3A_66 = arith.addi %mul3A_19, %add3A_65 : i32
    "tpu.region"() ({
      %run_scoped3A = tpu.sem_alloc : memref<!tpu.dma_semaphore, #tpu.memory_space<semaphore_mem>>
      %dma_start3A = arith.constant 0 : i32
      %dma_start3A_77 = tpu.memref_slice %arg9[%add3A_66, %dma_start3A] : memref<10240x128xf32, #tpu.memory_space<vmem_shared>> -> memref<128x128xf32, #tpu.memory_space<vmem_shared>>
      %dma_start3A_78 = arith.constant 0 : i32
      %dma_start3A_79 = tpu.memref_slice %arg9[%add3A_66, %dma_start3A_78] : memref<10240x128xf32, #tpu.memory_space<vmem_shared>> -> memref<128x128xf32, #tpu.memory_space<vmem_shared>>
      tpu.enqueue_dma source(%dma_start3A_79 : memref<128x128xf32, #tpu.memory_space<vmem_shared>>) target(%arg8 : memref<128x128xf32, #tpu.memory_space<vmem>>) target_semaphore(%run_scoped3A : memref<!tpu.dma_semaphore, #tpu.memory_space<semaphore_mem>>)
      %dma_wait3A = arith.constant 0 : i32
      %dma_wait3A_80 = tpu.memref_slice %arg9[%add3A_66, %dma_wait3A] : memref<10240x128xf32, #tpu.memory_space<vmem_shared>> -> memref<128x128xf32, #tpu.memory_space<vmem_shared>>
      %dma_wait3A_81 = arith.constant 0 : i32
      %dma_wait3A_82 = tpu.memref_slice %arg9[%add3A_66, %dma_wait3A_81] : memref<10240x128xf32, #tpu.memory_space<vmem_shared>> -> memref<128x128xf32, #tpu.memory_space<vmem_shared>>
      tpu.wait_dma2 semaphore(%run_scoped3A : memref<!tpu.dma_semaphore, #tpu.memory_space<semaphore_mem>>) src(%dma_wait3A_82 : memref<128x128xf32, #tpu.memory_space<vmem_shared>>) dst(%arg8 : memref<128x128xf32, #tpu.memory_space<vmem>>)
      tpu.yield
    }) : () -> ()
    %eq3A_67 = arith.constant 0 : i32
    %eq3A_68 = arith.cmpi eq, %arg0, %eq3A_67 : i32
    %convert_element_type3A_69 = arith.extui %eq3A_68 : i1 to i32
    %cond3A_70 = arith.constant 0 : i32
    %cond3A_71 = arith.cmpi ne, %convert_element_type3A_69, %cond3A_70 : i32
    scf.if %cond3A_71 {
      "tpu.region"() ({
        %run_scoped3A = tpu.sem_alloc : memref<!tpu.dma_semaphore, #tpu.memory_space<semaphore_mem>>
        %dma_start3A = arith.constant 0 : i32
        %dma_start3A_77 = tpu.memref_slice %arg5[%add3A_66, %dma_start3A] : memref<10240x128xf32, #tpu.memory_space<hbm>> -> memref<128x128xf32, #tpu.memory_space<hbm>>
        %dma_start3A_78 = arith.constant 0 : i32
        %dma_start3A_79 = tpu.memref_slice %arg5[%add3A_66, %dma_start3A_78] : memref<10240x128xf32, #tpu.memory_space<hbm>> -> memref<128x128xf32, #tpu.memory_space<hbm>>
        tpu.enqueue_dma source(%arg8 : memref<128x128xf32, #tpu.memory_space<vmem>>) target(%dma_start3A_79 : memref<128x128xf32, #tpu.memory_space<hbm>>) target_semaphore(%run_scoped3A : memref<!tpu.dma_semaphore, #tpu.memory_space<semaphore_mem>>)
        %dma_wait3A = arith.constant 0 : i32
        %dma_wait3A_80 = tpu.memref_slice %arg5[%add3A_66, %dma_wait3A] : memref<10240x128xf32, #tpu.memory_space<hbm>> -> memref<128x128xf32, #tpu.memory_space<hbm>>
        %dma_wait3A_81 = arith.constant 0 : i32
        %dma_wait3A_82 = tpu.memref_slice %arg5[%add3A_66, %dma_wait3A_81] : memref<10240x128xf32, #tpu.memory_space<hbm>> -> memref<128x128xf32, #tpu.memory_space<hbm>>
        tpu.wait_dma2 semaphore(%run_scoped3A : memref<!tpu.dma_semaphore, #tpu.memory_space<semaphore_mem>>) src(%arg8 : memref<128x128xf32, #tpu.memory_space<vmem>>) dst(%dma_wait3A_82 : memref<128x128xf32, #tpu.memory_space<hbm>>)
        tpu.yield
      }) : () -> ()
    } else {
    }
    %eq3A_72 = arith.constant 1 : i32
    %eq3A_73 = arith.cmpi eq, %arg0, %eq3A_72 : i32
    %convert_element_type3A_74 = arith.extui %eq3A_73 : i1 to i32
    %cond3A_75 = arith.constant 0 : i32
    %cond3A_76 = arith.cmpi ne, %convert_element_type3A_74, %cond3A_75 : i32
    scf.if %cond3A_76 {
      "tpu.region"() ({
        %run_scoped3A = tpu.sem_alloc : memref<!tpu.dma_semaphore, #tpu.memory_space<semaphore_mem>>
        %dma_start3A = arith.constant 0 : i32
        %dma_start3A_77 = tpu.memref_slice %arg6[%add3A_66, %dma_start3A] : memref<10240x128xf32, #tpu.memory_space<hbm>> -> memref<128x128xf32, #tpu.memory_space<hbm>>
        %dma_start3A_78 = arith.constant 0 : i32
        %dma_start3A_79 = tpu.memref_slice %arg6[%add3A_66, %dma_start3A_78] : memref<10240x128xf32, #tpu.memory_space<hbm>> -> memref<128x128xf32, #tpu.memory_space<hbm>>
        tpu.enqueue_dma source(%arg8 : memref<128x128xf32, #tpu.memory_space<vmem>>) target(%dma_start3A_79 : memref<128x128xf32, #tpu.memory_space<hbm>>) target_semaphore(%run_scoped3A : memref<!tpu.dma_semaphore, #tpu.memory_space<semaphore_mem>>)
        %dma_wait3A = arith.constant 0 : i32
        %dma_wait3A_80 = tpu.memref_slice %arg6[%add3A_66, %dma_wait3A] : memref<10240x128xf32, #tpu.memory_space<hbm>> -> memref<128x128xf32, #tpu.memory_space<hbm>>
        %dma_wait3A_81 = arith.constant 0 : i32
        %dma_wait3A_82 = tpu.memref_slice %arg6[%add3A_66, %dma_wait3A_81] : memref<10240x128xf32, #tpu.memory_space<hbm>> -> memref<128x128xf32, #tpu.memory_space<hbm>>
        tpu.wait_dma2 semaphore(%run_scoped3A : memref<!tpu.dma_semaphore, #tpu.memory_space<semaphore_mem>>) src(%arg8 : memref<128x128xf32, #tpu.memory_space<vmem>>) dst(%dma_wait3A_82 : memref<128x128xf32, #tpu.memory_space<hbm>>)
        tpu.yield
      }) : () -> ()
    } else {
    }
    return
  }
}

#map = affine_map<(d0, d1) -> (0)>
#map1 = affine_map<(d0, d1) -> (0, 0)>
module attributes {stable_mosaic.version = 14 : i64} {
  func.func @_sc_degree_body(%arg0: i32, %arg1: i32, %arg2: memref<320000xi32, #tpu.memory_space<hbm>>, %arg3: memref<128x128xf32, #tpu.memory_space<hbm>>, %arg4: memref<128x128xf32, #tpu.memory_space<hbm>>, %arg5: memref<10240x128xf32, #tpu.memory_space<hbm>>, %arg6: memref<10240x128xf32, #tpu.memory_space<hbm>>, %arg7: memref<128xi32, #tpu.memory_space<vmem>>, %arg8: memref<128x128xf32, #tpu.memory_space<vmem>>, %arg9: memref<10240x128xf32, #tpu.memory_space<vmem_shared>>) attributes {dimension_semantics = [#tpu.dimension_semantics<core_parallel>, #tpu.dimension_semantics<subcore_parallel>], iteration_bounds = array<i64: 2, 16>, scalar_prefetch = 0 : i64, scratch_operands = 3 : i64, tpu.core_type = #tpu.core_type<sc_vector_subcore>, window_params = [{transform_indices = #map}, {transform_indices = #map1}, {transform_indices = #map1}, {transform_indices = #map1}, {transform_indices = #map1}]} {
    %mul3A = arith.constant 2 : i32
    %mul3A_0 = arith.muli %arg1, %mul3A : i32
    %add3A = arith.addi %mul3A_0, %arg0 : i32
    %mul3A_1 = arith.constant 640 : i32
    %mul3A_2 = arith.muli %arg1, %mul3A_1 : i32
    %add3A_3 = arith.constant 0 : i32
    %add3A_4 = arith.addi %mul3A_2, %add3A_3 : i32
    "tpu.region"() ({
      %run_scoped3A = tpu.sem_alloc : memref<!tpu.dma_semaphore, #tpu.memory_space<semaphore_mem>>
      %dma_start3A = arith.constant 0 : i32
      %dma_start3A_77 = tpu.memref_slice %arg9[%add3A_4, %dma_start3A] : memref<10240x128xf32, #tpu.memory_space<vmem_shared>> -> memref<128x128xf32, #tpu.memory_space<vmem_shared>>
      tpu.enqueue_dma source(%arg4 : memref<128x128xf32, #tpu.memory_space<hbm>>) target(%dma_start3A_77 : memref<128x128xf32, #tpu.memory_space<vmem_shared>>) target_semaphore(%run_scoped3A : memref<!tpu.dma_semaphore, #tpu.memory_space<semaphore_mem>>)
      %dma_wait3A = arith.constant 0 : i32
      %dma_wait3A_78 = tpu.memref_slice %arg9[%add3A_4, %dma_wait3A] : memref<10240x128xf32, #tpu.memory_space<vmem_shared>> -> memref<128x128xf32, #tpu.memory_space<vmem_shared>>
      tpu.wait_dma2 semaphore(%run_scoped3A : memref<!tpu.dma_semaphore, #tpu.memory_space<semaphore_mem>>) src(%arg4 : memref<128x128xf32, #tpu.memory_space<hbm>>) dst(%dma_wait3A_78 : memref<128x128xf32, #tpu.memory_space<vmem_shared>>)
      tpu.yield
    }) : () -> ()
    %add3A_5 = arith.constant 128 : i32
    %add3A_6 = arith.addi %mul3A_2, %add3A_5 : i32
    "tpu.region"() ({
      %run_scoped3A = tpu.sem_alloc : memref<!tpu.dma_semaphore, #tpu.memory_space<semaphore_mem>>
      %dma_start3A = arith.constant 0 : i32
      %dma_start3A_77 = tpu.memref_slice %arg9[%add3A_6, %dma_start3A] : memref<10240x128xf32, #tpu.memory_space<vmem_shared>> -> memref<128x128xf32, #tpu.memory_space<vmem_shared>>
      tpu.enqueue_dma source(%arg4 : memref<128x128xf32, #tpu.memory_space<hbm>>) target(%dma_start3A_77 : memref<128x128xf32, #tpu.memory_space<vmem_shared>>) target_semaphore(%run_scoped3A : memref<!tpu.dma_semaphore, #tpu.memory_space<semaphore_mem>>)
      %dma_wait3A = arith.constant 0 : i32
      %dma_wait3A_78 = tpu.memref_slice %arg9[%add3A_6, %dma_wait3A] : memref<10240x128xf32, #tpu.memory_space<vmem_shared>> -> memref<128x128xf32, #tpu.memory_space<vmem_shared>>
      tpu.wait_dma2 semaphore(%run_scoped3A : memref<!tpu.dma_semaphore, #tpu.memory_space<semaphore_mem>>) src(%arg4 : memref<128x128xf32, #tpu.memory_space<hbm>>) dst(%dma_wait3A_78 : memref<128x128xf32, #tpu.memory_space<vmem_shared>>)
      tpu.yield
    }) : () -> ()
    %add3A_7 = arith.constant 256 : i32
    %add3A_8 = arith.addi %mul3A_2, %add3A_7 : i32
    "tpu.region"() ({
      %run_scoped3A = tpu.sem_alloc : memref<!tpu.dma_semaphore, #tpu.memory_space<semaphore_mem>>
      %dma_start3A = arith.constant 0 : i32
      %dma_start3A_77 = tpu.memref_slice %arg9[%add3A_8, %dma_start3A] : memref<10240x128xf32, #tpu.memory_space<vmem_shared>> -> memref<128x128xf32, #tpu.memory_space<vmem_shared>>
      tpu.enqueue_dma source(%arg4 : memref<128x128xf32, #tpu.memory_space<hbm>>) target(%dma_start3A_77 : memref<128x128xf32, #tpu.memory_space<vmem_shared>>) target_semaphore(%run_scoped3A : memref<!tpu.dma_semaphore, #tpu.memory_space<semaphore_mem>>)
      %dma_wait3A = arith.constant 0 : i32
      %dma_wait3A_78 = tpu.memref_slice %arg9[%add3A_8, %dma_wait3A] : memref<10240x128xf32, #tpu.memory_space<vmem_shared>> -> memref<128x128xf32, #tpu.memory_space<vmem_shared>>
      tpu.wait_dma2 semaphore(%run_scoped3A : memref<!tpu.dma_semaphore, #tpu.memory_space<semaphore_mem>>) src(%arg4 : memref<128x128xf32, #tpu.memory_space<hbm>>) dst(%dma_wait3A_78 : memref<128x128xf32, #tpu.memory_space<vmem_shared>>)
      tpu.yield
    }) : () -> ()
    %add3A_9 = arith.constant 384 : i32
    %add3A_10 = arith.addi %mul3A_2, %add3A_9 : i32
    "tpu.region"() ({
      %run_scoped3A = tpu.sem_alloc : memref<!tpu.dma_semaphore, #tpu.memory_space<semaphore_mem>>
      %dma_start3A = arith.constant 0 : i32
      %dma_start3A_77 = tpu.memref_slice %arg9[%add3A_10, %dma_start3A] : memref<10240x128xf32, #tpu.memory_space<vmem_shared>> -> memref<128x128xf32, #tpu.memory_space<vmem_shared>>
      tpu.enqueue_dma source(%arg4 : memref<128x128xf32, #tpu.memory_space<hbm>>) target(%dma_start3A_77 : memref<128x128xf32, #tpu.memory_space<vmem_shared>>) target_semaphore(%run_scoped3A : memref<!tpu.dma_semaphore, #tpu.memory_space<semaphore_mem>>)
      %dma_wait3A = arith.constant 0 : i32
      %dma_wait3A_78 = tpu.memref_slice %arg9[%add3A_10, %dma_wait3A] : memref<10240x128xf32, #tpu.memory_space<vmem_shared>> -> memref<128x128xf32, #tpu.memory_space<vmem_shared>>
      tpu.wait_dma2 semaphore(%run_scoped3A : memref<!tpu.dma_semaphore, #tpu.memory_space<semaphore_mem>>) src(%arg4 : memref<128x128xf32, #tpu.memory_space<hbm>>) dst(%dma_wait3A_78 : memref<128x128xf32, #tpu.memory_space<vmem_shared>>)
      tpu.yield
    }) : () -> ()
    %add3A_11 = arith.constant 512 : i32
    %add3A_12 = arith.addi %mul3A_2, %add3A_11 : i32
    "tpu.region"() ({
      %run_scoped3A = tpu.sem_alloc : memref<!tpu.dma_semaphore, #tpu.memory_space<semaphore_mem>>
      %dma_start3A = arith.constant 0 : i32
      %dma_start3A_77 = tpu.memref_slice %arg9[%add3A_12, %dma_start3A] : memref<10240x128xf32, #tpu.memory_space<vmem_shared>> -> memref<128x128xf32, #tpu.memory_space<vmem_shared>>
      tpu.enqueue_dma source(%arg4 : memref<128x128xf32, #tpu.memory_space<hbm>>) target(%dma_start3A_77 : memref<128x128xf32, #tpu.memory_space<vmem_shared>>) target_semaphore(%run_scoped3A : memref<!tpu.dma_semaphore, #tpu.memory_space<semaphore_mem>>)
      %dma_wait3A = arith.constant 0 : i32
      %dma_wait3A_78 = tpu.memref_slice %arg9[%add3A_12, %dma_wait3A] : memref<10240x128xf32, #tpu.memory_space<vmem_shared>> -> memref<128x128xf32, #tpu.memory_space<vmem_shared>>
      tpu.wait_dma2 semaphore(%run_scoped3A : memref<!tpu.dma_semaphore, #tpu.memory_space<semaphore_mem>>) src(%arg4 : memref<128x128xf32, #tpu.memory_space<hbm>>) dst(%dma_wait3A_78 : memref<128x128xf32, #tpu.memory_space<vmem_shared>>)
      tpu.yield
    }) : () -> ()
    "tpu.region"() ({
      %run_scoped3A = tpu.sem_alloc : memref<!tpu.dma_semaphore, #tpu.memory_space<semaphore_mem>>
      tpu.enqueue_dma source(%arg3 : memref<128x128xf32, #tpu.memory_space<hbm>>) target(%arg8 : memref<128x128xf32, #tpu.memory_space<vmem>>) target_semaphore(%run_scoped3A : memref<!tpu.dma_semaphore, #tpu.memory_space<semaphore_mem>>)
      tpu.wait_dma2 semaphore(%run_scoped3A : memref<!tpu.dma_semaphore, #tpu.memory_space<semaphore_mem>>) src(%arg3 : memref<128x128xf32, #tpu.memory_space<hbm>>) dst(%arg8 : memref<128x128xf32, #tpu.memory_space<vmem>>)
      tpu.yield
    }) : () -> ()
    %barrier3A = arith.constant 0 : index
    tpu.barrier barrier_id(%barrier3A)
    %scan3A = arith.constant 0 : i32
    %scan3A_13 = arith.constant 79 : i32
    %scan3A_14 = arith.addi %scan3A, %scan3A_13 : i32
    %scan3A_15 = arith.constant 1 : i32
    scf.for %scan3A_77 = %scan3A to %scan3A_14 step %scan3A_15  : i32 {
      %mul3A_78 = arith.constant 1 : i32
      %mul3A_79 = arith.muli %scan3A_77, %mul3A_78 : i32
      %add3A_80 = arith.constant 0 : i32
      %add3A_81 = arith.addi %add3A_80, %mul3A_79 : i32
      %mul3A_82 = arith.constant 32 : i32
      %mul3A_83 = arith.muli %add3A_81, %mul3A_82 : i32
      %add3A_84 = arith.addi %mul3A_83, %add3A : i32
      %lt3A = arith.constant 2500 : i32
      %lt3A_85 = arith.cmpi slt, %add3A_84, %lt3A : i32
      %convert_element_type3A_86 = arith.extui %lt3A_85 : i1 to i32
      %cond3A_87 = arith.constant 0 : i32
      %cond3A_88 = arith.cmpi ne, %convert_element_type3A_86, %cond3A_87 : i32
      scf.if %cond3A_88 {
        %mul3A_89 = arith.constant 128 : i32
        %mul3A_90 = arith.muli %add3A_84, %mul3A_89 : i32
        "tpu.region"() ({
          %run_scoped3A = tpu.sem_alloc : memref<!tpu.dma_semaphore, #tpu.memory_space<semaphore_mem>>
          %dma_start3A = tpu.memref_slice %arg2[%mul3A_90] : memref<320000xi32, #tpu.memory_space<hbm>> -> memref<128xi32, #tpu.memory_space<hbm>>
          %dma_start3A_91 = tpu.memref_slice %arg2[%mul3A_90] : memref<320000xi32, #tpu.memory_space<hbm>> -> memref<128xi32, #tpu.memory_space<hbm>>
          tpu.enqueue_dma source(%dma_start3A_91 : memref<128xi32, #tpu.memory_space<hbm>>) target(%arg7 : memref<128xi32, #tpu.memory_space<vmem>>) target_semaphore(%run_scoped3A : memref<!tpu.dma_semaphore, #tpu.memory_space<semaphore_mem>>)
          %dma_wait3A = tpu.memref_slice %arg2[%mul3A_90] : memref<320000xi32, #tpu.memory_space<hbm>> -> memref<128xi32, #tpu.memory_space<hbm>>
          %dma_wait3A_92 = tpu.memref_slice %arg2[%mul3A_90] : memref<320000xi32, #tpu.memory_space<hbm>> -> memref<128xi32, #tpu.memory_space<hbm>>
          tpu.wait_dma2 semaphore(%run_scoped3A : memref<!tpu.dma_semaphore, #tpu.memory_space<semaphore_mem>>) src(%dma_wait3A_92 : memref<128xi32, #tpu.memory_space<hbm>>) dst(%arg7 : memref<128xi32, #tpu.memory_space<vmem>>)
          tpu.yield
        }) : () -> ()
        "tpu.region"() ({
          %run_scoped3A = tpu.sem_alloc : memref<!tpu.dma_semaphore, #tpu.memory_space<semaphore_mem>>
          %dma_start3A = arith.constant 0 : i32
          %dma_start3A_91 = arith.constant 0 : i32
          %dma_start3A_92 = tpu.memref_slice %arg9[%dma_start3A, %dma_start3A_91] : memref<10240x128xf32, #tpu.memory_space<vmem_shared>> -> memref<10240x128xf32, #tpu.memory_space<vmem_shared>>
          tpu.enqueue_indirect_dma source(%arg8 : memref<128x128xf32, #tpu.memory_space<vmem>>) target(%dma_start3A_92 : memref<10240x128xf32, #tpu.memory_space<vmem_shared>>) offsets(%arg7 : memref<128xi32, #tpu.memory_space<vmem>>) semaphore(%run_scoped3A : memref<!tpu.dma_semaphore, #tpu.memory_space<semaphore_mem>>) {add = true}
          %dma_wait3A = arith.constant 0 : i32
          %dma_wait3A_93 = arith.constant 0 : i32
          %dma_wait3A_94 = tpu.memref_slice %arg9[%dma_wait3A, %dma_wait3A_93] : memref<10240x128xf32, #tpu.memory_space<vmem_shared>> -> memref<10240x128xf32, #tpu.memory_space<vmem_shared>>
          tpu.wait_indirect_dma semaphore(%run_scoped3A : memref<!tpu.dma_semaphore, #tpu.memory_space<semaphore_mem>>) src(%arg8 : memref<128x128xf32, #tpu.memory_space<vmem>>) dst(%dma_wait3A_94 : memref<10240x128xf32, #tpu.memory_space<vmem_shared>>)
          tpu.yield
        }) : () -> ()
      } else {
      }
    }
    %scan3A_16 = arith.constant 79 : i32
    %barrier3A_17 = arith.constant 0 : index
    tpu.barrier barrier_id(%barrier3A_17)
    %mul3A_18 = arith.constant 640 : i32
    %mul3A_19 = arith.muli %arg1, %mul3A_18 : i32
    %add3A_20 = arith.constant 0 : i32
    %add3A_21 = arith.addi %mul3A_19, %add3A_20 : i32
    "tpu.region"() ({
      %run_scoped3A = tpu.sem_alloc : memref<!tpu.dma_semaphore, #tpu.memory_space<semaphore_mem>>
      %dma_start3A = arith.constant 0 : i32
      %dma_start3A_77 = tpu.memref_slice %arg9[%add3A_21, %dma_start3A] : memref<10240x128xf32, #tpu.memory_space<vmem_shared>> -> memref<128x128xf32, #tpu.memory_space<vmem_shared>>
      %dma_start3A_78 = arith.constant 0 : i32
      %dma_start3A_79 = tpu.memref_slice %arg9[%add3A_21, %dma_start3A_78] : memref<10240x128xf32, #tpu.memory_space<vmem_shared>> -> memref<128x128xf32, #tpu.memory_space<vmem_shared>>
      tpu.enqueue_dma source(%dma_start3A_79 : memref<128x128xf32, #tpu.memory_space<vmem_shared>>) target(%arg8 : memref<128x128xf32, #tpu.memory_space<vmem>>) target_semaphore(%run_scoped3A : memref<!tpu.dma_semaphore, #tpu.memory_space<semaphore_mem>>)
      %dma_wait3A = arith.constant 0 : i32
      %dma_wait3A_80 = tpu.memref_slice %arg9[%add3A_21, %dma_wait3A] : memref<10240x128xf32, #tpu.memory_space<vmem_shared>> -> memref<128x128xf32, #tpu.memory_space<vmem_shared>>
      %dma_wait3A_81 = arith.constant 0 : i32
      %dma_wait3A_82 = tpu.memref_slice %arg9[%add3A_21, %dma_wait3A_81] : memref<10240x128xf32, #tpu.memory_space<vmem_shared>> -> memref<128x128xf32, #tpu.memory_space<vmem_shared>>
      tpu.wait_dma2 semaphore(%run_scoped3A : memref<!tpu.dma_semaphore, #tpu.memory_space<semaphore_mem>>) src(%dma_wait3A_82 : memref<128x128xf32, #tpu.memory_space<vmem_shared>>) dst(%arg8 : memref<128x128xf32, #tpu.memory_space<vmem>>)
      tpu.yield
    }) : () -> ()
    %eq3A = arith.constant 0 : i32
    %eq3A_22 = arith.cmpi eq, %arg0, %eq3A : i32
    %convert_element_type3A = arith.extui %eq3A_22 : i1 to i32
    %cond3A = arith.constant 0 : i32
    %cond3A_23 = arith.cmpi ne, %convert_element_type3A, %cond3A : i32
    scf.if %cond3A_23 {
      "tpu.region"() ({
        %run_scoped3A = tpu.sem_alloc : memref<!tpu.dma_semaphore, #tpu.memory_space<semaphore_mem>>
        %dma_start3A = arith.constant 0 : i32
        %dma_start3A_77 = tpu.memref_slice %arg5[%add3A_21, %dma_start3A] : memref<10240x128xf32, #tpu.memory_space<hbm>> -> memref<128x128xf32, #tpu.memory_space<hbm>>
        %dma_start3A_78 = arith.constant 0 : i32
        %dma_start3A_79 = tpu.memref_slice %arg5[%add3A_21, %dma_start3A_78] : memref<10240x128xf32, #tpu.memory_space<hbm>> -> memref<128x128xf32, #tpu.memory_space<hbm>>
        tpu.enqueue_dma source(%arg8 : memref<128x128xf32, #tpu.memory_space<vmem>>) target(%dma_start3A_79 : memref<128x128xf32, #tpu.memory_space<hbm>>) target_semaphore(%run_scoped3A : memref<!tpu.dma_semaphore, #tpu.memory_space<semaphore_mem>>)
        %dma_wait3A = arith.constant 0 : i32
        %dma_wait3A_80 = tpu.memref_slice %arg5[%add3A_21, %dma_wait3A] : memref<10240x128xf32, #tpu.memory_space<hbm>> -> memref<128x128xf32, #tpu.memory_space<hbm>>
        %dma_wait3A_81 = arith.constant 0 : i32
        %dma_wait3A_82 = tpu.memref_slice %arg5[%add3A_21, %dma_wait3A_81] : memref<10240x128xf32, #tpu.memory_space<hbm>> -> memref<128x128xf32, #tpu.memory_space<hbm>>
        tpu.wait_dma2 semaphore(%run_scoped3A : memref<!tpu.dma_semaphore, #tpu.memory_space<semaphore_mem>>) src(%arg8 : memref<128x128xf32, #tpu.memory_space<vmem>>) dst(%dma_wait3A_82 : memref<128x128xf32, #tpu.memory_space<hbm>>)
        tpu.yield
      }) : () -> ()
    } else {
    }
    %eq3A_24 = arith.constant 1 : i32
    %eq3A_25 = arith.cmpi eq, %arg0, %eq3A_24 : i32
    %convert_element_type3A_26 = arith.extui %eq3A_25 : i1 to i32
    %cond3A_27 = arith.constant 0 : i32
    %cond3A_28 = arith.cmpi ne, %convert_element_type3A_26, %cond3A_27 : i32
    scf.if %cond3A_28 {
      "tpu.region"() ({
        %run_scoped3A = tpu.sem_alloc : memref<!tpu.dma_semaphore, #tpu.memory_space<semaphore_mem>>
        %dma_start3A = arith.constant 0 : i32
        %dma_start3A_77 = tpu.memref_slice %arg6[%add3A_21, %dma_start3A] : memref<10240x128xf32, #tpu.memory_space<hbm>> -> memref<128x128xf32, #tpu.memory_space<hbm>>
        %dma_start3A_78 = arith.constant 0 : i32
        %dma_start3A_79 = tpu.memref_slice %arg6[%add3A_21, %dma_start3A_78] : memref<10240x128xf32, #tpu.memory_space<hbm>> -> memref<128x128xf32, #tpu.memory_space<hbm>>
        tpu.enqueue_dma source(%arg8 : memref<128x128xf32, #tpu.memory_space<vmem>>) target(%dma_start3A_79 : memref<128x128xf32, #tpu.memory_space<hbm>>) target_semaphore(%run_scoped3A : memref<!tpu.dma_semaphore, #tpu.memory_space<semaphore_mem>>)
        %dma_wait3A = arith.constant 0 : i32
        %dma_wait3A_80 = tpu.memref_slice %arg6[%add3A_21, %dma_wait3A] : memref<10240x128xf32, #tpu.memory_space<hbm>> -> memref<128x128xf32, #tpu.memory_space<hbm>>
        %dma_wait3A_81 = arith.constant 0 : i32
        %dma_wait3A_82 = tpu.memref_slice %arg6[%add3A_21, %dma_wait3A_81] : memref<10240x128xf32, #tpu.memory_space<hbm>> -> memref<128x128xf32, #tpu.memory_space<hbm>>
        tpu.wait_dma2 semaphore(%run_scoped3A : memref<!tpu.dma_semaphore, #tpu.memory_space<semaphore_mem>>) src(%arg8 : memref<128x128xf32, #tpu.memory_space<vmem>>) dst(%dma_wait3A_82 : memref<128x128xf32, #tpu.memory_space<hbm>>)
        tpu.yield
      }) : () -> ()
    } else {
    }
    %add3A_29 = arith.constant 128 : i32
    %add3A_30 = arith.addi %mul3A_19, %add3A_29 : i32
    "tpu.region"() ({
      %run_scoped3A = tpu.sem_alloc : memref<!tpu.dma_semaphore, #tpu.memory_space<semaphore_mem>>
      %dma_start3A = arith.constant 0 : i32
      %dma_start3A_77 = tpu.memref_slice %arg9[%add3A_30, %dma_start3A] : memref<10240x128xf32, #tpu.memory_space<vmem_shared>> -> memref<128x128xf32, #tpu.memory_space<vmem_shared>>
      %dma_start3A_78 = arith.constant 0 : i32
      %dma_start3A_79 = tpu.memref_slice %arg9[%add3A_30, %dma_start3A_78] : memref<10240x128xf32, #tpu.memory_space<vmem_shared>> -> memref<128x128xf32, #tpu.memory_space<vmem_shared>>
      tpu.enqueue_dma source(%dma_start3A_79 : memref<128x128xf32, #tpu.memory_space<vmem_shared>>) target(%arg8 : memref<128x128xf32, #tpu.memory_space<vmem>>) target_semaphore(%run_scoped3A : memref<!tpu.dma_semaphore, #tpu.memory_space<semaphore_mem>>)
      %dma_wait3A = arith.constant 0 : i32
      %dma_wait3A_80 = tpu.memref_slice %arg9[%add3A_30, %dma_wait3A] : memref<10240x128xf32, #tpu.memory_space<vmem_shared>> -> memref<128x128xf32, #tpu.memory_space<vmem_shared>>
      %dma_wait3A_81 = arith.constant 0 : i32
      %dma_wait3A_82 = tpu.memref_slice %arg9[%add3A_30, %dma_wait3A_81] : memref<10240x128xf32, #tpu.memory_space<vmem_shared>> -> memref<128x128xf32, #tpu.memory_space<vmem_shared>>
      tpu.wait_dma2 semaphore(%run_scoped3A : memref<!tpu.dma_semaphore, #tpu.memory_space<semaphore_mem>>) src(%dma_wait3A_82 : memref<128x128xf32, #tpu.memory_space<vmem_shared>>) dst(%arg8 : memref<128x128xf32, #tpu.memory_space<vmem>>)
      tpu.yield
    }) : () -> ()
    %eq3A_31 = arith.constant 0 : i32
    %eq3A_32 = arith.cmpi eq, %arg0, %eq3A_31 : i32
    %convert_element_type3A_33 = arith.extui %eq3A_32 : i1 to i32
    %cond3A_34 = arith.constant 0 : i32
    %cond3A_35 = arith.cmpi ne, %convert_element_type3A_33, %cond3A_34 : i32
    scf.if %cond3A_35 {
      "tpu.region"() ({
        %run_scoped3A = tpu.sem_alloc : memref<!tpu.dma_semaphore, #tpu.memory_space<semaphore_mem>>
        %dma_start3A = arith.constant 0 : i32
        %dma_start3A_77 = tpu.memref_slice %arg5[%add3A_30, %dma_start3A] : memref<10240x128xf32, #tpu.memory_space<hbm>> -> memref<128x128xf32, #tpu.memory_space<hbm>>
        %dma_start3A_78 = arith.constant 0 : i32
        %dma_start3A_79 = tpu.memref_slice %arg5[%add3A_30, %dma_start3A_78] : memref<10240x128xf32, #tpu.memory_space<hbm>> -> memref<128x128xf32, #tpu.memory_space<hbm>>
        tpu.enqueue_dma source(%arg8 : memref<128x128xf32, #tpu.memory_space<vmem>>) target(%dma_start3A_79 : memref<128x128xf32, #tpu.memory_space<hbm>>) target_semaphore(%run_scoped3A : memref<!tpu.dma_semaphore, #tpu.memory_space<semaphore_mem>>)
        %dma_wait3A = arith.constant 0 : i32
        %dma_wait3A_80 = tpu.memref_slice %arg5[%add3A_30, %dma_wait3A] : memref<10240x128xf32, #tpu.memory_space<hbm>> -> memref<128x128xf32, #tpu.memory_space<hbm>>
        %dma_wait3A_81 = arith.constant 0 : i32
        %dma_wait3A_82 = tpu.memref_slice %arg5[%add3A_30, %dma_wait3A_81] : memref<10240x128xf32, #tpu.memory_space<hbm>> -> memref<128x128xf32, #tpu.memory_space<hbm>>
        tpu.wait_dma2 semaphore(%run_scoped3A : memref<!tpu.dma_semaphore, #tpu.memory_space<semaphore_mem>>) src(%arg8 : memref<128x128xf32, #tpu.memory_space<vmem>>) dst(%dma_wait3A_82 : memref<128x128xf32, #tpu.memory_space<hbm>>)
        tpu.yield
      }) : () -> ()
    } else {
    }
    %eq3A_36 = arith.constant 1 : i32
    %eq3A_37 = arith.cmpi eq, %arg0, %eq3A_36 : i32
    %convert_element_type3A_38 = arith.extui %eq3A_37 : i1 to i32
    %cond3A_39 = arith.constant 0 : i32
    %cond3A_40 = arith.cmpi ne, %convert_element_type3A_38, %cond3A_39 : i32
    scf.if %cond3A_40 {
      "tpu.region"() ({
        %run_scoped3A = tpu.sem_alloc : memref<!tpu.dma_semaphore, #tpu.memory_space<semaphore_mem>>
        %dma_start3A = arith.constant 0 : i32
        %dma_start3A_77 = tpu.memref_slice %arg6[%add3A_30, %dma_start3A] : memref<10240x128xf32, #tpu.memory_space<hbm>> -> memref<128x128xf32, #tpu.memory_space<hbm>>
        %dma_start3A_78 = arith.constant 0 : i32
        %dma_start3A_79 = tpu.memref_slice %arg6[%add3A_30, %dma_start3A_78] : memref<10240x128xf32, #tpu.memory_space<hbm>> -> memref<128x128xf32, #tpu.memory_space<hbm>>
        tpu.enqueue_dma source(%arg8 : memref<128x128xf32, #tpu.memory_space<vmem>>) target(%dma_start3A_79 : memref<128x128xf32, #tpu.memory_space<hbm>>) target_semaphore(%run_scoped3A : memref<!tpu.dma_semaphore, #tpu.memory_space<semaphore_mem>>)
        %dma_wait3A = arith.constant 0 : i32
        %dma_wait3A_80 = tpu.memref_slice %arg6[%add3A_30, %dma_wait3A] : memref<10240x128xf32, #tpu.memory_space<hbm>> -> memref<128x128xf32, #tpu.memory_space<hbm>>
        %dma_wait3A_81 = arith.constant 0 : i32
        %dma_wait3A_82 = tpu.memref_slice %arg6[%add3A_30, %dma_wait3A_81] : memref<10240x128xf32, #tpu.memory_space<hbm>> -> memref<128x128xf32, #tpu.memory_space<hbm>>
        tpu.wait_dma2 semaphore(%run_scoped3A : memref<!tpu.dma_semaphore, #tpu.memory_space<semaphore_mem>>) src(%arg8 : memref<128x128xf32, #tpu.memory_space<vmem>>) dst(%dma_wait3A_82 : memref<128x128xf32, #tpu.memory_space<hbm>>)
        tpu.yield
      }) : () -> ()
    } else {
    }
    %add3A_41 = arith.constant 256 : i32
    %add3A_42 = arith.addi %mul3A_19, %add3A_41 : i32
    "tpu.region"() ({
      %run_scoped3A = tpu.sem_alloc : memref<!tpu.dma_semaphore, #tpu.memory_space<semaphore_mem>>
      %dma_start3A = arith.constant 0 : i32
      %dma_start3A_77 = tpu.memref_slice %arg9[%add3A_42, %dma_start3A] : memref<10240x128xf32, #tpu.memory_space<vmem_shared>> -> memref<128x128xf32, #tpu.memory_space<vmem_shared>>
      %dma_start3A_78 = arith.constant 0 : i32
      %dma_start3A_79 = tpu.memref_slice %arg9[%add3A_42, %dma_start3A_78] : memref<10240x128xf32, #tpu.memory_space<vmem_shared>> -> memref<128x128xf32, #tpu.memory_space<vmem_shared>>
      tpu.enqueue_dma source(%dma_start3A_79 : memref<128x128xf32, #tpu.memory_space<vmem_shared>>) target(%arg8 : memref<128x128xf32, #tpu.memory_space<vmem>>) target_semaphore(%run_scoped3A : memref<!tpu.dma_semaphore, #tpu.memory_space<semaphore_mem>>)
      %dma_wait3A = arith.constant 0 : i32
      %dma_wait3A_80 = tpu.memref_slice %arg9[%add3A_42, %dma_wait3A] : memref<10240x128xf32, #tpu.memory_space<vmem_shared>> -> memref<128x128xf32, #tpu.memory_space<vmem_shared>>
      %dma_wait3A_81 = arith.constant 0 : i32
      %dma_wait3A_82 = tpu.memref_slice %arg9[%add3A_42, %dma_wait3A_81] : memref<10240x128xf32, #tpu.memory_space<vmem_shared>> -> memref<128x128xf32, #tpu.memory_space<vmem_shared>>
      tpu.wait_dma2 semaphore(%run_scoped3A : memref<!tpu.dma_semaphore, #tpu.memory_space<semaphore_mem>>) src(%dma_wait3A_82 : memref<128x128xf32, #tpu.memory_space<vmem_shared>>) dst(%arg8 : memref<128x128xf32, #tpu.memory_space<vmem>>)
      tpu.yield
    }) : () -> ()
    %eq3A_43 = arith.constant 0 : i32
    %eq3A_44 = arith.cmpi eq, %arg0, %eq3A_43 : i32
    %convert_element_type3A_45 = arith.extui %eq3A_44 : i1 to i32
    %cond3A_46 = arith.constant 0 : i32
    %cond3A_47 = arith.cmpi ne, %convert_element_type3A_45, %cond3A_46 : i32
    scf.if %cond3A_47 {
      "tpu.region"() ({
        %run_scoped3A = tpu.sem_alloc : memref<!tpu.dma_semaphore, #tpu.memory_space<semaphore_mem>>
        %dma_start3A = arith.constant 0 : i32
        %dma_start3A_77 = tpu.memref_slice %arg5[%add3A_42, %dma_start3A] : memref<10240x128xf32, #tpu.memory_space<hbm>> -> memref<128x128xf32, #tpu.memory_space<hbm>>
        %dma_start3A_78 = arith.constant 0 : i32
        %dma_start3A_79 = tpu.memref_slice %arg5[%add3A_42, %dma_start3A_78] : memref<10240x128xf32, #tpu.memory_space<hbm>> -> memref<128x128xf32, #tpu.memory_space<hbm>>
        tpu.enqueue_dma source(%arg8 : memref<128x128xf32, #tpu.memory_space<vmem>>) target(%dma_start3A_79 : memref<128x128xf32, #tpu.memory_space<hbm>>) target_semaphore(%run_scoped3A : memref<!tpu.dma_semaphore, #tpu.memory_space<semaphore_mem>>)
        %dma_wait3A = arith.constant 0 : i32
        %dma_wait3A_80 = tpu.memref_slice %arg5[%add3A_42, %dma_wait3A] : memref<10240x128xf32, #tpu.memory_space<hbm>> -> memref<128x128xf32, #tpu.memory_space<hbm>>
        %dma_wait3A_81 = arith.constant 0 : i32
        %dma_wait3A_82 = tpu.memref_slice %arg5[%add3A_42, %dma_wait3A_81] : memref<10240x128xf32, #tpu.memory_space<hbm>> -> memref<128x128xf32, #tpu.memory_space<hbm>>
        tpu.wait_dma2 semaphore(%run_scoped3A : memref<!tpu.dma_semaphore, #tpu.memory_space<semaphore_mem>>) src(%arg8 : memref<128x128xf32, #tpu.memory_space<vmem>>) dst(%dma_wait3A_82 : memref<128x128xf32, #tpu.memory_space<hbm>>)
        tpu.yield
      }) : () -> ()
    } else {
    }
    %eq3A_48 = arith.constant 1 : i32
    %eq3A_49 = arith.cmpi eq, %arg0, %eq3A_48 : i32
    %convert_element_type3A_50 = arith.extui %eq3A_49 : i1 to i32
    %cond3A_51 = arith.constant 0 : i32
    %cond3A_52 = arith.cmpi ne, %convert_element_type3A_50, %cond3A_51 : i32
    scf.if %cond3A_52 {
      "tpu.region"() ({
        %run_scoped3A = tpu.sem_alloc : memref<!tpu.dma_semaphore, #tpu.memory_space<semaphore_mem>>
        %dma_start3A = arith.constant 0 : i32
        %dma_start3A_77 = tpu.memref_slice %arg6[%add3A_42, %dma_start3A] : memref<10240x128xf32, #tpu.memory_space<hbm>> -> memref<128x128xf32, #tpu.memory_space<hbm>>
        %dma_start3A_78 = arith.constant 0 : i32
        %dma_start3A_79 = tpu.memref_slice %arg6[%add3A_42, %dma_start3A_78] : memref<10240x128xf32, #tpu.memory_space<hbm>> -> memref<128x128xf32, #tpu.memory_space<hbm>>
        tpu.enqueue_dma source(%arg8 : memref<128x128xf32, #tpu.memory_space<vmem>>) target(%dma_start3A_79 : memref<128x128xf32, #tpu.memory_space<hbm>>) target_semaphore(%run_scoped3A : memref<!tpu.dma_semaphore, #tpu.memory_space<semaphore_mem>>)
        %dma_wait3A = arith.constant 0 : i32
        %dma_wait3A_80 = tpu.memref_slice %arg6[%add3A_42, %dma_wait3A] : memref<10240x128xf32, #tpu.memory_space<hbm>> -> memref<128x128xf32, #tpu.memory_space<hbm>>
        %dma_wait3A_81 = arith.constant 0 : i32
        %dma_wait3A_82 = tpu.memref_slice %arg6[%add3A_42, %dma_wait3A_81] : memref<10240x128xf32, #tpu.memory_space<hbm>> -> memref<128x128xf32, #tpu.memory_space<hbm>>
        tpu.wait_dma2 semaphore(%run_scoped3A : memref<!tpu.dma_semaphore, #tpu.memory_space<semaphore_mem>>) src(%arg8 : memref<128x128xf32, #tpu.memory_space<vmem>>) dst(%dma_wait3A_82 : memref<128x128xf32, #tpu.memory_space<hbm>>)
        tpu.yield
      }) : () -> ()
    } else {
    }
    %add3A_53 = arith.constant 384 : i32
    %add3A_54 = arith.addi %mul3A_19, %add3A_53 : i32
    "tpu.region"() ({
      %run_scoped3A = tpu.sem_alloc : memref<!tpu.dma_semaphore, #tpu.memory_space<semaphore_mem>>
      %dma_start3A = arith.constant 0 : i32
      %dma_start3A_77 = tpu.memref_slice %arg9[%add3A_54, %dma_start3A] : memref<10240x128xf32, #tpu.memory_space<vmem_shared>> -> memref<128x128xf32, #tpu.memory_space<vmem_shared>>
      %dma_start3A_78 = arith.constant 0 : i32
      %dma_start3A_79 = tpu.memref_slice %arg9[%add3A_54, %dma_start3A_78] : memref<10240x128xf32, #tpu.memory_space<vmem_shared>> -> memref<128x128xf32, #tpu.memory_space<vmem_shared>>
      tpu.enqueue_dma source(%dma_start3A_79 : memref<128x128xf32, #tpu.memory_space<vmem_shared>>) target(%arg8 : memref<128x128xf32, #tpu.memory_space<vmem>>) target_semaphore(%run_scoped3A : memref<!tpu.dma_semaphore, #tpu.memory_space<semaphore_mem>>)
      %dma_wait3A = arith.constant 0 : i32
      %dma_wait3A_80 = tpu.memref_slice %arg9[%add3A_54, %dma_wait3A] : memref<10240x128xf32, #tpu.memory_space<vmem_shared>> -> memref<128x128xf32, #tpu.memory_space<vmem_shared>>
      %dma_wait3A_81 = arith.constant 0 : i32
      %dma_wait3A_82 = tpu.memref_slice %arg9[%add3A_54, %dma_wait3A_81] : memref<10240x128xf32, #tpu.memory_space<vmem_shared>> -> memref<128x128xf32, #tpu.memory_space<vmem_shared>>
      tpu.wait_dma2 semaphore(%run_scoped3A : memref<!tpu.dma_semaphore, #tpu.memory_space<semaphore_mem>>) src(%dma_wait3A_82 : memref<128x128xf32, #tpu.memory_space<vmem_shared>>) dst(%arg8 : memref<128x128xf32, #tpu.memory_space<vmem>>)
      tpu.yield
    }) : () -> ()
    %eq3A_55 = arith.constant 0 : i32
    %eq3A_56 = arith.cmpi eq, %arg0, %eq3A_55 : i32
    %convert_element_type3A_57 = arith.extui %eq3A_56 : i1 to i32
    %cond3A_58 = arith.constant 0 : i32
    %cond3A_59 = arith.cmpi ne, %convert_element_type3A_57, %cond3A_58 : i32
    scf.if %cond3A_59 {
      "tpu.region"() ({
        %run_scoped3A = tpu.sem_alloc : memref<!tpu.dma_semaphore, #tpu.memory_space<semaphore_mem>>
        %dma_start3A = arith.constant 0 : i32
        %dma_start3A_77 = tpu.memref_slice %arg5[%add3A_54, %dma_start3A] : memref<10240x128xf32, #tpu.memory_space<hbm>> -> memref<128x128xf32, #tpu.memory_space<hbm>>
        %dma_start3A_78 = arith.constant 0 : i32
        %dma_start3A_79 = tpu.memref_slice %arg5[%add3A_54, %dma_start3A_78] : memref<10240x128xf32, #tpu.memory_space<hbm>> -> memref<128x128xf32, #tpu.memory_space<hbm>>
        tpu.enqueue_dma source(%arg8 : memref<128x128xf32, #tpu.memory_space<vmem>>) target(%dma_start3A_79 : memref<128x128xf32, #tpu.memory_space<hbm>>) target_semaphore(%run_scoped3A : memref<!tpu.dma_semaphore, #tpu.memory_space<semaphore_mem>>)
        %dma_wait3A = arith.constant 0 : i32
        %dma_wait3A_80 = tpu.memref_slice %arg5[%add3A_54, %dma_wait3A] : memref<10240x128xf32, #tpu.memory_space<hbm>> -> memref<128x128xf32, #tpu.memory_space<hbm>>
        %dma_wait3A_81 = arith.constant 0 : i32
        %dma_wait3A_82 = tpu.memref_slice %arg5[%add3A_54, %dma_wait3A_81] : memref<10240x128xf32, #tpu.memory_space<hbm>> -> memref<128x128xf32, #tpu.memory_space<hbm>>
        tpu.wait_dma2 semaphore(%run_scoped3A : memref<!tpu.dma_semaphore, #tpu.memory_space<semaphore_mem>>) src(%arg8 : memref<128x128xf32, #tpu.memory_space<vmem>>) dst(%dma_wait3A_82 : memref<128x128xf32, #tpu.memory_space<hbm>>)
        tpu.yield
      }) : () -> ()
    } else {
    }
    %eq3A_60 = arith.constant 1 : i32
    %eq3A_61 = arith.cmpi eq, %arg0, %eq3A_60 : i32
    %convert_element_type3A_62 = arith.extui %eq3A_61 : i1 to i32
    %cond3A_63 = arith.constant 0 : i32
    %cond3A_64 = arith.cmpi ne, %convert_element_type3A_62, %cond3A_63 : i32
    scf.if %cond3A_64 {
      "tpu.region"() ({
        %run_scoped3A = tpu.sem_alloc : memref<!tpu.dma_semaphore, #tpu.memory_space<semaphore_mem>>
        %dma_start3A = arith.constant 0 : i32
        %dma_start3A_77 = tpu.memref_slice %arg6[%add3A_54, %dma_start3A] : memref<10240x128xf32, #tpu.memory_space<hbm>> -> memref<128x128xf32, #tpu.memory_space<hbm>>
        %dma_start3A_78 = arith.constant 0 : i32
        %dma_start3A_79 = tpu.memref_slice %arg6[%add3A_54, %dma_start3A_78] : memref<10240x128xf32, #tpu.memory_space<hbm>> -> memref<128x128xf32, #tpu.memory_space<hbm>>
        tpu.enqueue_dma source(%arg8 : memref<128x128xf32, #tpu.memory_space<vmem>>) target(%dma_start3A_79 : memref<128x128xf32, #tpu.memory_space<hbm>>) target_semaphore(%run_scoped3A : memref<!tpu.dma_semaphore, #tpu.memory_space<semaphore_mem>>)
        %dma_wait3A = arith.constant 0 : i32
        %dma_wait3A_80 = tpu.memref_slice %arg6[%add3A_54, %dma_wait3A] : memref<10240x128xf32, #tpu.memory_space<hbm>> -> memref<128x128xf32, #tpu.memory_space<hbm>>
        %dma_wait3A_81 = arith.constant 0 : i32
        %dma_wait3A_82 = tpu.memref_slice %arg6[%add3A_54, %dma_wait3A_81] : memref<10240x128xf32, #tpu.memory_space<hbm>> -> memref<128x128xf32, #tpu.memory_space<hbm>>
        tpu.wait_dma2 semaphore(%run_scoped3A : memref<!tpu.dma_semaphore, #tpu.memory_space<semaphore_mem>>) src(%arg8 : memref<128x128xf32, #tpu.memory_space<vmem>>) dst(%dma_wait3A_82 : memref<128x128xf32, #tpu.memory_space<hbm>>)
        tpu.yield
      }) : () -> ()
    } else {
    }
    %add3A_65 = arith.constant 512 : i32
    %add3A_66 = arith.addi %mul3A_19, %add3A_65 : i32
    "tpu.region"() ({
      %run_scoped3A = tpu.sem_alloc : memref<!tpu.dma_semaphore, #tpu.memory_space<semaphore_mem>>
      %dma_start3A = arith.constant 0 : i32
      %dma_start3A_77 = tpu.memref_slice %arg9[%add3A_66, %dma_start3A] : memref<10240x128xf32, #tpu.memory_space<vmem_shared>> -> memref<128x128xf32, #tpu.memory_space<vmem_shared>>
      %dma_start3A_78 = arith.constant 0 : i32
      %dma_start3A_79 = tpu.memref_slice %arg9[%add3A_66, %dma_start3A_78] : memref<10240x128xf32, #tpu.memory_space<vmem_shared>> -> memref<128x128xf32, #tpu.memory_space<vmem_shared>>
      tpu.enqueue_dma source(%dma_start3A_79 : memref<128x128xf32, #tpu.memory_space<vmem_shared>>) target(%arg8 : memref<128x128xf32, #tpu.memory_space<vmem>>) target_semaphore(%run_scoped3A : memref<!tpu.dma_semaphore, #tpu.memory_space<semaphore_mem>>)
      %dma_wait3A = arith.constant 0 : i32
      %dma_wait3A_80 = tpu.memref_slice %arg9[%add3A_66, %dma_wait3A] : memref<10240x128xf32, #tpu.memory_space<vmem_shared>> -> memref<128x128xf32, #tpu.memory_space<vmem_shared>>
      %dma_wait3A_81 = arith.constant 0 : i32
      %dma_wait3A_82 = tpu.memref_slice %arg9[%add3A_66, %dma_wait3A_81] : memref<10240x128xf32, #tpu.memory_space<vmem_shared>> -> memref<128x128xf32, #tpu.memory_space<vmem_shared>>
      tpu.wait_dma2 semaphore(%run_scoped3A : memref<!tpu.dma_semaphore, #tpu.memory_space<semaphore_mem>>) src(%dma_wait3A_82 : memref<128x128xf32, #tpu.memory_space<vmem_shared>>) dst(%arg8 : memref<128x128xf32, #tpu.memory_space<vmem>>)
      tpu.yield
    }) : () -> ()
    %eq3A_67 = arith.constant 0 : i32
    %eq3A_68 = arith.cmpi eq, %arg0, %eq3A_67 : i32
    %convert_element_type3A_69 = arith.extui %eq3A_68 : i1 to i32
    %cond3A_70 = arith.constant 0 : i32
    %cond3A_71 = arith.cmpi ne, %convert_element_type3A_69, %cond3A_70 : i32
    scf.if %cond3A_71 {
      "tpu.region"() ({
        %run_scoped3A = tpu.sem_alloc : memref<!tpu.dma_semaphore, #tpu.memory_space<semaphore_mem>>
        %dma_start3A = arith.constant 0 : i32
        %dma_start3A_77 = tpu.memref_slice %arg5[%add3A_66, %dma_start3A] : memref<10240x128xf32, #tpu.memory_space<hbm>> -> memref<128x128xf32, #tpu.memory_space<hbm>>
        %dma_start3A_78 = arith.constant 0 : i32
        %dma_start3A_79 = tpu.memref_slice %arg5[%add3A_66, %dma_start3A_78] : memref<10240x128xf32, #tpu.memory_space<hbm>> -> memref<128x128xf32, #tpu.memory_space<hbm>>
        tpu.enqueue_dma source(%arg8 : memref<128x128xf32, #tpu.memory_space<vmem>>) target(%dma_start3A_79 : memref<128x128xf32, #tpu.memory_space<hbm>>) target_semaphore(%run_scoped3A : memref<!tpu.dma_semaphore, #tpu.memory_space<semaphore_mem>>)
        %dma_wait3A = arith.constant 0 : i32
        %dma_wait3A_80 = tpu.memref_slice %arg5[%add3A_66, %dma_wait3A] : memref<10240x128xf32, #tpu.memory_space<hbm>> -> memref<128x128xf32, #tpu.memory_space<hbm>>
        %dma_wait3A_81 = arith.constant 0 : i32
        %dma_wait3A_82 = tpu.memref_slice %arg5[%add3A_66, %dma_wait3A_81] : memref<10240x128xf32, #tpu.memory_space<hbm>> -> memref<128x128xf32, #tpu.memory_space<hbm>>
        tpu.wait_dma2 semaphore(%run_scoped3A : memref<!tpu.dma_semaphore, #tpu.memory_space<semaphore_mem>>) src(%arg8 : memref<128x128xf32, #tpu.memory_space<vmem>>) dst(%dma_wait3A_82 : memref<128x128xf32, #tpu.memory_space<hbm>>)
        tpu.yield
      }) : () -> ()
    } else {
    }
    %eq3A_72 = arith.constant 1 : i32
    %eq3A_73 = arith.cmpi eq, %arg0, %eq3A_72 : i32
    %convert_element_type3A_74 = arith.extui %eq3A_73 : i1 to i32
    %cond3A_75 = arith.constant 0 : i32
    %cond3A_76 = arith.cmpi ne, %convert_element_type3A_74, %cond3A_75 : i32
    scf.if %cond3A_76 {
      "tpu.region"() ({
        %run_scoped3A = tpu.sem_alloc : memref<!tpu.dma_semaphore, #tpu.memory_space<semaphore_mem>>
        %dma_start3A = arith.constant 0 : i32
        %dma_start3A_77 = tpu.memref_slice %arg6[%add3A_66, %dma_start3A] : memref<10240x128xf32, #tpu.memory_space<hbm>> -> memref<128x128xf32, #tpu.memory_space<hbm>>
        %dma_start3A_78 = arith.constant 0 : i32
        %dma_start3A_79 = tpu.memref_slice %arg6[%add3A_66, %dma_start3A_78] : memref<10240x128xf32, #tpu.memory_space<hbm>> -> memref<128x128xf32, #tpu.memory_space<hbm>>
        tpu.enqueue_dma source(%arg8 : memref<128x128xf32, #tpu.memory_space<vmem>>) target(%dma_start3A_79 : memref<128x128xf32, #tpu.memory_space<hbm>>) target_semaphore(%run_scoped3A : memref<!tpu.dma_semaphore, #tpu.memory_space<semaphore_mem>>)
        %dma_wait3A = arith.constant 0 : i32
        %dma_wait3A_80 = tpu.memref_slice %arg6[%add3A_66, %dma_wait3A] : memref<10240x128xf32, #tpu.memory_space<hbm>> -> memref<128x128xf32, #tpu.memory_space<hbm>>
        %dma_wait3A_81 = arith.constant 0 : i32
        %dma_wait3A_82 = tpu.memref_slice %arg6[%add3A_66, %dma_wait3A_81] : memref<10240x128xf32, #tpu.memory_space<hbm>> -> memref<128x128xf32, #tpu.memory_space<hbm>>
        tpu.wait_dma2 semaphore(%run_scoped3A : memref<!tpu.dma_semaphore, #tpu.memory_space<semaphore_mem>>) src(%arg8 : memref<128x128xf32, #tpu.memory_space<vmem>>) dst(%dma_wait3A_82 : memref<128x128xf32, #tpu.memory_space<hbm>>)
        tpu.yield
      }) : () -> ()
    } else {
    }
    return
  }
}

#map = affine_map<(d0, d1) -> (0, 0, 0)>
#map1 = affine_map<(d0, d1) -> (0, 0)>
module attributes {stable_mosaic.version = 14 : i64} {
  func.func @_sc_scatter_body(%arg0: i32, %arg1: i32, %arg2: memref<2500x2x128xi32, #tpu.memory_space<hbm>>, %arg3: memref<10000x128xf32, #tpu.memory_space<hbm>>, %arg4: memref<128x128xf32, #tpu.memory_space<hbm>>, %arg5: memref<10240x128xf32, #tpu.memory_space<hbm>>, %arg6: memref<10240x128xf32, #tpu.memory_space<hbm>>, %arg7: memref<2x128xi32, #tpu.memory_space<vmem>>, %arg8: memref<128x128xf32, #tpu.memory_space<vmem>>, %arg9: memref<10240x128xf32, #tpu.memory_space<vmem_shared>>, %arg10: memref<!tpu.dma_semaphore, #tpu.memory_space<semaphore_mem>>) attributes {dimension_semantics = [#tpu.dimension_semantics<core_parallel>, #tpu.dimension_semantics<subcore_parallel>], iteration_bounds = array<i64: 2, 16>, scalar_prefetch = 0 : i64, scratch_operands = 4 : i64, tpu.core_type = #tpu.core_type<sc_vector_subcore>, window_params = [{transform_indices = #map}, {transform_indices = #map1}, {transform_indices = #map1}, {transform_indices = #map1}, {transform_indices = #map1}]} {
    %mul3A = arith.constant 2 : i32
    %mul3A_0 = arith.muli %arg1, %mul3A : i32
    %add3A = arith.addi %mul3A_0, %arg0 : i32
    %mul3A_1 = arith.constant 640 : i32
    %mul3A_2 = arith.muli %arg1, %mul3A_1 : i32
    %add3A_3 = arith.constant 0 : i32
    %add3A_4 = arith.addi %mul3A_2, %add3A_3 : i32
    "tpu.region"() ({
      %run_scoped3A = tpu.sem_alloc : memref<!tpu.dma_semaphore, #tpu.memory_space<semaphore_mem>>
      %dma_start3A = arith.constant 0 : i32
      %dma_start3A_77 = tpu.memref_slice %arg9[%add3A_4, %dma_start3A] : memref<10240x128xf32, #tpu.memory_space<vmem_shared>> -> memref<128x128xf32, #tpu.memory_space<vmem_shared>>
      tpu.enqueue_dma source(%arg4 : memref<128x128xf32, #tpu.memory_space<hbm>>) target(%dma_start3A_77 : memref<128x128xf32, #tpu.memory_space<vmem_shared>>) target_semaphore(%run_scoped3A : memref<!tpu.dma_semaphore, #tpu.memory_space<semaphore_mem>>)
      %dma_wait3A = arith.constant 0 : i32
      %dma_wait3A_78 = tpu.memref_slice %arg9[%add3A_4, %dma_wait3A] : memref<10240x128xf32, #tpu.memory_space<vmem_shared>> -> memref<128x128xf32, #tpu.memory_space<vmem_shared>>
      tpu.wait_dma2 semaphore(%run_scoped3A : memref<!tpu.dma_semaphore, #tpu.memory_space<semaphore_mem>>) src(%arg4 : memref<128x128xf32, #tpu.memory_space<hbm>>) dst(%dma_wait3A_78 : memref<128x128xf32, #tpu.memory_space<vmem_shared>>)
      tpu.yield
    }) : () -> ()
    %add3A_5 = arith.constant 128 : i32
    %add3A_6 = arith.addi %mul3A_2, %add3A_5 : i32
    "tpu.region"() ({
      %run_scoped3A = tpu.sem_alloc : memref<!tpu.dma_semaphore, #tpu.memory_space<semaphore_mem>>
      %dma_start3A = arith.constant 0 : i32
      %dma_start3A_77 = tpu.memref_slice %arg9[%add3A_6, %dma_start3A] : memref<10240x128xf32, #tpu.memory_space<vmem_shared>> -> memref<128x128xf32, #tpu.memory_space<vmem_shared>>
      tpu.enqueue_dma source(%arg4 : memref<128x128xf32, #tpu.memory_space<hbm>>) target(%dma_start3A_77 : memref<128x128xf32, #tpu.memory_space<vmem_shared>>) target_semaphore(%run_scoped3A : memref<!tpu.dma_semaphore, #tpu.memory_space<semaphore_mem>>)
      %dma_wait3A = arith.constant 0 : i32
      %dma_wait3A_78 = tpu.memref_slice %arg9[%add3A_6, %dma_wait3A] : memref<10240x128xf32, #tpu.memory_space<vmem_shared>> -> memref<128x128xf32, #tpu.memory_space<vmem_shared>>
      tpu.wait_dma2 semaphore(%run_scoped3A : memref<!tpu.dma_semaphore, #tpu.memory_space<semaphore_mem>>) src(%arg4 : memref<128x128xf32, #tpu.memory_space<hbm>>) dst(%dma_wait3A_78 : memref<128x128xf32, #tpu.memory_space<vmem_shared>>)
      tpu.yield
    }) : () -> ()
    %add3A_7 = arith.constant 256 : i32
    %add3A_8 = arith.addi %mul3A_2, %add3A_7 : i32
    "tpu.region"() ({
      %run_scoped3A = tpu.sem_alloc : memref<!tpu.dma_semaphore, #tpu.memory_space<semaphore_mem>>
      %dma_start3A = arith.constant 0 : i32
      %dma_start3A_77 = tpu.memref_slice %arg9[%add3A_8, %dma_start3A] : memref<10240x128xf32, #tpu.memory_space<vmem_shared>> -> memref<128x128xf32, #tpu.memory_space<vmem_shared>>
      tpu.enqueue_dma source(%arg4 : memref<128x128xf32, #tpu.memory_space<hbm>>) target(%dma_start3A_77 : memref<128x128xf32, #tpu.memory_space<vmem_shared>>) target_semaphore(%run_scoped3A : memref<!tpu.dma_semaphore, #tpu.memory_space<semaphore_mem>>)
      %dma_wait3A = arith.constant 0 : i32
      %dma_wait3A_78 = tpu.memref_slice %arg9[%add3A_8, %dma_wait3A] : memref<10240x128xf32, #tpu.memory_space<vmem_shared>> -> memref<128x128xf32, #tpu.memory_space<vmem_shared>>
      tpu.wait_dma2 semaphore(%run_scoped3A : memref<!tpu.dma_semaphore, #tpu.memory_space<semaphore_mem>>) src(%arg4 : memref<128x128xf32, #tpu.memory_space<hbm>>) dst(%dma_wait3A_78 : memref<128x128xf32, #tpu.memory_space<vmem_shared>>)
      tpu.yield
    }) : () -> ()
    %add3A_9 = arith.constant 384 : i32
    %add3A_10 = arith.addi %mul3A_2, %add3A_9 : i32
    "tpu.region"() ({
      %run_scoped3A = tpu.sem_alloc : memref<!tpu.dma_semaphore, #tpu.memory_space<semaphore_mem>>
      %dma_start3A = arith.constant 0 : i32
      %dma_start3A_77 = tpu.memref_slice %arg9[%add3A_10, %dma_start3A] : memref<10240x128xf32, #tpu.memory_space<vmem_shared>> -> memref<128x128xf32, #tpu.memory_space<vmem_shared>>
      tpu.enqueue_dma source(%arg4 : memref<128x128xf32, #tpu.memory_space<hbm>>) target(%dma_start3A_77 : memref<128x128xf32, #tpu.memory_space<vmem_shared>>) target_semaphore(%run_scoped3A : memref<!tpu.dma_semaphore, #tpu.memory_space<semaphore_mem>>)
      %dma_wait3A = arith.constant 0 : i32
      %dma_wait3A_78 = tpu.memref_slice %arg9[%add3A_10, %dma_wait3A] : memref<10240x128xf32, #tpu.memory_space<vmem_shared>> -> memref<128x128xf32, #tpu.memory_space<vmem_shared>>
      tpu.wait_dma2 semaphore(%run_scoped3A : memref<!tpu.dma_semaphore, #tpu.memory_space<semaphore_mem>>) src(%arg4 : memref<128x128xf32, #tpu.memory_space<hbm>>) dst(%dma_wait3A_78 : memref<128x128xf32, #tpu.memory_space<vmem_shared>>)
      tpu.yield
    }) : () -> ()
    %add3A_11 = arith.constant 512 : i32
    %add3A_12 = arith.addi %mul3A_2, %add3A_11 : i32
    "tpu.region"() ({
      %run_scoped3A = tpu.sem_alloc : memref<!tpu.dma_semaphore, #tpu.memory_space<semaphore_mem>>
      %dma_start3A = arith.constant 0 : i32
      %dma_start3A_77 = tpu.memref_slice %arg9[%add3A_12, %dma_start3A] : memref<10240x128xf32, #tpu.memory_space<vmem_shared>> -> memref<128x128xf32, #tpu.memory_space<vmem_shared>>
      tpu.enqueue_dma source(%arg4 : memref<128x128xf32, #tpu.memory_space<hbm>>) target(%dma_start3A_77 : memref<128x128xf32, #tpu.memory_space<vmem_shared>>) target_semaphore(%run_scoped3A : memref<!tpu.dma_semaphore, #tpu.memory_space<semaphore_mem>>)
      %dma_wait3A = arith.constant 0 : i32
      %dma_wait3A_78 = tpu.memref_slice %arg9[%add3A_12, %dma_wait3A] : memref<10240x128xf32, #tpu.memory_space<vmem_shared>> -> memref<128x128xf32, #tpu.memory_space<vmem_shared>>
      tpu.wait_dma2 semaphore(%run_scoped3A : memref<!tpu.dma_semaphore, #tpu.memory_space<semaphore_mem>>) src(%arg4 : memref<128x128xf32, #tpu.memory_space<hbm>>) dst(%dma_wait3A_78 : memref<128x128xf32, #tpu.memory_space<vmem_shared>>)
      tpu.yield
    }) : () -> ()
    %barrier3A = arith.constant 0 : index
    tpu.barrier barrier_id(%barrier3A)
    %scan3A = arith.constant 0 : i32
    %scan3A_13 = arith.constant 79 : i32
    %scan3A_14 = arith.addi %scan3A, %scan3A_13 : i32
    %scan3A_15 = arith.constant 1 : i32
    scf.for %scan3A_77 = %scan3A to %scan3A_14 step %scan3A_15  : i32 {
      %mul3A_78 = arith.constant 1 : i32
      %mul3A_79 = arith.muli %scan3A_77, %mul3A_78 : i32
      %add3A_80 = arith.constant 0 : i32
      %add3A_81 = arith.addi %add3A_80, %mul3A_79 : i32
      %mul3A_82 = arith.constant 32 : i32
      %mul3A_83 = arith.muli %add3A_81, %mul3A_82 : i32
      %add3A_84 = arith.addi %mul3A_83, %add3A : i32
      %lt3A = arith.constant 2500 : i32
      %lt3A_85 = arith.cmpi slt, %add3A_84, %lt3A : i32
      %convert_element_type3A_86 = arith.extui %lt3A_85 : i1 to i32
      %cond3A_87 = arith.constant 0 : i32
      %cond3A_88 = arith.cmpi ne, %convert_element_type3A_86, %cond3A_87 : i32
      scf.if %cond3A_88 {
        "tpu.region"() ({
          %run_scoped3A_101 = tpu.sem_alloc : memref<!tpu.dma_semaphore, #tpu.memory_space<semaphore_mem>>
          %dma_start3A_102 = arith.constant 0 : i32
          %dma_start3A_103 = arith.constant 0 : i32
          %dma_start3A_104 = tpu.memref_slice %arg2[%add3A_84, %dma_start3A_102, %dma_start3A_103] : memref<2500x2x128xi32, #tpu.memory_space<hbm>> -> memref<1x2x128xi32, #tpu.memory_space<hbm>>
          %dma_start3A_105 = tpu.memref_squeeze %dma_start3A_104 : memref<1x2x128xi32, #tpu.memory_space<hbm>> -> memref<2x128xi32, #tpu.memory_space<hbm>>
          %dma_start3A_106 = arith.constant 0 : i32
          %dma_start3A_107 = arith.constant 0 : i32
          %dma_start3A_108 = tpu.memref_slice %arg2[%add3A_84, %dma_start3A_106, %dma_start3A_107] : memref<2500x2x128xi32, #tpu.memory_space<hbm>> -> memref<1x2x128xi32, #tpu.memory_space<hbm>>
          %dma_start3A_109 = tpu.memref_squeeze %dma_start3A_108 : memref<1x2x128xi32, #tpu.memory_space<hbm>> -> memref<2x128xi32, #tpu.memory_space<hbm>>
          tpu.enqueue_dma source(%dma_start3A_109 : memref<2x128xi32, #tpu.memory_space<hbm>>) target(%arg7 : memref<2x128xi32, #tpu.memory_space<vmem>>) target_semaphore(%run_scoped3A_101 : memref<!tpu.dma_semaphore, #tpu.memory_space<semaphore_mem>>)
          %dma_wait3A_110 = arith.constant 0 : i32
          %dma_wait3A_111 = arith.constant 0 : i32
          %dma_wait3A_112 = tpu.memref_slice %arg2[%add3A_84, %dma_wait3A_110, %dma_wait3A_111] : memref<2500x2x128xi32, #tpu.memory_space<hbm>> -> memref<1x2x128xi32, #tpu.memory_space<hbm>>
          %dma_wait3A_113 = tpu.memref_squeeze %dma_wait3A_112 : memref<1x2x128xi32, #tpu.memory_space<hbm>> -> memref<2x128xi32, #tpu.memory_space<hbm>>
          %dma_wait3A_114 = arith.constant 0 : i32
          %dma_wait3A_115 = arith.constant 0 : i32
          %dma_wait3A_116 = tpu.memref_slice %arg2[%add3A_84, %dma_wait3A_114, %dma_wait3A_115] : memref<2500x2x128xi32, #tpu.memory_space<hbm>> -> memref<1x2x128xi32, #tpu.memory_space<hbm>>
          %dma_wait3A_117 = tpu.memref_squeeze %dma_wait3A_116 : memref<1x2x128xi32, #tpu.memory_space<hbm>> -> memref<2x128xi32, #tpu.memory_space<hbm>>
          tpu.wait_dma2 semaphore(%run_scoped3A_101 : memref<!tpu.dma_semaphore, #tpu.memory_space<semaphore_mem>>) src(%dma_wait3A_117 : memref<2x128xi32, #tpu.memory_space<hbm>>) dst(%arg7 : memref<2x128xi32, #tpu.memory_space<vmem>>)
          tpu.yield
        }) : () -> ()
        %dma_start3A = arith.constant 0 : i32
        %dma_start3A_89 = arith.constant 0 : i32
        %dma_start3A_90 = tpu.memref_slice %arg7[%dma_start3A, %dma_start3A_89] : memref<2x128xi32, #tpu.memory_space<vmem>> -> memref<1x128xi32, #tpu.memory_space<vmem>>
        %dma_start3A_91 = tpu.memref_squeeze %dma_start3A_90 : memref<1x128xi32, #tpu.memory_space<vmem>> -> memref<128xi32, #tpu.memory_space<vmem>>
        %dma_start3A_92 = arith.constant 0 : i32
        %dma_start3A_93 = arith.constant 0 : i32
        %dma_start3A_94 = tpu.memref_slice %arg3[%dma_start3A_92, %dma_start3A_93] : memref<10000x128xf32, #tpu.memory_space<hbm>> -> memref<10000x128xf32, #tpu.memory_space<hbm>>
        tpu.enqueue_indirect_dma source(%dma_start3A_94 : memref<10000x128xf32, #tpu.memory_space<hbm>>) target(%arg8 : memref<128x128xf32, #tpu.memory_space<vmem>>) offsets(%dma_start3A_91 : memref<128xi32, #tpu.memory_space<vmem>>) semaphore(%arg10 : memref<!tpu.dma_semaphore, #tpu.memory_space<semaphore_mem>>)
        %dma_wait3A = arith.constant 0 : i32
        %dma_wait3A_95 = arith.constant 0 : i32
        %dma_wait3A_96 = tpu.memref_slice %arg7[%dma_wait3A, %dma_wait3A_95] : memref<2x128xi32, #tpu.memory_space<vmem>> -> memref<1x128xi32, #tpu.memory_space<vmem>>
        %dma_wait3A_97 = tpu.memref_squeeze %dma_wait3A_96 : memref<1x128xi32, #tpu.memory_space<vmem>> -> memref<128xi32, #tpu.memory_space<vmem>>
        %dma_wait3A_98 = arith.constant 0 : i32
        %dma_wait3A_99 = arith.constant 0 : i32
        %dma_wait3A_100 = tpu.memref_slice %arg3[%dma_wait3A_98, %dma_wait3A_99] : memref<10000x128xf32, #tpu.memory_space<hbm>> -> memref<10000x128xf32, #tpu.memory_space<hbm>>
        tpu.wait_indirect_dma semaphore(%arg10 : memref<!tpu.dma_semaphore, #tpu.memory_space<semaphore_mem>>) src(%dma_wait3A_100 : memref<10000x128xf32, #tpu.memory_space<hbm>>) dst(%arg8 : memref<128x128xf32, #tpu.memory_space<vmem>>)
        %run_scoped3A = arith.constant 1 : i32
        "tpu.region"() ({
          %run_scoped3A_101 = tpu.sem_alloc : memref<!tpu.dma_semaphore, #tpu.memory_space<semaphore_mem>>
          %dma_start3A_102 = arith.constant 0 : i32
          %dma_start3A_103 = tpu.memref_slice %arg7[%run_scoped3A, %dma_start3A_102] : memref<2x128xi32, #tpu.memory_space<vmem>> -> memref<1x128xi32, #tpu.memory_space<vmem>>
          %dma_start3A_104 = tpu.memref_squeeze %dma_start3A_103 : memref<1x128xi32, #tpu.memory_space<vmem>> -> memref<128xi32, #tpu.memory_space<vmem>>
          %dma_start3A_105 = arith.constant 0 : i32
          %dma_start3A_106 = arith.constant 0 : i32
          %dma_start3A_107 = tpu.memref_slice %arg9[%dma_start3A_105, %dma_start3A_106] : memref<10240x128xf32, #tpu.memory_space<vmem_shared>> -> memref<10240x128xf32, #tpu.memory_space<vmem_shared>>
          tpu.enqueue_indirect_dma source(%arg8 : memref<128x128xf32, #tpu.memory_space<vmem>>) target(%dma_start3A_107 : memref<10240x128xf32, #tpu.memory_space<vmem_shared>>) offsets(%dma_start3A_104 : memref<128xi32, #tpu.memory_space<vmem>>) semaphore(%run_scoped3A_101 : memref<!tpu.dma_semaphore, #tpu.memory_space<semaphore_mem>>) {add = true}
          %dma_wait3A_108 = arith.constant 0 : i32
          %dma_wait3A_109 = tpu.memref_slice %arg7[%run_scoped3A, %dma_wait3A_108] : memref<2x128xi32, #tpu.memory_space<vmem>> -> memref<1x128xi32, #tpu.memory_space<vmem>>
          %dma_wait3A_110 = tpu.memref_squeeze %dma_wait3A_109 : memref<1x128xi32, #tpu.memory_space<vmem>> -> memref<128xi32, #tpu.memory_space<vmem>>
          %dma_wait3A_111 = arith.constant 0 : i32
          %dma_wait3A_112 = arith.constant 0 : i32
          %dma_wait3A_113 = tpu.memref_slice %arg9[%dma_wait3A_111, %dma_wait3A_112] : memref<10240x128xf32, #tpu.memory_space<vmem_shared>> -> memref<10240x128xf32, #tpu.memory_space<vmem_shared>>
          tpu.wait_indirect_dma semaphore(%run_scoped3A_101 : memref<!tpu.dma_semaphore, #tpu.memory_space<semaphore_mem>>) src(%arg8 : memref<128x128xf32, #tpu.memory_space<vmem>>) dst(%dma_wait3A_113 : memref<10240x128xf32, #tpu.memory_space<vmem_shared>>)
          tpu.yield
        }) : () -> ()
      } else {
      }
    }
    %scan3A_16 = arith.constant 79 : i32
    %barrier3A_17 = arith.constant 0 : index
    tpu.barrier barrier_id(%barrier3A_17)
    %mul3A_18 = arith.constant 640 : i32
    %mul3A_19 = arith.muli %arg1, %mul3A_18 : i32
    %add3A_20 = arith.constant 0 : i32
    %add3A_21 = arith.addi %mul3A_19, %add3A_20 : i32
    "tpu.region"() ({
      %run_scoped3A = tpu.sem_alloc : memref<!tpu.dma_semaphore, #tpu.memory_space<semaphore_mem>>
      %dma_start3A = arith.constant 0 : i32
      %dma_start3A_77 = tpu.memref_slice %arg9[%add3A_21, %dma_start3A] : memref<10240x128xf32, #tpu.memory_space<vmem_shared>> -> memref<128x128xf32, #tpu.memory_space<vmem_shared>>
      %dma_start3A_78 = arith.constant 0 : i32
      %dma_start3A_79 = tpu.memref_slice %arg9[%add3A_21, %dma_start3A_78] : memref<10240x128xf32, #tpu.memory_space<vmem_shared>> -> memref<128x128xf32, #tpu.memory_space<vmem_shared>>
      tpu.enqueue_dma source(%dma_start3A_79 : memref<128x128xf32, #tpu.memory_space<vmem_shared>>) target(%arg8 : memref<128x128xf32, #tpu.memory_space<vmem>>) target_semaphore(%run_scoped3A : memref<!tpu.dma_semaphore, #tpu.memory_space<semaphore_mem>>)
      %dma_wait3A = arith.constant 0 : i32
      %dma_wait3A_80 = tpu.memref_slice %arg9[%add3A_21, %dma_wait3A] : memref<10240x128xf32, #tpu.memory_space<vmem_shared>> -> memref<128x128xf32, #tpu.memory_space<vmem_shared>>
      %dma_wait3A_81 = arith.constant 0 : i32
      %dma_wait3A_82 = tpu.memref_slice %arg9[%add3A_21, %dma_wait3A_81] : memref<10240x128xf32, #tpu.memory_space<vmem_shared>> -> memref<128x128xf32, #tpu.memory_space<vmem_shared>>
      tpu.wait_dma2 semaphore(%run_scoped3A : memref<!tpu.dma_semaphore, #tpu.memory_space<semaphore_mem>>) src(%dma_wait3A_82 : memref<128x128xf32, #tpu.memory_space<vmem_shared>>) dst(%arg8 : memref<128x128xf32, #tpu.memory_space<vmem>>)
      tpu.yield
    }) : () -> ()
    %eq3A = arith.constant 0 : i32
    %eq3A_22 = arith.cmpi eq, %arg0, %eq3A : i32
    %convert_element_type3A = arith.extui %eq3A_22 : i1 to i32
    %cond3A = arith.constant 0 : i32
    %cond3A_23 = arith.cmpi ne, %convert_element_type3A, %cond3A : i32
    scf.if %cond3A_23 {
      "tpu.region"() ({
        %run_scoped3A = tpu.sem_alloc : memref<!tpu.dma_semaphore, #tpu.memory_space<semaphore_mem>>
        %dma_start3A = arith.constant 0 : i32
        %dma_start3A_77 = tpu.memref_slice %arg5[%add3A_21, %dma_start3A] : memref<10240x128xf32, #tpu.memory_space<hbm>> -> memref<128x128xf32, #tpu.memory_space<hbm>>
        %dma_start3A_78 = arith.constant 0 : i32
        %dma_start3A_79 = tpu.memref_slice %arg5[%add3A_21, %dma_start3A_78] : memref<10240x128xf32, #tpu.memory_space<hbm>> -> memref<128x128xf32, #tpu.memory_space<hbm>>
        tpu.enqueue_dma source(%arg8 : memref<128x128xf32, #tpu.memory_space<vmem>>) target(%dma_start3A_79 : memref<128x128xf32, #tpu.memory_space<hbm>>) target_semaphore(%run_scoped3A : memref<!tpu.dma_semaphore, #tpu.memory_space<semaphore_mem>>)
        %dma_wait3A = arith.constant 0 : i32
        %dma_wait3A_80 = tpu.memref_slice %arg5[%add3A_21, %dma_wait3A] : memref<10240x128xf32, #tpu.memory_space<hbm>> -> memref<128x128xf32, #tpu.memory_space<hbm>>
        %dma_wait3A_81 = arith.constant 0 : i32
        %dma_wait3A_82 = tpu.memref_slice %arg5[%add3A_21, %dma_wait3A_81] : memref<10240x128xf32, #tpu.memory_space<hbm>> -> memref<128x128xf32, #tpu.memory_space<hbm>>
        tpu.wait_dma2 semaphore(%run_scoped3A : memref<!tpu.dma_semaphore, #tpu.memory_space<semaphore_mem>>) src(%arg8 : memref<128x128xf32, #tpu.memory_space<vmem>>) dst(%dma_wait3A_82 : memref<128x128xf32, #tpu.memory_space<hbm>>)
        tpu.yield
      }) : () -> ()
    } else {
    }
    %eq3A_24 = arith.constant 1 : i32
    %eq3A_25 = arith.cmpi eq, %arg0, %eq3A_24 : i32
    %convert_element_type3A_26 = arith.extui %eq3A_25 : i1 to i32
    %cond3A_27 = arith.constant 0 : i32
    %cond3A_28 = arith.cmpi ne, %convert_element_type3A_26, %cond3A_27 : i32
    scf.if %cond3A_28 {
      "tpu.region"() ({
        %run_scoped3A = tpu.sem_alloc : memref<!tpu.dma_semaphore, #tpu.memory_space<semaphore_mem>>
        %dma_start3A = arith.constant 0 : i32
        %dma_start3A_77 = tpu.memref_slice %arg6[%add3A_21, %dma_start3A] : memref<10240x128xf32, #tpu.memory_space<hbm>> -> memref<128x128xf32, #tpu.memory_space<hbm>>
        %dma_start3A_78 = arith.constant 0 : i32
        %dma_start3A_79 = tpu.memref_slice %arg6[%add3A_21, %dma_start3A_78] : memref<10240x128xf32, #tpu.memory_space<hbm>> -> memref<128x128xf32, #tpu.memory_space<hbm>>
        tpu.enqueue_dma source(%arg8 : memref<128x128xf32, #tpu.memory_space<vmem>>) target(%dma_start3A_79 : memref<128x128xf32, #tpu.memory_space<hbm>>) target_semaphore(%run_scoped3A : memref<!tpu.dma_semaphore, #tpu.memory_space<semaphore_mem>>)
        %dma_wait3A = arith.constant 0 : i32
        %dma_wait3A_80 = tpu.memref_slice %arg6[%add3A_21, %dma_wait3A] : memref<10240x128xf32, #tpu.memory_space<hbm>> -> memref<128x128xf32, #tpu.memory_space<hbm>>
        %dma_wait3A_81 = arith.constant 0 : i32
        %dma_wait3A_82 = tpu.memref_slice %arg6[%add3A_21, %dma_wait3A_81] : memref<10240x128xf32, #tpu.memory_space<hbm>> -> memref<128x128xf32, #tpu.memory_space<hbm>>
        tpu.wait_dma2 semaphore(%run_scoped3A : memref<!tpu.dma_semaphore, #tpu.memory_space<semaphore_mem>>) src(%arg8 : memref<128x128xf32, #tpu.memory_space<vmem>>) dst(%dma_wait3A_82 : memref<128x128xf32, #tpu.memory_space<hbm>>)
        tpu.yield
      }) : () -> ()
    } else {
    }
    %add3A_29 = arith.constant 128 : i32
    %add3A_30 = arith.addi %mul3A_19, %add3A_29 : i32
    "tpu.region"() ({
      %run_scoped3A = tpu.sem_alloc : memref<!tpu.dma_semaphore, #tpu.memory_space<semaphore_mem>>
      %dma_start3A = arith.constant 0 : i32
      %dma_start3A_77 = tpu.memref_slice %arg9[%add3A_30, %dma_start3A] : memref<10240x128xf32, #tpu.memory_space<vmem_shared>> -> memref<128x128xf32, #tpu.memory_space<vmem_shared>>
      %dma_start3A_78 = arith.constant 0 : i32
      %dma_start3A_79 = tpu.memref_slice %arg9[%add3A_30, %dma_start3A_78] : memref<10240x128xf32, #tpu.memory_space<vmem_shared>> -> memref<128x128xf32, #tpu.memory_space<vmem_shared>>
      tpu.enqueue_dma source(%dma_start3A_79 : memref<128x128xf32, #tpu.memory_space<vmem_shared>>) target(%arg8 : memref<128x128xf32, #tpu.memory_space<vmem>>) target_semaphore(%run_scoped3A : memref<!tpu.dma_semaphore, #tpu.memory_space<semaphore_mem>>)
      %dma_wait3A = arith.constant 0 : i32
      %dma_wait3A_80 = tpu.memref_slice %arg9[%add3A_30, %dma_wait3A] : memref<10240x128xf32, #tpu.memory_space<vmem_shared>> -> memref<128x128xf32, #tpu.memory_space<vmem_shared>>
      %dma_wait3A_81 = arith.constant 0 : i32
      %dma_wait3A_82 = tpu.memref_slice %arg9[%add3A_30, %dma_wait3A_81] : memref<10240x128xf32, #tpu.memory_space<vmem_shared>> -> memref<128x128xf32, #tpu.memory_space<vmem_shared>>
      tpu.wait_dma2 semaphore(%run_scoped3A : memref<!tpu.dma_semaphore, #tpu.memory_space<semaphore_mem>>) src(%dma_wait3A_82 : memref<128x128xf32, #tpu.memory_space<vmem_shared>>) dst(%arg8 : memref<128x128xf32, #tpu.memory_space<vmem>>)
      tpu.yield
    }) : () -> ()
    %eq3A_31 = arith.constant 0 : i32
    %eq3A_32 = arith.cmpi eq, %arg0, %eq3A_31 : i32
    %convert_element_type3A_33 = arith.extui %eq3A_32 : i1 to i32
    %cond3A_34 = arith.constant 0 : i32
    %cond3A_35 = arith.cmpi ne, %convert_element_type3A_33, %cond3A_34 : i32
    scf.if %cond3A_35 {
      "tpu.region"() ({
        %run_scoped3A = tpu.sem_alloc : memref<!tpu.dma_semaphore, #tpu.memory_space<semaphore_mem>>
        %dma_start3A = arith.constant 0 : i32
        %dma_start3A_77 = tpu.memref_slice %arg5[%add3A_30, %dma_start3A] : memref<10240x128xf32, #tpu.memory_space<hbm>> -> memref<128x128xf32, #tpu.memory_space<hbm>>
        %dma_start3A_78 = arith.constant 0 : i32
        %dma_start3A_79 = tpu.memref_slice %arg5[%add3A_30, %dma_start3A_78] : memref<10240x128xf32, #tpu.memory_space<hbm>> -> memref<128x128xf32, #tpu.memory_space<hbm>>
        tpu.enqueue_dma source(%arg8 : memref<128x128xf32, #tpu.memory_space<vmem>>) target(%dma_start3A_79 : memref<128x128xf32, #tpu.memory_space<hbm>>) target_semaphore(%run_scoped3A : memref<!tpu.dma_semaphore, #tpu.memory_space<semaphore_mem>>)
        %dma_wait3A = arith.constant 0 : i32
        %dma_wait3A_80 = tpu.memref_slice %arg5[%add3A_30, %dma_wait3A] : memref<10240x128xf32, #tpu.memory_space<hbm>> -> memref<128x128xf32, #tpu.memory_space<hbm>>
        %dma_wait3A_81 = arith.constant 0 : i32
        %dma_wait3A_82 = tpu.memref_slice %arg5[%add3A_30, %dma_wait3A_81] : memref<10240x128xf32, #tpu.memory_space<hbm>> -> memref<128x128xf32, #tpu.memory_space<hbm>>
        tpu.wait_dma2 semaphore(%run_scoped3A : memref<!tpu.dma_semaphore, #tpu.memory_space<semaphore_mem>>) src(%arg8 : memref<128x128xf32, #tpu.memory_space<vmem>>) dst(%dma_wait3A_82 : memref<128x128xf32, #tpu.memory_space<hbm>>)
        tpu.yield
      }) : () -> ()
    } else {
    }
    %eq3A_36 = arith.constant 1 : i32
    %eq3A_37 = arith.cmpi eq, %arg0, %eq3A_36 : i32
    %convert_element_type3A_38 = arith.extui %eq3A_37 : i1 to i32
    %cond3A_39 = arith.constant 0 : i32
    %cond3A_40 = arith.cmpi ne, %convert_element_type3A_38, %cond3A_39 : i32
    scf.if %cond3A_40 {
      "tpu.region"() ({
        %run_scoped3A = tpu.sem_alloc : memref<!tpu.dma_semaphore, #tpu.memory_space<semaphore_mem>>
        %dma_start3A = arith.constant 0 : i32
        %dma_start3A_77 = tpu.memref_slice %arg6[%add3A_30, %dma_start3A] : memref<10240x128xf32, #tpu.memory_space<hbm>> -> memref<128x128xf32, #tpu.memory_space<hbm>>
        %dma_start3A_78 = arith.constant 0 : i32
        %dma_start3A_79 = tpu.memref_slice %arg6[%add3A_30, %dma_start3A_78] : memref<10240x128xf32, #tpu.memory_space<hbm>> -> memref<128x128xf32, #tpu.memory_space<hbm>>
        tpu.enqueue_dma source(%arg8 : memref<128x128xf32, #tpu.memory_space<vmem>>) target(%dma_start3A_79 : memref<128x128xf32, #tpu.memory_space<hbm>>) target_semaphore(%run_scoped3A : memref<!tpu.dma_semaphore, #tpu.memory_space<semaphore_mem>>)
        %dma_wait3A = arith.constant 0 : i32
        %dma_wait3A_80 = tpu.memref_slice %arg6[%add3A_30, %dma_wait3A] : memref<10240x128xf32, #tpu.memory_space<hbm>> -> memref<128x128xf32, #tpu.memory_space<hbm>>
        %dma_wait3A_81 = arith.constant 0 : i32
        %dma_wait3A_82 = tpu.memref_slice %arg6[%add3A_30, %dma_wait3A_81] : memref<10240x128xf32, #tpu.memory_space<hbm>> -> memref<128x128xf32, #tpu.memory_space<hbm>>
        tpu.wait_dma2 semaphore(%run_scoped3A : memref<!tpu.dma_semaphore, #tpu.memory_space<semaphore_mem>>) src(%arg8 : memref<128x128xf32, #tpu.memory_space<vmem>>) dst(%dma_wait3A_82 : memref<128x128xf32, #tpu.memory_space<hbm>>)
        tpu.yield
      }) : () -> ()
    } else {
    }
    %add3A_41 = arith.constant 256 : i32
    %add3A_42 = arith.addi %mul3A_19, %add3A_41 : i32
    "tpu.region"() ({
      %run_scoped3A = tpu.sem_alloc : memref<!tpu.dma_semaphore, #tpu.memory_space<semaphore_mem>>
      %dma_start3A = arith.constant 0 : i32
      %dma_start3A_77 = tpu.memref_slice %arg9[%add3A_42, %dma_start3A] : memref<10240x128xf32, #tpu.memory_space<vmem_shared>> -> memref<128x128xf32, #tpu.memory_space<vmem_shared>>
      %dma_start3A_78 = arith.constant 0 : i32
      %dma_start3A_79 = tpu.memref_slice %arg9[%add3A_42, %dma_start3A_78] : memref<10240x128xf32, #tpu.memory_space<vmem_shared>> -> memref<128x128xf32, #tpu.memory_space<vmem_shared>>
      tpu.enqueue_dma source(%dma_start3A_79 : memref<128x128xf32, #tpu.memory_space<vmem_shared>>) target(%arg8 : memref<128x128xf32, #tpu.memory_space<vmem>>) target_semaphore(%run_scoped3A : memref<!tpu.dma_semaphore, #tpu.memory_space<semaphore_mem>>)
      %dma_wait3A = arith.constant 0 : i32
      %dma_wait3A_80 = tpu.memref_slice %arg9[%add3A_42, %dma_wait3A] : memref<10240x128xf32, #tpu.memory_space<vmem_shared>> -> memref<128x128xf32, #tpu.memory_space<vmem_shared>>
      %dma_wait3A_81 = arith.constant 0 : i32
      %dma_wait3A_82 = tpu.memref_slice %arg9[%add3A_42, %dma_wait3A_81] : memref<10240x128xf32, #tpu.memory_space<vmem_shared>> -> memref<128x128xf32, #tpu.memory_space<vmem_shared>>
      tpu.wait_dma2 semaphore(%run_scoped3A : memref<!tpu.dma_semaphore, #tpu.memory_space<semaphore_mem>>) src(%dma_wait3A_82 : memref<128x128xf32, #tpu.memory_space<vmem_shared>>) dst(%arg8 : memref<128x128xf32, #tpu.memory_space<vmem>>)
      tpu.yield
    }) : () -> ()
    %eq3A_43 = arith.constant 0 : i32
    %eq3A_44 = arith.cmpi eq, %arg0, %eq3A_43 : i32
    %convert_element_type3A_45 = arith.extui %eq3A_44 : i1 to i32
    %cond3A_46 = arith.constant 0 : i32
    %cond3A_47 = arith.cmpi ne, %convert_element_type3A_45, %cond3A_46 : i32
    scf.if %cond3A_47 {
      "tpu.region"() ({
        %run_scoped3A = tpu.sem_alloc : memref<!tpu.dma_semaphore, #tpu.memory_space<semaphore_mem>>
        %dma_start3A = arith.constant 0 : i32
        %dma_start3A_77 = tpu.memref_slice %arg5[%add3A_42, %dma_start3A] : memref<10240x128xf32, #tpu.memory_space<hbm>> -> memref<128x128xf32, #tpu.memory_space<hbm>>
        %dma_start3A_78 = arith.constant 0 : i32
        %dma_start3A_79 = tpu.memref_slice %arg5[%add3A_42, %dma_start3A_78] : memref<10240x128xf32, #tpu.memory_space<hbm>> -> memref<128x128xf32, #tpu.memory_space<hbm>>
        tpu.enqueue_dma source(%arg8 : memref<128x128xf32, #tpu.memory_space<vmem>>) target(%dma_start3A_79 : memref<128x128xf32, #tpu.memory_space<hbm>>) target_semaphore(%run_scoped3A : memref<!tpu.dma_semaphore, #tpu.memory_space<semaphore_mem>>)
        %dma_wait3A = arith.constant 0 : i32
        %dma_wait3A_80 = tpu.memref_slice %arg5[%add3A_42, %dma_wait3A] : memref<10240x128xf32, #tpu.memory_space<hbm>> -> memref<128x128xf32, #tpu.memory_space<hbm>>
        %dma_wait3A_81 = arith.constant 0 : i32
        %dma_wait3A_82 = tpu.memref_slice %arg5[%add3A_42, %dma_wait3A_81] : memref<10240x128xf32, #tpu.memory_space<hbm>> -> memref<128x128xf32, #tpu.memory_space<hbm>>
        tpu.wait_dma2 semaphore(%run_scoped3A : memref<!tpu.dma_semaphore, #tpu.memory_space<semaphore_mem>>) src(%arg8 : memref<128x128xf32, #tpu.memory_space<vmem>>) dst(%dma_wait3A_82 : memref<128x128xf32, #tpu.memory_space<hbm>>)
        tpu.yield
      }) : () -> ()
    } else {
    }
    %eq3A_48 = arith.constant 1 : i32
    %eq3A_49 = arith.cmpi eq, %arg0, %eq3A_48 : i32
    %convert_element_type3A_50 = arith.extui %eq3A_49 : i1 to i32
    %cond3A_51 = arith.constant 0 : i32
    %cond3A_52 = arith.cmpi ne, %convert_element_type3A_50, %cond3A_51 : i32
    scf.if %cond3A_52 {
      "tpu.region"() ({
        %run_scoped3A = tpu.sem_alloc : memref<!tpu.dma_semaphore, #tpu.memory_space<semaphore_mem>>
        %dma_start3A = arith.constant 0 : i32
        %dma_start3A_77 = tpu.memref_slice %arg6[%add3A_42, %dma_start3A] : memref<10240x128xf32, #tpu.memory_space<hbm>> -> memref<128x128xf32, #tpu.memory_space<hbm>>
        %dma_start3A_78 = arith.constant 0 : i32
        %dma_start3A_79 = tpu.memref_slice %arg6[%add3A_42, %dma_start3A_78] : memref<10240x128xf32, #tpu.memory_space<hbm>> -> memref<128x128xf32, #tpu.memory_space<hbm>>
        tpu.enqueue_dma source(%arg8 : memref<128x128xf32, #tpu.memory_space<vmem>>) target(%dma_start3A_79 : memref<128x128xf32, #tpu.memory_space<hbm>>) target_semaphore(%run_scoped3A : memref<!tpu.dma_semaphore, #tpu.memory_space<semaphore_mem>>)
        %dma_wait3A = arith.constant 0 : i32
        %dma_wait3A_80 = tpu.memref_slice %arg6[%add3A_42, %dma_wait3A] : memref<10240x128xf32, #tpu.memory_space<hbm>> -> memref<128x128xf32, #tpu.memory_space<hbm>>
        %dma_wait3A_81 = arith.constant 0 : i32
        %dma_wait3A_82 = tpu.memref_slice %arg6[%add3A_42, %dma_wait3A_81] : memref<10240x128xf32, #tpu.memory_space<hbm>> -> memref<128x128xf32, #tpu.memory_space<hbm>>
        tpu.wait_dma2 semaphore(%run_scoped3A : memref<!tpu.dma_semaphore, #tpu.memory_space<semaphore_mem>>) src(%arg8 : memref<128x128xf32, #tpu.memory_space<vmem>>) dst(%dma_wait3A_82 : memref<128x128xf32, #tpu.memory_space<hbm>>)
        tpu.yield
      }) : () -> ()
    } else {
    }
    %add3A_53 = arith.constant 384 : i32
    %add3A_54 = arith.addi %mul3A_19, %add3A_53 : i32
    "tpu.region"() ({
      %run_scoped3A = tpu.sem_alloc : memref<!tpu.dma_semaphore, #tpu.memory_space<semaphore_mem>>
      %dma_start3A = arith.constant 0 : i32
      %dma_start3A_77 = tpu.memref_slice %arg9[%add3A_54, %dma_start3A] : memref<10240x128xf32, #tpu.memory_space<vmem_shared>> -> memref<128x128xf32, #tpu.memory_space<vmem_shared>>
      %dma_start3A_78 = arith.constant 0 : i32
      %dma_start3A_79 = tpu.memref_slice %arg9[%add3A_54, %dma_start3A_78] : memref<10240x128xf32, #tpu.memory_space<vmem_shared>> -> memref<128x128xf32, #tpu.memory_space<vmem_shared>>
      tpu.enqueue_dma source(%dma_start3A_79 : memref<128x128xf32, #tpu.memory_space<vmem_shared>>) target(%arg8 : memref<128x128xf32, #tpu.memory_space<vmem>>) target_semaphore(%run_scoped3A : memref<!tpu.dma_semaphore, #tpu.memory_space<semaphore_mem>>)
      %dma_wait3A = arith.constant 0 : i32
      %dma_wait3A_80 = tpu.memref_slice %arg9[%add3A_54, %dma_wait3A] : memref<10240x128xf32, #tpu.memory_space<vmem_shared>> -> memref<128x128xf32, #tpu.memory_space<vmem_shared>>
      %dma_wait3A_81 = arith.constant 0 : i32
      %dma_wait3A_82 = tpu.memref_slice %arg9[%add3A_54, %dma_wait3A_81] : memref<10240x128xf32, #tpu.memory_space<vmem_shared>> -> memref<128x128xf32, #tpu.memory_space<vmem_shared>>
      tpu.wait_dma2 semaphore(%run_scoped3A : memref<!tpu.dma_semaphore, #tpu.memory_space<semaphore_mem>>) src(%dma_wait3A_82 : memref<128x128xf32, #tpu.memory_space<vmem_shared>>) dst(%arg8 : memref<128x128xf32, #tpu.memory_space<vmem>>)
      tpu.yield
    }) : () -> ()
    %eq3A_55 = arith.constant 0 : i32
    %eq3A_56 = arith.cmpi eq, %arg0, %eq3A_55 : i32
    %convert_element_type3A_57 = arith.extui %eq3A_56 : i1 to i32
    %cond3A_58 = arith.constant 0 : i32
    %cond3A_59 = arith.cmpi ne, %convert_element_type3A_57, %cond3A_58 : i32
    scf.if %cond3A_59 {
      "tpu.region"() ({
        %run_scoped3A = tpu.sem_alloc : memref<!tpu.dma_semaphore, #tpu.memory_space<semaphore_mem>>
        %dma_start3A = arith.constant 0 : i32
        %dma_start3A_77 = tpu.memref_slice %arg5[%add3A_54, %dma_start3A] : memref<10240x128xf32, #tpu.memory_space<hbm>> -> memref<128x128xf32, #tpu.memory_space<hbm>>
        %dma_start3A_78 = arith.constant 0 : i32
        %dma_start3A_79 = tpu.memref_slice %arg5[%add3A_54, %dma_start3A_78] : memref<10240x128xf32, #tpu.memory_space<hbm>> -> memref<128x128xf32, #tpu.memory_space<hbm>>
        tpu.enqueue_dma source(%arg8 : memref<128x128xf32, #tpu.memory_space<vmem>>) target(%dma_start3A_79 : memref<128x128xf32, #tpu.memory_space<hbm>>) target_semaphore(%run_scoped3A : memref<!tpu.dma_semaphore, #tpu.memory_space<semaphore_mem>>)
        %dma_wait3A = arith.constant 0 : i32
        %dma_wait3A_80 = tpu.memref_slice %arg5[%add3A_54, %dma_wait3A] : memref<10240x128xf32, #tpu.memory_space<hbm>> -> memref<128x128xf32, #tpu.memory_space<hbm>>
        %dma_wait3A_81 = arith.constant 0 : i32
        %dma_wait3A_82 = tpu.memref_slice %arg5[%add3A_54, %dma_wait3A_81] : memref<10240x128xf32, #tpu.memory_space<hbm>> -> memref<128x128xf32, #tpu.memory_space<hbm>>
        tpu.wait_dma2 semaphore(%run_scoped3A : memref<!tpu.dma_semaphore, #tpu.memory_space<semaphore_mem>>) src(%arg8 : memref<128x128xf32, #tpu.memory_space<vmem>>) dst(%dma_wait3A_82 : memref<128x128xf32, #tpu.memory_space<hbm>>)
        tpu.yield
      }) : () -> ()
    } else {
    }
    %eq3A_60 = arith.constant 1 : i32
    %eq3A_61 = arith.cmpi eq, %arg0, %eq3A_60 : i32
    %convert_element_type3A_62 = arith.extui %eq3A_61 : i1 to i32
    %cond3A_63 = arith.constant 0 : i32
    %cond3A_64 = arith.cmpi ne, %convert_element_type3A_62, %cond3A_63 : i32
    scf.if %cond3A_64 {
      "tpu.region"() ({
        %run_scoped3A = tpu.sem_alloc : memref<!tpu.dma_semaphore, #tpu.memory_space<semaphore_mem>>
        %dma_start3A = arith.constant 0 : i32
        %dma_start3A_77 = tpu.memref_slice %arg6[%add3A_54, %dma_start3A] : memref<10240x128xf32, #tpu.memory_space<hbm>> -> memref<128x128xf32, #tpu.memory_space<hbm>>
        %dma_start3A_78 = arith.constant 0 : i32
        %dma_start3A_79 = tpu.memref_slice %arg6[%add3A_54, %dma_start3A_78] : memref<10240x128xf32, #tpu.memory_space<hbm>> -> memref<128x128xf32, #tpu.memory_space<hbm>>
        tpu.enqueue_dma source(%arg8 : memref<128x128xf32, #tpu.memory_space<vmem>>) target(%dma_start3A_79 : memref<128x128xf32, #tpu.memory_space<hbm>>) target_semaphore(%run_scoped3A : memref<!tpu.dma_semaphore, #tpu.memory_space<semaphore_mem>>)
        %dma_wait3A = arith.constant 0 : i32
        %dma_wait3A_80 = tpu.memref_slice %arg6[%add3A_54, %dma_wait3A] : memref<10240x128xf32, #tpu.memory_space<hbm>> -> memref<128x128xf32, #tpu.memory_space<hbm>>
        %dma_wait3A_81 = arith.constant 0 : i32
        %dma_wait3A_82 = tpu.memref_slice %arg6[%add3A_54, %dma_wait3A_81] : memref<10240x128xf32, #tpu.memory_space<hbm>> -> memref<128x128xf32, #tpu.memory_space<hbm>>
        tpu.wait_dma2 semaphore(%run_scoped3A : memref<!tpu.dma_semaphore, #tpu.memory_space<semaphore_mem>>) src(%arg8 : memref<128x128xf32, #tpu.memory_space<vmem>>) dst(%dma_wait3A_82 : memref<128x128xf32, #tpu.memory_space<hbm>>)
        tpu.yield
      }) : () -> ()
    } else {
    }
    %add3A_65 = arith.constant 512 : i32
    %add3A_66 = arith.addi %mul3A_19, %add3A_65 : i32
    "tpu.region"() ({
      %run_scoped3A = tpu.sem_alloc : memref<!tpu.dma_semaphore, #tpu.memory_space<semaphore_mem>>
      %dma_start3A = arith.constant 0 : i32
      %dma_start3A_77 = tpu.memref_slice %arg9[%add3A_66, %dma_start3A] : memref<10240x128xf32, #tpu.memory_space<vmem_shared>> -> memref<128x128xf32, #tpu.memory_space<vmem_shared>>
      %dma_start3A_78 = arith.constant 0 : i32
      %dma_start3A_79 = tpu.memref_slice %arg9[%add3A_66, %dma_start3A_78] : memref<10240x128xf32, #tpu.memory_space<vmem_shared>> -> memref<128x128xf32, #tpu.memory_space<vmem_shared>>
      tpu.enqueue_dma source(%dma_start3A_79 : memref<128x128xf32, #tpu.memory_space<vmem_shared>>) target(%arg8 : memref<128x128xf32, #tpu.memory_space<vmem>>) target_semaphore(%run_scoped3A : memref<!tpu.dma_semaphore, #tpu.memory_space<semaphore_mem>>)
      %dma_wait3A = arith.constant 0 : i32
      %dma_wait3A_80 = tpu.memref_slice %arg9[%add3A_66, %dma_wait3A] : memref<10240x128xf32, #tpu.memory_space<vmem_shared>> -> memref<128x128xf32, #tpu.memory_space<vmem_shared>>
      %dma_wait3A_81 = arith.constant 0 : i32
      %dma_wait3A_82 = tpu.memref_slice %arg9[%add3A_66, %dma_wait3A_81] : memref<10240x128xf32, #tpu.memory_space<vmem_shared>> -> memref<128x128xf32, #tpu.memory_space<vmem_shared>>
      tpu.wait_dma2 semaphore(%run_scoped3A : memref<!tpu.dma_semaphore, #tpu.memory_space<semaphore_mem>>) src(%dma_wait3A_82 : memref<128x128xf32, #tpu.memory_space<vmem_shared>>) dst(%arg8 : memref<128x128xf32, #tpu.memory_space<vmem>>)
      tpu.yield
    }) : () -> ()
    %eq3A_67 = arith.constant 0 : i32
    %eq3A_68 = arith.cmpi eq, %arg0, %eq3A_67 : i32
    %convert_element_type3A_69 = arith.extui %eq3A_68 : i1 to i32
    %cond3A_70 = arith.constant 0 : i32
    %cond3A_71 = arith.cmpi ne, %convert_element_type3A_69, %cond3A_70 : i32
    scf.if %cond3A_71 {
      "tpu.region"() ({
        %run_scoped3A = tpu.sem_alloc : memref<!tpu.dma_semaphore, #tpu.memory_space<semaphore_mem>>
        %dma_start3A = arith.constant 0 : i32
        %dma_start3A_77 = tpu.memref_slice %arg5[%add3A_66, %dma_start3A] : memref<10240x128xf32, #tpu.memory_space<hbm>> -> memref<128x128xf32, #tpu.memory_space<hbm>>
        %dma_start3A_78 = arith.constant 0 : i32
        %dma_start3A_79 = tpu.memref_slice %arg5[%add3A_66, %dma_start3A_78] : memref<10240x128xf32, #tpu.memory_space<hbm>> -> memref<128x128xf32, #tpu.memory_space<hbm>>
        tpu.enqueue_dma source(%arg8 : memref<128x128xf32, #tpu.memory_space<vmem>>) target(%dma_start3A_79 : memref<128x128xf32, #tpu.memory_space<hbm>>) target_semaphore(%run_scoped3A : memref<!tpu.dma_semaphore, #tpu.memory_space<semaphore_mem>>)
        %dma_wait3A = arith.constant 0 : i32
        %dma_wait3A_80 = tpu.memref_slice %arg5[%add3A_66, %dma_wait3A] : memref<10240x128xf32, #tpu.memory_space<hbm>> -> memref<128x128xf32, #tpu.memory_space<hbm>>
        %dma_wait3A_81 = arith.constant 0 : i32
        %dma_wait3A_82 = tpu.memref_slice %arg5[%add3A_66, %dma_wait3A_81] : memref<10240x128xf32, #tpu.memory_space<hbm>> -> memref<128x128xf32, #tpu.memory_space<hbm>>
        tpu.wait_dma2 semaphore(%run_scoped3A : memref<!tpu.dma_semaphore, #tpu.memory_space<semaphore_mem>>) src(%arg8 : memref<128x128xf32, #tpu.memory_space<vmem>>) dst(%dma_wait3A_82 : memref<128x128xf32, #tpu.memory_space<hbm>>)
        tpu.yield
      }) : () -> ()
    } else {
    }
    %eq3A_72 = arith.constant 1 : i32
    %eq3A_73 = arith.cmpi eq, %arg0, %eq3A_72 : i32
    %convert_element_type3A_74 = arith.extui %eq3A_73 : i1 to i32
    %cond3A_75 = arith.constant 0 : i32
    %cond3A_76 = arith.cmpi ne, %convert_element_type3A_74, %cond3A_75 : i32
    scf.if %cond3A_76 {
      "tpu.region"() ({
        %run_scoped3A = tpu.sem_alloc : memref<!tpu.dma_semaphore, #tpu.memory_space<semaphore_mem>>
        %dma_start3A = arith.constant 0 : i32
        %dma_start3A_77 = tpu.memref_slice %arg6[%add3A_66, %dma_start3A] : memref<10240x128xf32, #tpu.memory_space<hbm>> -> memref<128x128xf32, #tpu.memory_space<hbm>>
        %dma_start3A_78 = arith.constant 0 : i32
        %dma_start3A_79 = tpu.memref_slice %arg6[%add3A_66, %dma_start3A_78] : memref<10240x128xf32, #tpu.memory_space<hbm>> -> memref<128x128xf32, #tpu.memory_space<hbm>>
        tpu.enqueue_dma source(%arg8 : memref<128x128xf32, #tpu.memory_space<vmem>>) target(%dma_start3A_79 : memref<128x128xf32, #tpu.memory_space<hbm>>) target_semaphore(%run_scoped3A : memref<!tpu.dma_semaphore, #tpu.memory_space<semaphore_mem>>)
        %dma_wait3A = arith.constant 0 : i32
        %dma_wait3A_80 = tpu.memref_slice %arg6[%add3A_66, %dma_wait3A] : memref<10240x128xf32, #tpu.memory_space<hbm>> -> memref<128x128xf32, #tpu.memory_space<hbm>>
        %dma_wait3A_81 = arith.constant 0 : i32
        %dma_wait3A_82 = tpu.memref_slice %arg6[%add3A_66, %dma_wait3A_81] : memref<10240x128xf32, #tpu.memory_space<hbm>> -> memref<128x128xf32, #tpu.memory_space<hbm>>
        tpu.wait_dma2 semaphore(%run_scoped3A : memref<!tpu.dma_semaphore, #tpu.memory_space<semaphore_mem>>) src(%arg8 : memref<128x128xf32, #tpu.memory_space<vmem>>) dst(%dma_wait3A_82 : memref<128x128xf32, #tpu.memory_space<hbm>>)
        tpu.yield
      }) : () -> ()
    } else {
    }
    return
  }
}

#map = affine_map<(d0, d1) -> (0, 0, 0)>
#map1 = affine_map<(d0, d1) -> (0, 0)>
module attributes {stable_mosaic.version = 14 : i64} {
  func.func @_sc_scatter_body(%arg0: i32, %arg1: i32, %arg2: memref<2500x2x128xi32, #tpu.memory_space<hbm>>, %arg3: memref<10000x128xf32, #tpu.memory_space<hbm>>, %arg4: memref<128x128xf32, #tpu.memory_space<hbm>>, %arg5: memref<10240x128xf32, #tpu.memory_space<hbm>>, %arg6: memref<10240x128xf32, #tpu.memory_space<hbm>>, %arg7: memref<2x128xi32, #tpu.memory_space<vmem>>, %arg8: memref<128x128xf32, #tpu.memory_space<vmem>>, %arg9: memref<10240x128xf32, #tpu.memory_space<vmem_shared>>, %arg10: memref<!tpu.dma_semaphore, #tpu.memory_space<semaphore_mem>>) attributes {dimension_semantics = [#tpu.dimension_semantics<core_parallel>, #tpu.dimension_semantics<subcore_parallel>], iteration_bounds = array<i64: 2, 16>, scalar_prefetch = 0 : i64, scratch_operands = 4 : i64, tpu.core_type = #tpu.core_type<sc_vector_subcore>, window_params = [{transform_indices = #map}, {transform_indices = #map1}, {transform_indices = #map1}, {transform_indices = #map1}, {transform_indices = #map1}]} {
    %mul3A = arith.constant 2 : i32
    %mul3A_0 = arith.muli %arg1, %mul3A : i32
    %add3A = arith.addi %mul3A_0, %arg0 : i32
    %mul3A_1 = arith.constant 640 : i32
    %mul3A_2 = arith.muli %arg1, %mul3A_1 : i32
    %add3A_3 = arith.constant 0 : i32
    %add3A_4 = arith.addi %mul3A_2, %add3A_3 : i32
    "tpu.region"() ({
      %run_scoped3A = tpu.sem_alloc : memref<!tpu.dma_semaphore, #tpu.memory_space<semaphore_mem>>
      %dma_start3A = arith.constant 0 : i32
      %dma_start3A_77 = tpu.memref_slice %arg9[%add3A_4, %dma_start3A] : memref<10240x128xf32, #tpu.memory_space<vmem_shared>> -> memref<128x128xf32, #tpu.memory_space<vmem_shared>>
      tpu.enqueue_dma source(%arg4 : memref<128x128xf32, #tpu.memory_space<hbm>>) target(%dma_start3A_77 : memref<128x128xf32, #tpu.memory_space<vmem_shared>>) target_semaphore(%run_scoped3A : memref<!tpu.dma_semaphore, #tpu.memory_space<semaphore_mem>>)
      %dma_wait3A = arith.constant 0 : i32
      %dma_wait3A_78 = tpu.memref_slice %arg9[%add3A_4, %dma_wait3A] : memref<10240x128xf32, #tpu.memory_space<vmem_shared>> -> memref<128x128xf32, #tpu.memory_space<vmem_shared>>
      tpu.wait_dma2 semaphore(%run_scoped3A : memref<!tpu.dma_semaphore, #tpu.memory_space<semaphore_mem>>) src(%arg4 : memref<128x128xf32, #tpu.memory_space<hbm>>) dst(%dma_wait3A_78 : memref<128x128xf32, #tpu.memory_space<vmem_shared>>)
      tpu.yield
    }) : () -> ()
    %add3A_5 = arith.constant 128 : i32
    %add3A_6 = arith.addi %mul3A_2, %add3A_5 : i32
    "tpu.region"() ({
      %run_scoped3A = tpu.sem_alloc : memref<!tpu.dma_semaphore, #tpu.memory_space<semaphore_mem>>
      %dma_start3A = arith.constant 0 : i32
      %dma_start3A_77 = tpu.memref_slice %arg9[%add3A_6, %dma_start3A] : memref<10240x128xf32, #tpu.memory_space<vmem_shared>> -> memref<128x128xf32, #tpu.memory_space<vmem_shared>>
      tpu.enqueue_dma source(%arg4 : memref<128x128xf32, #tpu.memory_space<hbm>>) target(%dma_start3A_77 : memref<128x128xf32, #tpu.memory_space<vmem_shared>>) target_semaphore(%run_scoped3A : memref<!tpu.dma_semaphore, #tpu.memory_space<semaphore_mem>>)
      %dma_wait3A = arith.constant 0 : i32
      %dma_wait3A_78 = tpu.memref_slice %arg9[%add3A_6, %dma_wait3A] : memref<10240x128xf32, #tpu.memory_space<vmem_shared>> -> memref<128x128xf32, #tpu.memory_space<vmem_shared>>
      tpu.wait_dma2 semaphore(%run_scoped3A : memref<!tpu.dma_semaphore, #tpu.memory_space<semaphore_mem>>) src(%arg4 : memref<128x128xf32, #tpu.memory_space<hbm>>) dst(%dma_wait3A_78 : memref<128x128xf32, #tpu.memory_space<vmem_shared>>)
      tpu.yield
    }) : () -> ()
    %add3A_7 = arith.constant 256 : i32
    %add3A_8 = arith.addi %mul3A_2, %add3A_7 : i32
    "tpu.region"() ({
      %run_scoped3A = tpu.sem_alloc : memref<!tpu.dma_semaphore, #tpu.memory_space<semaphore_mem>>
      %dma_start3A = arith.constant 0 : i32
      %dma_start3A_77 = tpu.memref_slice %arg9[%add3A_8, %dma_start3A] : memref<10240x128xf32, #tpu.memory_space<vmem_shared>> -> memref<128x128xf32, #tpu.memory_space<vmem_shared>>
      tpu.enqueue_dma source(%arg4 : memref<128x128xf32, #tpu.memory_space<hbm>>) target(%dma_start3A_77 : memref<128x128xf32, #tpu.memory_space<vmem_shared>>) target_semaphore(%run_scoped3A : memref<!tpu.dma_semaphore, #tpu.memory_space<semaphore_mem>>)
      %dma_wait3A = arith.constant 0 : i32
      %dma_wait3A_78 = tpu.memref_slice %arg9[%add3A_8, %dma_wait3A] : memref<10240x128xf32, #tpu.memory_space<vmem_shared>> -> memref<128x128xf32, #tpu.memory_space<vmem_shared>>
      tpu.wait_dma2 semaphore(%run_scoped3A : memref<!tpu.dma_semaphore, #tpu.memory_space<semaphore_mem>>) src(%arg4 : memref<128x128xf32, #tpu.memory_space<hbm>>) dst(%dma_wait3A_78 : memref<128x128xf32, #tpu.memory_space<vmem_shared>>)
      tpu.yield
    }) : () -> ()
    %add3A_9 = arith.constant 384 : i32
    %add3A_10 = arith.addi %mul3A_2, %add3A_9 : i32
    "tpu.region"() ({
      %run_scoped3A = tpu.sem_alloc : memref<!tpu.dma_semaphore, #tpu.memory_space<semaphore_mem>>
      %dma_start3A = arith.constant 0 : i32
      %dma_start3A_77 = tpu.memref_slice %arg9[%add3A_10, %dma_start3A] : memref<10240x128xf32, #tpu.memory_space<vmem_shared>> -> memref<128x128xf32, #tpu.memory_space<vmem_shared>>
      tpu.enqueue_dma source(%arg4 : memref<128x128xf32, #tpu.memory_space<hbm>>) target(%dma_start3A_77 : memref<128x128xf32, #tpu.memory_space<vmem_shared>>) target_semaphore(%run_scoped3A : memref<!tpu.dma_semaphore, #tpu.memory_space<semaphore_mem>>)
      %dma_wait3A = arith.constant 0 : i32
      %dma_wait3A_78 = tpu.memref_slice %arg9[%add3A_10, %dma_wait3A] : memref<10240x128xf32, #tpu.memory_space<vmem_shared>> -> memref<128x128xf32, #tpu.memory_space<vmem_shared>>
      tpu.wait_dma2 semaphore(%run_scoped3A : memref<!tpu.dma_semaphore, #tpu.memory_space<semaphore_mem>>) src(%arg4 : memref<128x128xf32, #tpu.memory_space<hbm>>) dst(%dma_wait3A_78 : memref<128x128xf32, #tpu.memory_space<vmem_shared>>)
      tpu.yield
    }) : () -> ()
    %add3A_11 = arith.constant 512 : i32
    %add3A_12 = arith.addi %mul3A_2, %add3A_11 : i32
    "tpu.region"() ({
      %run_scoped3A = tpu.sem_alloc : memref<!tpu.dma_semaphore, #tpu.memory_space<semaphore_mem>>
      %dma_start3A = arith.constant 0 : i32
      %dma_start3A_77 = tpu.memref_slice %arg9[%add3A_12, %dma_start3A] : memref<10240x128xf32, #tpu.memory_space<vmem_shared>> -> memref<128x128xf32, #tpu.memory_space<vmem_shared>>
      tpu.enqueue_dma source(%arg4 : memref<128x128xf32, #tpu.memory_space<hbm>>) target(%dma_start3A_77 : memref<128x128xf32, #tpu.memory_space<vmem_shared>>) target_semaphore(%run_scoped3A : memref<!tpu.dma_semaphore, #tpu.memory_space<semaphore_mem>>)
      %dma_wait3A = arith.constant 0 : i32
      %dma_wait3A_78 = tpu.memref_slice %arg9[%add3A_12, %dma_wait3A] : memref<10240x128xf32, #tpu.memory_space<vmem_shared>> -> memref<128x128xf32, #tpu.memory_space<vmem_shared>>
      tpu.wait_dma2 semaphore(%run_scoped3A : memref<!tpu.dma_semaphore, #tpu.memory_space<semaphore_mem>>) src(%arg4 : memref<128x128xf32, #tpu.memory_space<hbm>>) dst(%dma_wait3A_78 : memref<128x128xf32, #tpu.memory_space<vmem_shared>>)
      tpu.yield
    }) : () -> ()
    %barrier3A = arith.constant 0 : index
    tpu.barrier barrier_id(%barrier3A)
    %scan3A = arith.constant 0 : i32
    %scan3A_13 = arith.constant 79 : i32
    %scan3A_14 = arith.addi %scan3A, %scan3A_13 : i32
    %scan3A_15 = arith.constant 1 : i32
    scf.for %scan3A_77 = %scan3A to %scan3A_14 step %scan3A_15  : i32 {
      %mul3A_78 = arith.constant 1 : i32
      %mul3A_79 = arith.muli %scan3A_77, %mul3A_78 : i32
      %add3A_80 = arith.constant 0 : i32
      %add3A_81 = arith.addi %add3A_80, %mul3A_79 : i32
      %mul3A_82 = arith.constant 32 : i32
      %mul3A_83 = arith.muli %add3A_81, %mul3A_82 : i32
      %add3A_84 = arith.addi %mul3A_83, %add3A : i32
      %lt3A = arith.constant 2500 : i32
      %lt3A_85 = arith.cmpi slt, %add3A_84, %lt3A : i32
      %convert_element_type3A_86 = arith.extui %lt3A_85 : i1 to i32
      %cond3A_87 = arith.constant 0 : i32
      %cond3A_88 = arith.cmpi ne, %convert_element_type3A_86, %cond3A_87 : i32
      scf.if %cond3A_88 {
        "tpu.region"() ({
          %run_scoped3A_101 = tpu.sem_alloc : memref<!tpu.dma_semaphore, #tpu.memory_space<semaphore_mem>>
          %dma_start3A_102 = arith.constant 0 : i32
          %dma_start3A_103 = arith.constant 0 : i32
          %dma_start3A_104 = tpu.memref_slice %arg2[%add3A_84, %dma_start3A_102, %dma_start3A_103] : memref<2500x2x128xi32, #tpu.memory_space<hbm>> -> memref<1x2x128xi32, #tpu.memory_space<hbm>>
          %dma_start3A_105 = tpu.memref_squeeze %dma_start3A_104 : memref<1x2x128xi32, #tpu.memory_space<hbm>> -> memref<2x128xi32, #tpu.memory_space<hbm>>
          %dma_start3A_106 = arith.constant 0 : i32
          %dma_start3A_107 = arith.constant 0 : i32
          %dma_start3A_108 = tpu.memref_slice %arg2[%add3A_84, %dma_start3A_106, %dma_start3A_107] : memref<2500x2x128xi32, #tpu.memory_space<hbm>> -> memref<1x2x128xi32, #tpu.memory_space<hbm>>
          %dma_start3A_109 = tpu.memref_squeeze %dma_start3A_108 : memref<1x2x128xi32, #tpu.memory_space<hbm>> -> memref<2x128xi32, #tpu.memory_space<hbm>>
          tpu.enqueue_dma source(%dma_start3A_109 : memref<2x128xi32, #tpu.memory_space<hbm>>) target(%arg7 : memref<2x128xi32, #tpu.memory_space<vmem>>) target_semaphore(%run_scoped3A_101 : memref<!tpu.dma_semaphore, #tpu.memory_space<semaphore_mem>>)
          %dma_wait3A_110 = arith.constant 0 : i32
          %dma_wait3A_111 = arith.constant 0 : i32
          %dma_wait3A_112 = tpu.memref_slice %arg2[%add3A_84, %dma_wait3A_110, %dma_wait3A_111] : memref<2500x2x128xi32, #tpu.memory_space<hbm>> -> memref<1x2x128xi32, #tpu.memory_space<hbm>>
          %dma_wait3A_113 = tpu.memref_squeeze %dma_wait3A_112 : memref<1x2x128xi32, #tpu.memory_space<hbm>> -> memref<2x128xi32, #tpu.memory_space<hbm>>
          %dma_wait3A_114 = arith.constant 0 : i32
          %dma_wait3A_115 = arith.constant 0 : i32
          %dma_wait3A_116 = tpu.memref_slice %arg2[%add3A_84, %dma_wait3A_114, %dma_wait3A_115] : memref<2500x2x128xi32, #tpu.memory_space<hbm>> -> memref<1x2x128xi32, #tpu.memory_space<hbm>>
          %dma_wait3A_117 = tpu.memref_squeeze %dma_wait3A_116 : memref<1x2x128xi32, #tpu.memory_space<hbm>> -> memref<2x128xi32, #tpu.memory_space<hbm>>
          tpu.wait_dma2 semaphore(%run_scoped3A_101 : memref<!tpu.dma_semaphore, #tpu.memory_space<semaphore_mem>>) src(%dma_wait3A_117 : memref<2x128xi32, #tpu.memory_space<hbm>>) dst(%arg7 : memref<2x128xi32, #tpu.memory_space<vmem>>)
          tpu.yield
        }) : () -> ()
        %dma_start3A = arith.constant 0 : i32
        %dma_start3A_89 = arith.constant 0 : i32
        %dma_start3A_90 = tpu.memref_slice %arg7[%dma_start3A, %dma_start3A_89] : memref<2x128xi32, #tpu.memory_space<vmem>> -> memref<1x128xi32, #tpu.memory_space<vmem>>
        %dma_start3A_91 = tpu.memref_squeeze %dma_start3A_90 : memref<1x128xi32, #tpu.memory_space<vmem>> -> memref<128xi32, #tpu.memory_space<vmem>>
        %dma_start3A_92 = arith.constant 0 : i32
        %dma_start3A_93 = arith.constant 0 : i32
        %dma_start3A_94 = tpu.memref_slice %arg3[%dma_start3A_92, %dma_start3A_93] : memref<10000x128xf32, #tpu.memory_space<hbm>> -> memref<10000x128xf32, #tpu.memory_space<hbm>>
        tpu.enqueue_indirect_dma source(%dma_start3A_94 : memref<10000x128xf32, #tpu.memory_space<hbm>>) target(%arg8 : memref<128x128xf32, #tpu.memory_space<vmem>>) offsets(%dma_start3A_91 : memref<128xi32, #tpu.memory_space<vmem>>) semaphore(%arg10 : memref<!tpu.dma_semaphore, #tpu.memory_space<semaphore_mem>>)
        %dma_wait3A = arith.constant 0 : i32
        %dma_wait3A_95 = arith.constant 0 : i32
        %dma_wait3A_96 = tpu.memref_slice %arg7[%dma_wait3A, %dma_wait3A_95] : memref<2x128xi32, #tpu.memory_space<vmem>> -> memref<1x128xi32, #tpu.memory_space<vmem>>
        %dma_wait3A_97 = tpu.memref_squeeze %dma_wait3A_96 : memref<1x128xi32, #tpu.memory_space<vmem>> -> memref<128xi32, #tpu.memory_space<vmem>>
        %dma_wait3A_98 = arith.constant 0 : i32
        %dma_wait3A_99 = arith.constant 0 : i32
        %dma_wait3A_100 = tpu.memref_slice %arg3[%dma_wait3A_98, %dma_wait3A_99] : memref<10000x128xf32, #tpu.memory_space<hbm>> -> memref<10000x128xf32, #tpu.memory_space<hbm>>
        tpu.wait_indirect_dma semaphore(%arg10 : memref<!tpu.dma_semaphore, #tpu.memory_space<semaphore_mem>>) src(%dma_wait3A_100 : memref<10000x128xf32, #tpu.memory_space<hbm>>) dst(%arg8 : memref<128x128xf32, #tpu.memory_space<vmem>>)
        %run_scoped3A = arith.constant 1 : i32
        "tpu.region"() ({
          %run_scoped3A_101 = tpu.sem_alloc : memref<!tpu.dma_semaphore, #tpu.memory_space<semaphore_mem>>
          %dma_start3A_102 = arith.constant 0 : i32
          %dma_start3A_103 = tpu.memref_slice %arg7[%run_scoped3A, %dma_start3A_102] : memref<2x128xi32, #tpu.memory_space<vmem>> -> memref<1x128xi32, #tpu.memory_space<vmem>>
          %dma_start3A_104 = tpu.memref_squeeze %dma_start3A_103 : memref<1x128xi32, #tpu.memory_space<vmem>> -> memref<128xi32, #tpu.memory_space<vmem>>
          %dma_start3A_105 = arith.constant 0 : i32
          %dma_start3A_106 = arith.constant 0 : i32
          %dma_start3A_107 = tpu.memref_slice %arg9[%dma_start3A_105, %dma_start3A_106] : memref<10240x128xf32, #tpu.memory_space<vmem_shared>> -> memref<10240x128xf32, #tpu.memory_space<vmem_shared>>
          tpu.enqueue_indirect_dma source(%arg8 : memref<128x128xf32, #tpu.memory_space<vmem>>) target(%dma_start3A_107 : memref<10240x128xf32, #tpu.memory_space<vmem_shared>>) offsets(%dma_start3A_104 : memref<128xi32, #tpu.memory_space<vmem>>) semaphore(%run_scoped3A_101 : memref<!tpu.dma_semaphore, #tpu.memory_space<semaphore_mem>>) {add = true}
          %dma_wait3A_108 = arith.constant 0 : i32
          %dma_wait3A_109 = tpu.memref_slice %arg7[%run_scoped3A, %dma_wait3A_108] : memref<2x128xi32, #tpu.memory_space<vmem>> -> memref<1x128xi32, #tpu.memory_space<vmem>>
          %dma_wait3A_110 = tpu.memref_squeeze %dma_wait3A_109 : memref<1x128xi32, #tpu.memory_space<vmem>> -> memref<128xi32, #tpu.memory_space<vmem>>
          %dma_wait3A_111 = arith.constant 0 : i32
          %dma_wait3A_112 = arith.constant 0 : i32
          %dma_wait3A_113 = tpu.memref_slice %arg9[%dma_wait3A_111, %dma_wait3A_112] : memref<10240x128xf32, #tpu.memory_space<vmem_shared>> -> memref<10240x128xf32, #tpu.memory_space<vmem_shared>>
          tpu.wait_indirect_dma semaphore(%run_scoped3A_101 : memref<!tpu.dma_semaphore, #tpu.memory_space<semaphore_mem>>) src(%arg8 : memref<128x128xf32, #tpu.memory_space<vmem>>) dst(%dma_wait3A_113 : memref<10240x128xf32, #tpu.memory_space<vmem_shared>>)
          tpu.yield
        }) : () -> ()
      } else {
      }
    }
    %scan3A_16 = arith.constant 79 : i32
    %barrier3A_17 = arith.constant 0 : index
    tpu.barrier barrier_id(%barrier3A_17)
    %mul3A_18 = arith.constant 640 : i32
    %mul3A_19 = arith.muli %arg1, %mul3A_18 : i32
    %add3A_20 = arith.constant 0 : i32
    %add3A_21 = arith.addi %mul3A_19, %add3A_20 : i32
    "tpu.region"() ({
      %run_scoped3A = tpu.sem_alloc : memref<!tpu.dma_semaphore, #tpu.memory_space<semaphore_mem>>
      %dma_start3A = arith.constant 0 : i32
      %dma_start3A_77 = tpu.memref_slice %arg9[%add3A_21, %dma_start3A] : memref<10240x128xf32, #tpu.memory_space<vmem_shared>> -> memref<128x128xf32, #tpu.memory_space<vmem_shared>>
      %dma_start3A_78 = arith.constant 0 : i32
      %dma_start3A_79 = tpu.memref_slice %arg9[%add3A_21, %dma_start3A_78] : memref<10240x128xf32, #tpu.memory_space<vmem_shared>> -> memref<128x128xf32, #tpu.memory_space<vmem_shared>>
      tpu.enqueue_dma source(%dma_start3A_79 : memref<128x128xf32, #tpu.memory_space<vmem_shared>>) target(%arg8 : memref<128x128xf32, #tpu.memory_space<vmem>>) target_semaphore(%run_scoped3A : memref<!tpu.dma_semaphore, #tpu.memory_space<semaphore_mem>>)
      %dma_wait3A = arith.constant 0 : i32
      %dma_wait3A_80 = tpu.memref_slice %arg9[%add3A_21, %dma_wait3A] : memref<10240x128xf32, #tpu.memory_space<vmem_shared>> -> memref<128x128xf32, #tpu.memory_space<vmem_shared>>
      %dma_wait3A_81 = arith.constant 0 : i32
      %dma_wait3A_82 = tpu.memref_slice %arg9[%add3A_21, %dma_wait3A_81] : memref<10240x128xf32, #tpu.memory_space<vmem_shared>> -> memref<128x128xf32, #tpu.memory_space<vmem_shared>>
      tpu.wait_dma2 semaphore(%run_scoped3A : memref<!tpu.dma_semaphore, #tpu.memory_space<semaphore_mem>>) src(%dma_wait3A_82 : memref<128x128xf32, #tpu.memory_space<vmem_shared>>) dst(%arg8 : memref<128x128xf32, #tpu.memory_space<vmem>>)
      tpu.yield
    }) : () -> ()
    %eq3A = arith.constant 0 : i32
    %eq3A_22 = arith.cmpi eq, %arg0, %eq3A : i32
    %convert_element_type3A = arith.extui %eq3A_22 : i1 to i32
    %cond3A = arith.constant 0 : i32
    %cond3A_23 = arith.cmpi ne, %convert_element_type3A, %cond3A : i32
    scf.if %cond3A_23 {
      "tpu.region"() ({
        %run_scoped3A = tpu.sem_alloc : memref<!tpu.dma_semaphore, #tpu.memory_space<semaphore_mem>>
        %dma_start3A = arith.constant 0 : i32
        %dma_start3A_77 = tpu.memref_slice %arg5[%add3A_21, %dma_start3A] : memref<10240x128xf32, #tpu.memory_space<hbm>> -> memref<128x128xf32, #tpu.memory_space<hbm>>
        %dma_start3A_78 = arith.constant 0 : i32
        %dma_start3A_79 = tpu.memref_slice %arg5[%add3A_21, %dma_start3A_78] : memref<10240x128xf32, #tpu.memory_space<hbm>> -> memref<128x128xf32, #tpu.memory_space<hbm>>
        tpu.enqueue_dma source(%arg8 : memref<128x128xf32, #tpu.memory_space<vmem>>) target(%dma_start3A_79 : memref<128x128xf32, #tpu.memory_space<hbm>>) target_semaphore(%run_scoped3A : memref<!tpu.dma_semaphore, #tpu.memory_space<semaphore_mem>>)
        %dma_wait3A = arith.constant 0 : i32
        %dma_wait3A_80 = tpu.memref_slice %arg5[%add3A_21, %dma_wait3A] : memref<10240x128xf32, #tpu.memory_space<hbm>> -> memref<128x128xf32, #tpu.memory_space<hbm>>
        %dma_wait3A_81 = arith.constant 0 : i32
        %dma_wait3A_82 = tpu.memref_slice %arg5[%add3A_21, %dma_wait3A_81] : memref<10240x128xf32, #tpu.memory_space<hbm>> -> memref<128x128xf32, #tpu.memory_space<hbm>>
        tpu.wait_dma2 semaphore(%run_scoped3A : memref<!tpu.dma_semaphore, #tpu.memory_space<semaphore_mem>>) src(%arg8 : memref<128x128xf32, #tpu.memory_space<vmem>>) dst(%dma_wait3A_82 : memref<128x128xf32, #tpu.memory_space<hbm>>)
        tpu.yield
      }) : () -> ()
    } else {
    }
    %eq3A_24 = arith.constant 1 : i32
    %eq3A_25 = arith.cmpi eq, %arg0, %eq3A_24 : i32
    %convert_element_type3A_26 = arith.extui %eq3A_25 : i1 to i32
    %cond3A_27 = arith.constant 0 : i32
    %cond3A_28 = arith.cmpi ne, %convert_element_type3A_26, %cond3A_27 : i32
    scf.if %cond3A_28 {
      "tpu.region"() ({
        %run_scoped3A = tpu.sem_alloc : memref<!tpu.dma_semaphore, #tpu.memory_space<semaphore_mem>>
        %dma_start3A = arith.constant 0 : i32
        %dma_start3A_77 = tpu.memref_slice %arg6[%add3A_21, %dma_start3A] : memref<10240x128xf32, #tpu.memory_space<hbm>> -> memref<128x128xf32, #tpu.memory_space<hbm>>
        %dma_start3A_78 = arith.constant 0 : i32
        %dma_start3A_79 = tpu.memref_slice %arg6[%add3A_21, %dma_start3A_78] : memref<10240x128xf32, #tpu.memory_space<hbm>> -> memref<128x128xf32, #tpu.memory_space<hbm>>
        tpu.enqueue_dma source(%arg8 : memref<128x128xf32, #tpu.memory_space<vmem>>) target(%dma_start3A_79 : memref<128x128xf32, #tpu.memory_space<hbm>>) target_semaphore(%run_scoped3A : memref<!tpu.dma_semaphore, #tpu.memory_space<semaphore_mem>>)
        %dma_wait3A = arith.constant 0 : i32
        %dma_wait3A_80 = tpu.memref_slice %arg6[%add3A_21, %dma_wait3A] : memref<10240x128xf32, #tpu.memory_space<hbm>> -> memref<128x128xf32, #tpu.memory_space<hbm>>
        %dma_wait3A_81 = arith.constant 0 : i32
        %dma_wait3A_82 = tpu.memref_slice %arg6[%add3A_21, %dma_wait3A_81] : memref<10240x128xf32, #tpu.memory_space<hbm>> -> memref<128x128xf32, #tpu.memory_space<hbm>>
        tpu.wait_dma2 semaphore(%run_scoped3A : memref<!tpu.dma_semaphore, #tpu.memory_space<semaphore_mem>>) src(%arg8 : memref<128x128xf32, #tpu.memory_space<vmem>>) dst(%dma_wait3A_82 : memref<128x128xf32, #tpu.memory_space<hbm>>)
        tpu.yield
      }) : () -> ()
    } else {
    }
    %add3A_29 = arith.constant 128 : i32
    %add3A_30 = arith.addi %mul3A_19, %add3A_29 : i32
    "tpu.region"() ({
      %run_scoped3A = tpu.sem_alloc : memref<!tpu.dma_semaphore, #tpu.memory_space<semaphore_mem>>
      %dma_start3A = arith.constant 0 : i32
      %dma_start3A_77 = tpu.memref_slice %arg9[%add3A_30, %dma_start3A] : memref<10240x128xf32, #tpu.memory_space<vmem_shared>> -> memref<128x128xf32, #tpu.memory_space<vmem_shared>>
      %dma_start3A_78 = arith.constant 0 : i32
      %dma_start3A_79 = tpu.memref_slice %arg9[%add3A_30, %dma_start3A_78] : memref<10240x128xf32, #tpu.memory_space<vmem_shared>> -> memref<128x128xf32, #tpu.memory_space<vmem_shared>>
      tpu.enqueue_dma source(%dma_start3A_79 : memref<128x128xf32, #tpu.memory_space<vmem_shared>>) target(%arg8 : memref<128x128xf32, #tpu.memory_space<vmem>>) target_semaphore(%run_scoped3A : memref<!tpu.dma_semaphore, #tpu.memory_space<semaphore_mem>>)
      %dma_wait3A = arith.constant 0 : i32
      %dma_wait3A_80 = tpu.memref_slice %arg9[%add3A_30, %dma_wait3A] : memref<10240x128xf32, #tpu.memory_space<vmem_shared>> -> memref<128x128xf32, #tpu.memory_space<vmem_shared>>
      %dma_wait3A_81 = arith.constant 0 : i32
      %dma_wait3A_82 = tpu.memref_slice %arg9[%add3A_30, %dma_wait3A_81] : memref<10240x128xf32, #tpu.memory_space<vmem_shared>> -> memref<128x128xf32, #tpu.memory_space<vmem_shared>>
      tpu.wait_dma2 semaphore(%run_scoped3A : memref<!tpu.dma_semaphore, #tpu.memory_space<semaphore_mem>>) src(%dma_wait3A_82 : memref<128x128xf32, #tpu.memory_space<vmem_shared>>) dst(%arg8 : memref<128x128xf32, #tpu.memory_space<vmem>>)
      tpu.yield
    }) : () -> ()
    %eq3A_31 = arith.constant 0 : i32
    %eq3A_32 = arith.cmpi eq, %arg0, %eq3A_31 : i32
    %convert_element_type3A_33 = arith.extui %eq3A_32 : i1 to i32
    %cond3A_34 = arith.constant 0 : i32
    %cond3A_35 = arith.cmpi ne, %convert_element_type3A_33, %cond3A_34 : i32
    scf.if %cond3A_35 {
      "tpu.region"() ({
        %run_scoped3A = tpu.sem_alloc : memref<!tpu.dma_semaphore, #tpu.memory_space<semaphore_mem>>
        %dma_start3A = arith.constant 0 : i32
        %dma_start3A_77 = tpu.memref_slice %arg5[%add3A_30, %dma_start3A] : memref<10240x128xf32, #tpu.memory_space<hbm>> -> memref<128x128xf32, #tpu.memory_space<hbm>>
        %dma_start3A_78 = arith.constant 0 : i32
        %dma_start3A_79 = tpu.memref_slice %arg5[%add3A_30, %dma_start3A_78] : memref<10240x128xf32, #tpu.memory_space<hbm>> -> memref<128x128xf32, #tpu.memory_space<hbm>>
        tpu.enqueue_dma source(%arg8 : memref<128x128xf32, #tpu.memory_space<vmem>>) target(%dma_start3A_79 : memref<128x128xf32, #tpu.memory_space<hbm>>) target_semaphore(%run_scoped3A : memref<!tpu.dma_semaphore, #tpu.memory_space<semaphore_mem>>)
        %dma_wait3A = arith.constant 0 : i32
        %dma_wait3A_80 = tpu.memref_slice %arg5[%add3A_30, %dma_wait3A] : memref<10240x128xf32, #tpu.memory_space<hbm>> -> memref<128x128xf32, #tpu.memory_space<hbm>>
        %dma_wait3A_81 = arith.constant 0 : i32
        %dma_wait3A_82 = tpu.memref_slice %arg5[%add3A_30, %dma_wait3A_81] : memref<10240x128xf32, #tpu.memory_space<hbm>> -> memref<128x128xf32, #tpu.memory_space<hbm>>
        tpu.wait_dma2 semaphore(%run_scoped3A : memref<!tpu.dma_semaphore, #tpu.memory_space<semaphore_mem>>) src(%arg8 : memref<128x128xf32, #tpu.memory_space<vmem>>) dst(%dma_wait3A_82 : memref<128x128xf32, #tpu.memory_space<hbm>>)
        tpu.yield
      }) : () -> ()
    } else {
    }
    %eq3A_36 = arith.constant 1 : i32
    %eq3A_37 = arith.cmpi eq, %arg0, %eq3A_36 : i32
    %convert_element_type3A_38 = arith.extui %eq3A_37 : i1 to i32
    %cond3A_39 = arith.constant 0 : i32
    %cond3A_40 = arith.cmpi ne, %convert_element_type3A_38, %cond3A_39 : i32
    scf.if %cond3A_40 {
      "tpu.region"() ({
        %run_scoped3A = tpu.sem_alloc : memref<!tpu.dma_semaphore, #tpu.memory_space<semaphore_mem>>
        %dma_start3A = arith.constant 0 : i32
        %dma_start3A_77 = tpu.memref_slice %arg6[%add3A_30, %dma_start3A] : memref<10240x128xf32, #tpu.memory_space<hbm>> -> memref<128x128xf32, #tpu.memory_space<hbm>>
        %dma_start3A_78 = arith.constant 0 : i32
        %dma_start3A_79 = tpu.memref_slice %arg6[%add3A_30, %dma_start3A_78] : memref<10240x128xf32, #tpu.memory_space<hbm>> -> memref<128x128xf32, #tpu.memory_space<hbm>>
        tpu.enqueue_dma source(%arg8 : memref<128x128xf32, #tpu.memory_space<vmem>>) target(%dma_start3A_79 : memref<128x128xf32, #tpu.memory_space<hbm>>) target_semaphore(%run_scoped3A : memref<!tpu.dma_semaphore, #tpu.memory_space<semaphore_mem>>)
        %dma_wait3A = arith.constant 0 : i32
        %dma_wait3A_80 = tpu.memref_slice %arg6[%add3A_30, %dma_wait3A] : memref<10240x128xf32, #tpu.memory_space<hbm>> -> memref<128x128xf32, #tpu.memory_space<hbm>>
        %dma_wait3A_81 = arith.constant 0 : i32
        %dma_wait3A_82 = tpu.memref_slice %arg6[%add3A_30, %dma_wait3A_81] : memref<10240x128xf32, #tpu.memory_space<hbm>> -> memref<128x128xf32, #tpu.memory_space<hbm>>
        tpu.wait_dma2 semaphore(%run_scoped3A : memref<!tpu.dma_semaphore, #tpu.memory_space<semaphore_mem>>) src(%arg8 : memref<128x128xf32, #tpu.memory_space<vmem>>) dst(%dma_wait3A_82 : memref<128x128xf32, #tpu.memory_space<hbm>>)
        tpu.yield
      }) : () -> ()
    } else {
    }
    %add3A_41 = arith.constant 256 : i32
    %add3A_42 = arith.addi %mul3A_19, %add3A_41 : i32
    "tpu.region"() ({
      %run_scoped3A = tpu.sem_alloc : memref<!tpu.dma_semaphore, #tpu.memory_space<semaphore_mem>>
      %dma_start3A = arith.constant 0 : i32
      %dma_start3A_77 = tpu.memref_slice %arg9[%add3A_42, %dma_start3A] : memref<10240x128xf32, #tpu.memory_space<vmem_shared>> -> memref<128x128xf32, #tpu.memory_space<vmem_shared>>
      %dma_start3A_78 = arith.constant 0 : i32
      %dma_start3A_79 = tpu.memref_slice %arg9[%add3A_42, %dma_start3A_78] : memref<10240x128xf32, #tpu.memory_space<vmem_shared>> -> memref<128x128xf32, #tpu.memory_space<vmem_shared>>
      tpu.enqueue_dma source(%dma_start3A_79 : memref<128x128xf32, #tpu.memory_space<vmem_shared>>) target(%arg8 : memref<128x128xf32, #tpu.memory_space<vmem>>) target_semaphore(%run_scoped3A : memref<!tpu.dma_semaphore, #tpu.memory_space<semaphore_mem>>)
      %dma_wait3A = arith.constant 0 : i32
      %dma_wait3A_80 = tpu.memref_slice %arg9[%add3A_42, %dma_wait3A] : memref<10240x128xf32, #tpu.memory_space<vmem_shared>> -> memref<128x128xf32, #tpu.memory_space<vmem_shared>>
      %dma_wait3A_81 = arith.constant 0 : i32
      %dma_wait3A_82 = tpu.memref_slice %arg9[%add3A_42, %dma_wait3A_81] : memref<10240x128xf32, #tpu.memory_space<vmem_shared>> -> memref<128x128xf32, #tpu.memory_space<vmem_shared>>
      tpu.wait_dma2 semaphore(%run_scoped3A : memref<!tpu.dma_semaphore, #tpu.memory_space<semaphore_mem>>) src(%dma_wait3A_82 : memref<128x128xf32, #tpu.memory_space<vmem_shared>>) dst(%arg8 : memref<128x128xf32, #tpu.memory_space<vmem>>)
      tpu.yield
    }) : () -> ()
    %eq3A_43 = arith.constant 0 : i32
    %eq3A_44 = arith.cmpi eq, %arg0, %eq3A_43 : i32
    %convert_element_type3A_45 = arith.extui %eq3A_44 : i1 to i32
    %cond3A_46 = arith.constant 0 : i32
    %cond3A_47 = arith.cmpi ne, %convert_element_type3A_45, %cond3A_46 : i32
    scf.if %cond3A_47 {
      "tpu.region"() ({
        %run_scoped3A = tpu.sem_alloc : memref<!tpu.dma_semaphore, #tpu.memory_space<semaphore_mem>>
        %dma_start3A = arith.constant 0 : i32
        %dma_start3A_77 = tpu.memref_slice %arg5[%add3A_42, %dma_start3A] : memref<10240x128xf32, #tpu.memory_space<hbm>> -> memref<128x128xf32, #tpu.memory_space<hbm>>
        %dma_start3A_78 = arith.constant 0 : i32
        %dma_start3A_79 = tpu.memref_slice %arg5[%add3A_42, %dma_start3A_78] : memref<10240x128xf32, #tpu.memory_space<hbm>> -> memref<128x128xf32, #tpu.memory_space<hbm>>
        tpu.enqueue_dma source(%arg8 : memref<128x128xf32, #tpu.memory_space<vmem>>) target(%dma_start3A_79 : memref<128x128xf32, #tpu.memory_space<hbm>>) target_semaphore(%run_scoped3A : memref<!tpu.dma_semaphore, #tpu.memory_space<semaphore_mem>>)
        %dma_wait3A = arith.constant 0 : i32
        %dma_wait3A_80 = tpu.memref_slice %arg5[%add3A_42, %dma_wait3A] : memref<10240x128xf32, #tpu.memory_space<hbm>> -> memref<128x128xf32, #tpu.memory_space<hbm>>
        %dma_wait3A_81 = arith.constant 0 : i32
        %dma_wait3A_82 = tpu.memref_slice %arg5[%add3A_42, %dma_wait3A_81] : memref<10240x128xf32, #tpu.memory_space<hbm>> -> memref<128x128xf32, #tpu.memory_space<hbm>>
        tpu.wait_dma2 semaphore(%run_scoped3A : memref<!tpu.dma_semaphore, #tpu.memory_space<semaphore_mem>>) src(%arg8 : memref<128x128xf32, #tpu.memory_space<vmem>>) dst(%dma_wait3A_82 : memref<128x128xf32, #tpu.memory_space<hbm>>)
        tpu.yield
      }) : () -> ()
    } else {
    }
    %eq3A_48 = arith.constant 1 : i32
    %eq3A_49 = arith.cmpi eq, %arg0, %eq3A_48 : i32
    %convert_element_type3A_50 = arith.extui %eq3A_49 : i1 to i32
    %cond3A_51 = arith.constant 0 : i32
    %cond3A_52 = arith.cmpi ne, %convert_element_type3A_50, %cond3A_51 : i32
    scf.if %cond3A_52 {
      "tpu.region"() ({
        %run_scoped3A = tpu.sem_alloc : memref<!tpu.dma_semaphore, #tpu.memory_space<semaphore_mem>>
        %dma_start3A = arith.constant 0 : i32
        %dma_start3A_77 = tpu.memref_slice %arg6[%add3A_42, %dma_start3A] : memref<10240x128xf32, #tpu.memory_space<hbm>> -> memref<128x128xf32, #tpu.memory_space<hbm>>
        %dma_start3A_78 = arith.constant 0 : i32
        %dma_start3A_79 = tpu.memref_slice %arg6[%add3A_42, %dma_start3A_78] : memref<10240x128xf32, #tpu.memory_space<hbm>> -> memref<128x128xf32, #tpu.memory_space<hbm>>
        tpu.enqueue_dma source(%arg8 : memref<128x128xf32, #tpu.memory_space<vmem>>) target(%dma_start3A_79 : memref<128x128xf32, #tpu.memory_space<hbm>>) target_semaphore(%run_scoped3A : memref<!tpu.dma_semaphore, #tpu.memory_space<semaphore_mem>>)
        %dma_wait3A = arith.constant 0 : i32
        %dma_wait3A_80 = tpu.memref_slice %arg6[%add3A_42, %dma_wait3A] : memref<10240x128xf32, #tpu.memory_space<hbm>> -> memref<128x128xf32, #tpu.memory_space<hbm>>
        %dma_wait3A_81 = arith.constant 0 : i32
        %dma_wait3A_82 = tpu.memref_slice %arg6[%add3A_42, %dma_wait3A_81] : memref<10240x128xf32, #tpu.memory_space<hbm>> -> memref<128x128xf32, #tpu.memory_space<hbm>>
        tpu.wait_dma2 semaphore(%run_scoped3A : memref<!tpu.dma_semaphore, #tpu.memory_space<semaphore_mem>>) src(%arg8 : memref<128x128xf32, #tpu.memory_space<vmem>>) dst(%dma_wait3A_82 : memref<128x128xf32, #tpu.memory_space<hbm>>)
        tpu.yield
      }) : () -> ()
    } else {
    }
    %add3A_53 = arith.constant 384 : i32
    %add3A_54 = arith.addi %mul3A_19, %add3A_53 : i32
    "tpu.region"() ({
      %run_scoped3A = tpu.sem_alloc : memref<!tpu.dma_semaphore, #tpu.memory_space<semaphore_mem>>
      %dma_start3A = arith.constant 0 : i32
      %dma_start3A_77 = tpu.memref_slice %arg9[%add3A_54, %dma_start3A] : memref<10240x128xf32, #tpu.memory_space<vmem_shared>> -> memref<128x128xf32, #tpu.memory_space<vmem_shared>>
      %dma_start3A_78 = arith.constant 0 : i32
      %dma_start3A_79 = tpu.memref_slice %arg9[%add3A_54, %dma_start3A_78] : memref<10240x128xf32, #tpu.memory_space<vmem_shared>> -> memref<128x128xf32, #tpu.memory_space<vmem_shared>>
      tpu.enqueue_dma source(%dma_start3A_79 : memref<128x128xf32, #tpu.memory_space<vmem_shared>>) target(%arg8 : memref<128x128xf32, #tpu.memory_space<vmem>>) target_semaphore(%run_scoped3A : memref<!tpu.dma_semaphore, #tpu.memory_space<semaphore_mem>>)
      %dma_wait3A = arith.constant 0 : i32
      %dma_wait3A_80 = tpu.memref_slice %arg9[%add3A_54, %dma_wait3A] : memref<10240x128xf32, #tpu.memory_space<vmem_shared>> -> memref<128x128xf32, #tpu.memory_space<vmem_shared>>
      %dma_wait3A_81 = arith.constant 0 : i32
      %dma_wait3A_82 = tpu.memref_slice %arg9[%add3A_54, %dma_wait3A_81] : memref<10240x128xf32, #tpu.memory_space<vmem_shared>> -> memref<128x128xf32, #tpu.memory_space<vmem_shared>>
      tpu.wait_dma2 semaphore(%run_scoped3A : memref<!tpu.dma_semaphore, #tpu.memory_space<semaphore_mem>>) src(%dma_wait3A_82 : memref<128x128xf32, #tpu.memory_space<vmem_shared>>) dst(%arg8 : memref<128x128xf32, #tpu.memory_space<vmem>>)
      tpu.yield
    }) : () -> ()
    %eq3A_55 = arith.constant 0 : i32
    %eq3A_56 = arith.cmpi eq, %arg0, %eq3A_55 : i32
    %convert_element_type3A_57 = arith.extui %eq3A_56 : i1 to i32
    %cond3A_58 = arith.constant 0 : i32
    %cond3A_59 = arith.cmpi ne, %convert_element_type3A_57, %cond3A_58 : i32
    scf.if %cond3A_59 {
      "tpu.region"() ({
        %run_scoped3A = tpu.sem_alloc : memref<!tpu.dma_semaphore, #tpu.memory_space<semaphore_mem>>
        %dma_start3A = arith.constant 0 : i32
        %dma_start3A_77 = tpu.memref_slice %arg5[%add3A_54, %dma_start3A] : memref<10240x128xf32, #tpu.memory_space<hbm>> -> memref<128x128xf32, #tpu.memory_space<hbm>>
        %dma_start3A_78 = arith.constant 0 : i32
        %dma_start3A_79 = tpu.memref_slice %arg5[%add3A_54, %dma_start3A_78] : memref<10240x128xf32, #tpu.memory_space<hbm>> -> memref<128x128xf32, #tpu.memory_space<hbm>>
        tpu.enqueue_dma source(%arg8 : memref<128x128xf32, #tpu.memory_space<vmem>>) target(%dma_start3A_79 : memref<128x128xf32, #tpu.memory_space<hbm>>) target_semaphore(%run_scoped3A : memref<!tpu.dma_semaphore, #tpu.memory_space<semaphore_mem>>)
        %dma_wait3A = arith.constant 0 : i32
        %dma_wait3A_80 = tpu.memref_slice %arg5[%add3A_54, %dma_wait3A] : memref<10240x128xf32, #tpu.memory_space<hbm>> -> memref<128x128xf32, #tpu.memory_space<hbm>>
        %dma_wait3A_81 = arith.constant 0 : i32
        %dma_wait3A_82 = tpu.memref_slice %arg5[%add3A_54, %dma_wait3A_81] : memref<10240x128xf32, #tpu.memory_space<hbm>> -> memref<128x128xf32, #tpu.memory_space<hbm>>
        tpu.wait_dma2 semaphore(%run_scoped3A : memref<!tpu.dma_semaphore, #tpu.memory_space<semaphore_mem>>) src(%arg8 : memref<128x128xf32, #tpu.memory_space<vmem>>) dst(%dma_wait3A_82 : memref<128x128xf32, #tpu.memory_space<hbm>>)
        tpu.yield
      }) : () -> ()
    } else {
    }
    %eq3A_60 = arith.constant 1 : i32
    %eq3A_61 = arith.cmpi eq, %arg0, %eq3A_60 : i32
    %convert_element_type3A_62 = arith.extui %eq3A_61 : i1 to i32
    %cond3A_63 = arith.constant 0 : i32
    %cond3A_64 = arith.cmpi ne, %convert_element_type3A_62, %cond3A_63 : i32
    scf.if %cond3A_64 {
      "tpu.region"() ({
        %run_scoped3A = tpu.sem_alloc : memref<!tpu.dma_semaphore, #tpu.memory_space<semaphore_mem>>
        %dma_start3A = arith.constant 0 : i32
        %dma_start3A_77 = tpu.memref_slice %arg6[%add3A_54, %dma_start3A] : memref<10240x128xf32, #tpu.memory_space<hbm>> -> memref<128x128xf32, #tpu.memory_space<hbm>>
        %dma_start3A_78 = arith.constant 0 : i32
        %dma_start3A_79 = tpu.memref_slice %arg6[%add3A_54, %dma_start3A_78] : memref<10240x128xf32, #tpu.memory_space<hbm>> -> memref<128x128xf32, #tpu.memory_space<hbm>>
        tpu.enqueue_dma source(%arg8 : memref<128x128xf32, #tpu.memory_space<vmem>>) target(%dma_start3A_79 : memref<128x128xf32, #tpu.memory_space<hbm>>) target_semaphore(%run_scoped3A : memref<!tpu.dma_semaphore, #tpu.memory_space<semaphore_mem>>)
        %dma_wait3A = arith.constant 0 : i32
        %dma_wait3A_80 = tpu.memref_slice %arg6[%add3A_54, %dma_wait3A] : memref<10240x128xf32, #tpu.memory_space<hbm>> -> memref<128x128xf32, #tpu.memory_space<hbm>>
        %dma_wait3A_81 = arith.constant 0 : i32
        %dma_wait3A_82 = tpu.memref_slice %arg6[%add3A_54, %dma_wait3A_81] : memref<10240x128xf32, #tpu.memory_space<hbm>> -> memref<128x128xf32, #tpu.memory_space<hbm>>
        tpu.wait_dma2 semaphore(%run_scoped3A : memref<!tpu.dma_semaphore, #tpu.memory_space<semaphore_mem>>) src(%arg8 : memref<128x128xf32, #tpu.memory_space<vmem>>) dst(%dma_wait3A_82 : memref<128x128xf32, #tpu.memory_space<hbm>>)
        tpu.yield
      }) : () -> ()
    } else {
    }
    %add3A_65 = arith.constant 512 : i32
    %add3A_66 = arith.addi %mul3A_19, %add3A_65 : i32
    "tpu.region"() ({
      %run_scoped3A = tpu.sem_alloc : memref<!tpu.dma_semaphore, #tpu.memory_space<semaphore_mem>>
      %dma_start3A = arith.constant 0 : i32
      %dma_start3A_77 = tpu.memref_slice %arg9[%add3A_66, %dma_start3A] : memref<10240x128xf32, #tpu.memory_space<vmem_shared>> -> memref<128x128xf32, #tpu.memory_space<vmem_shared>>
      %dma_start3A_78 = arith.constant 0 : i32
      %dma_start3A_79 = tpu.memref_slice %arg9[%add3A_66, %dma_start3A_78] : memref<10240x128xf32, #tpu.memory_space<vmem_shared>> -> memref<128x128xf32, #tpu.memory_space<vmem_shared>>
      tpu.enqueue_dma source(%dma_start3A_79 : memref<128x128xf32, #tpu.memory_space<vmem_shared>>) target(%arg8 : memref<128x128xf32, #tpu.memory_space<vmem>>) target_semaphore(%run_scoped3A : memref<!tpu.dma_semaphore, #tpu.memory_space<semaphore_mem>>)
      %dma_wait3A = arith.constant 0 : i32
      %dma_wait3A_80 = tpu.memref_slice %arg9[%add3A_66, %dma_wait3A] : memref<10240x128xf32, #tpu.memory_space<vmem_shared>> -> memref<128x128xf32, #tpu.memory_space<vmem_shared>>
      %dma_wait3A_81 = arith.constant 0 : i32
      %dma_wait3A_82 = tpu.memref_slice %arg9[%add3A_66, %dma_wait3A_81] : memref<10240x128xf32, #tpu.memory_space<vmem_shared>> -> memref<128x128xf32, #tpu.memory_space<vmem_shared>>
      tpu.wait_dma2 semaphore(%run_scoped3A : memref<!tpu.dma_semaphore, #tpu.memory_space<semaphore_mem>>) src(%dma_wait3A_82 : memref<128x128xf32, #tpu.memory_space<vmem_shared>>) dst(%arg8 : memref<128x128xf32, #tpu.memory_space<vmem>>)
      tpu.yield
    }) : () -> ()
    %eq3A_67 = arith.constant 0 : i32
    %eq3A_68 = arith.cmpi eq, %arg0, %eq3A_67 : i32
    %convert_element_type3A_69 = arith.extui %eq3A_68 : i1 to i32
    %cond3A_70 = arith.constant 0 : i32
    %cond3A_71 = arith.cmpi ne, %convert_element_type3A_69, %cond3A_70 : i32
    scf.if %cond3A_71 {
      "tpu.region"() ({
        %run_scoped3A = tpu.sem_alloc : memref<!tpu.dma_semaphore, #tpu.memory_space<semaphore_mem>>
        %dma_start3A = arith.constant 0 : i32
        %dma_start3A_77 = tpu.memref_slice %arg5[%add3A_66, %dma_start3A] : memref<10240x128xf32, #tpu.memory_space<hbm>> -> memref<128x128xf32, #tpu.memory_space<hbm>>
        %dma_start3A_78 = arith.constant 0 : i32
        %dma_start3A_79 = tpu.memref_slice %arg5[%add3A_66, %dma_start3A_78] : memref<10240x128xf32, #tpu.memory_space<hbm>> -> memref<128x128xf32, #tpu.memory_space<hbm>>
        tpu.enqueue_dma source(%arg8 : memref<128x128xf32, #tpu.memory_space<vmem>>) target(%dma_start3A_79 : memref<128x128xf32, #tpu.memory_space<hbm>>) target_semaphore(%run_scoped3A : memref<!tpu.dma_semaphore, #tpu.memory_space<semaphore_mem>>)
        %dma_wait3A = arith.constant 0 : i32
        %dma_wait3A_80 = tpu.memref_slice %arg5[%add3A_66, %dma_wait3A] : memref<10240x128xf32, #tpu.memory_space<hbm>> -> memref<128x128xf32, #tpu.memory_space<hbm>>
        %dma_wait3A_81 = arith.constant 0 : i32
        %dma_wait3A_82 = tpu.memref_slice %arg5[%add3A_66, %dma_wait3A_81] : memref<10240x128xf32, #tpu.memory_space<hbm>> -> memref<128x128xf32, #tpu.memory_space<hbm>>
        tpu.wait_dma2 semaphore(%run_scoped3A : memref<!tpu.dma_semaphore, #tpu.memory_space<semaphore_mem>>) src(%arg8 : memref<128x128xf32, #tpu.memory_space<vmem>>) dst(%dma_wait3A_82 : memref<128x128xf32, #tpu.memory_space<hbm>>)
        tpu.yield
      }) : () -> ()
    } else {
    }
    %eq3A_72 = arith.constant 1 : i32
    %eq3A_73 = arith.cmpi eq, %arg0, %eq3A_72 : i32
    %convert_element_type3A_74 = arith.extui %eq3A_73 : i1 to i32
    %cond3A_75 = arith.constant 0 : i32
    %cond3A_76 = arith.cmpi ne, %convert_element_type3A_74, %cond3A_75 : i32
    scf.if %cond3A_76 {
      "tpu.region"() ({
        %run_scoped3A = tpu.sem_alloc : memref<!tpu.dma_semaphore, #tpu.memory_space<semaphore_mem>>
        %dma_start3A = arith.constant 0 : i32
        %dma_start3A_77 = tpu.memref_slice %arg6[%add3A_66, %dma_start3A] : memref<10240x128xf32, #tpu.memory_space<hbm>> -> memref<128x128xf32, #tpu.memory_space<hbm>>
        %dma_start3A_78 = arith.constant 0 : i32
        %dma_start3A_79 = tpu.memref_slice %arg6[%add3A_66, %dma_start3A_78] : memref<10240x128xf32, #tpu.memory_space<hbm>> -> memref<128x128xf32, #tpu.memory_space<hbm>>
        tpu.enqueue_dma source(%arg8 : memref<128x128xf32, #tpu.memory_space<vmem>>) target(%dma_start3A_79 : memref<128x128xf32, #tpu.memory_space<hbm>>) target_semaphore(%run_scoped3A : memref<!tpu.dma_semaphore, #tpu.memory_space<semaphore_mem>>)
        %dma_wait3A = arith.constant 0 : i32
        %dma_wait3A_80 = tpu.memref_slice %arg6[%add3A_66, %dma_wait3A] : memref<10240x128xf32, #tpu.memory_space<hbm>> -> memref<128x128xf32, #tpu.memory_space<hbm>>
        %dma_wait3A_81 = arith.constant 0 : i32
        %dma_wait3A_82 = tpu.memref_slice %arg6[%add3A_66, %dma_wait3A_81] : memref<10240x128xf32, #tpu.memory_space<hbm>> -> memref<128x128xf32, #tpu.memory_space<hbm>>
        tpu.wait_dma2 semaphore(%run_scoped3A : memref<!tpu.dma_semaphore, #tpu.memory_space<semaphore_mem>>) src(%arg8 : memref<128x128xf32, #tpu.memory_space<vmem>>) dst(%dma_wait3A_82 : memref<128x128xf32, #tpu.memory_space<hbm>>)
        tpu.yield
      }) : () -> ()
    } else {
    }
    return
  }
}

module attributes {stable_mosaic.version = 14 : i64} {
  func.func @_dinv_body(%arg0: i32, %arg1: memref<1024x128xf32, #tpu.memory_space<vmem>>, %arg2: memref<1024x128xf32, #tpu.memory_space<vmem>>, %arg3: memref<1024x128xf32, #tpu.memory_space<vmem>>) attributes {dimension_semantics = [#tpu.dimension_semantics<arbitrary>], iteration_bounds = array<i64: 10>, scalar_prefetch = 0 : i64, scratch_operands = 0 : i64, tpu.core_type = #tpu.core_type<tc>, window_params = [{transform_indices = @transform_0, window_bounds = array<i64: 1024, 128>}, {transform_indices = @transform_1, window_bounds = array<i64: 1024, 128>}, {transform_indices = @transform_2, window_bounds = array<i64: 1024, 128>}]} {
    %get3A = arith.constant 0 : index
    %get3A_0 = arith.constant 0 : index
    %get3A_1 = vector.load %arg1[%get3A, %get3A_0] : memref<1024x128xf32, #tpu.memory_space<vmem>>, vector<1024x128xf32>
    %get3A_2 = arith.constant 0 : index
    %get3A_3 = arith.constant 0 : index
    %get3A_4 = vector.load %arg2[%get3A_2, %get3A_3] : memref<1024x128xf32, #tpu.memory_space<vmem>>, vector<1024x128xf32>
    %add3A = arith.addf %get3A_1, %get3A_4 : vector<1024x128xf32>
    %add3A_5 = arith.constant 1.000000e+00 : f32
    %add3A_6 = vector.broadcast %add3A_5 : f32 to vector<1024x128xf32>
    %add3A_7 = arith.addf %add3A, %add3A_6 : vector<1024x128xf32>
    %rsqrt3A = math.rsqrt %add3A_7 : vector<1024x128xf32>
    %swap3A = arith.constant 0 : index
    %swap3A_8 = arith.constant 0 : index
    %swap3A_9 = vector.load %arg3[%swap3A, %swap3A_8] : memref<1024x128xf32, #tpu.memory_space<vmem>>, vector<1024x128xf32>
    tpu.vector_store %arg3[%swap3A, %swap3A_8], %rsqrt3A {strides = array<i32>} : memref<1024x128xf32, #tpu.memory_space<vmem>>, vector<1024x128xf32>,
    return
  }
  func.func @transform_0(%arg0: i32) -> (i32, i32) {
    %c0_i32 = arith.constant 0 : i32
    %c0_i32_0 = arith.constant 0 : i32
    return %arg0, %c0_i32 : i32, i32
  }
  func.func @transform_1(%arg0: i32) -> (i32, i32) {
    %c0_i32 = arith.constant 0 : i32
    %c0_i32_0 = arith.constant 0 : i32
    return %arg0, %c0_i32 : i32, i32
  }
  func.func @transform_2(%arg0: i32) -> (i32, i32) {
    %c0_i32 = arith.constant 0 : i32
    %c0_i32_0 = arith.constant 0 : i32
    return %arg0, %c0_i32 : i32, i32
  }
}

module attributes {stable_mosaic.version = 14 : i64} {
  func.func @_prep1_body(%arg0: i32, %arg1: memref<1000x128xf32, #tpu.memory_space<vmem>>, %arg2: memref<128x128xf32, #tpu.memory_space<vmem>>, %arg3: memref<128xf32, #tpu.memory_space<vmem>>, %arg4: memref<128x128xf32, #tpu.memory_space<vmem>>, %arg5: memref<1000x128xf32, #tpu.memory_space<vmem>>, %arg6: memref<1000x128xf32, #tpu.memory_space<vmem>>) attributes {dimension_semantics = [#tpu.dimension_semantics<arbitrary>], iteration_bounds = array<i64: 10>, scalar_prefetch = 0 : i64, scratch_operands = 0 : i64, tpu.core_type = #tpu.core_type<tc>, window_params = [{transform_indices = @transform_0, window_bounds = array<i64: 1000, 128>}, {pipeline_mode = #tpu.pipeline_mode<synchronous>, transform_indices = @transform_1, window_bounds = array<i64: 128, 128>}, {pipeline_mode = #tpu.pipeline_mode<synchronous>, transform_indices = @transform_2, window_bounds = array<i64: 128>}, {pipeline_mode = #tpu.pipeline_mode<synchronous>, transform_indices = @transform_3, window_bounds = array<i64: 128, 128>}, {transform_indices = @transform_4, window_bounds = array<i64: 1000, 128>}, {transform_indices = @transform_5, window_bounds = array<i64: 1000, 128>}]} {
    %get3A = arith.constant 0 : index
    %get3A_0 = arith.constant 0 : index
    %get3A_1 = vector.load %arg1[%get3A, %get3A_0] : memref<1000x128xf32, #tpu.memory_space<vmem>>, vector<1000x128xf32>
    %get3A_2 = arith.constant 0 : index
    %get3A_3 = arith.constant 0 : index
    %get3A_4 = vector.load %arg2[%get3A_2, %get3A_3] : memref<128x128xf32, #tpu.memory_space<vmem>>, vector<128x128xf32>
    %dot_general3A = arith.constant dense<0.000000e+00> : vector<1000x128xf32>
    %dot_general3A_5 = tpu.matmul %get3A_1, %get3A_4, %dot_general3A {dimension_numbers = #tpu.dot_dimension_numbers<[1], [0], [0], [1], [0, 0, 1, 1], [], []>, precision = #tpu.contract_precision<fp32>, transpose_lhs_hint = false} : vector<1000x128xf32>, vector<128x128xf32>, vector<1000x128xf32> -> vector<1000x128xf32>
    %get3A_6 = arith.constant 0 : index
    %get3A_7 = vector.load %arg3[%get3A_6] : memref<128xf32, #tpu.memory_space<vmem>>, vector<128xf32>
    %broadcast_in_dim3A = vector.shape_cast %get3A_7 : vector<128xf32> to vector<1x128xf32>
    %add3A = vector.broadcast %broadcast_in_dim3A : vector<1x128xf32> to vector<1000x128xf32>
    %add3A_8 = arith.addf %dot_general3A_5, %add3A : vector<1000x128xf32>
    %max3A = arith.constant 0.000000e+00 : f32
    %max3A_9 = vector.broadcast %max3A : f32 to vector<1000x128xf32>
    %max3A_10 = arith.maximumf %add3A_8, %max3A_9 : vector<1000x128xf32>
    %get3A_11 = arith.constant 0 : index
    %get3A_12 = arith.constant 0 : index
    %get3A_13 = vector.load %arg5[%get3A_11, %get3A_12] : memref<1000x128xf32, #tpu.memory_space<vmem>>, vector<1000x128xf32>
    %get3A_14 = arith.constant 0 : index
    %get3A_15 = arith.constant 0 : index
    %get3A_16 = vector.load %arg4[%get3A_14, %get3A_15] : memref<128x128xf32, #tpu.memory_space<vmem>>, vector<128x128xf32>
    %dot_general3A_17 = arith.constant dense<0.000000e+00> : vector<1000x128xf32>
    %dot_general3A_18 = tpu.matmul %max3A_10, %get3A_16, %dot_general3A_17 {dimension_numbers = #tpu.dot_dimension_numbers<[1], [0], [0], [1], [0, 0, 1, 1], [], []>, precision = #tpu.contract_precision<fp32>, transpose_lhs_hint = false} : vector<1000x128xf32>, vector<128x128xf32>, vector<1000x128xf32> -> vector<1000x128xf32>
    %mul3A = arith.mulf %get3A_13, %dot_general3A_18 : vector<1000x128xf32>
    %swap3A = arith.constant 0 : index
    %swap3A_19 = arith.constant 0 : index
    %swap3A_20 = vector.load %arg6[%swap3A, %swap3A_19] : memref<1000x128xf32, #tpu.memory_space<vmem>>, vector<1000x128xf32>
    tpu.vector_store %arg6[%swap3A, %swap3A_19], %mul3A {strides = array<i32>} : memref<1000x128xf32, #tpu.memory_space<vmem>>, vector<1000x128xf32>,
    return
  }
  func.func @transform_0(%arg0: i32) -> (i32, i32) {
    %c0_i32 = arith.constant 0 : i32
    %c0_i32_0 = arith.constant 0 : i32
    return %arg0, %c0_i32 : i32, i32
  }
  func.func @transform_1(%arg0: i32) -> (i32, i32) {
    %c0_i32 = arith.constant 0 : i32
    %c0_i32_0 = arith.constant 0 : i32
    %c0_i32_1 = arith.constant 0 : i32
    return %c0_i32, %c0_i32_0 : i32, i32
  }
  func.func @transform_2(%arg0: i32) -> i32 {
    %c0_i32 = arith.constant 0 : i32
    %c0_i32_0 = arith.constant 0 : i32
    return %c0_i32 : i32
  }
  func.func @transform_3(%arg0: i32) -> (i32, i32) {
    %c0_i32 = arith.constant 0 : i32
    %c0_i32_0 = arith.constant 0 : i32
    %c0_i32_1 = arith.constant 0 : i32
    return %c0_i32, %c0_i32_0 : i32, i32
  }
  func.func @transform_4(%arg0: i32) -> (i32, i32) {
    %c0_i32 = arith.constant 0 : i32
    %c0_i32_0 = arith.constant 0 : i32
    return %arg0, %c0_i32 : i32, i32
  }
  func.func @transform_5(%arg0: i32) -> (i32, i32) {
    %c0_i32 = arith.constant 0 : i32
    %c0_i32_0 = arith.constant 0 : i32
    return %arg0, %c0_i32 : i32, i32
  }
}

module attributes {stable_mosaic.version = 14 : i64} {
  func.func @_comb_body(%arg0: i32, %arg1: memref<1000x128xf32, #tpu.memory_space<vmem>>, %arg2: memref<1000x128xf32, #tpu.memory_space<vmem>>, %arg3: memref<1000x128xf32, #tpu.memory_space<vmem>>, %arg4: memref<1000x128xf32, #tpu.memory_space<vmem>>, %arg5: memref<128xf32, #tpu.memory_space<vmem>>, %arg6: memref<128x128xf32, #tpu.memory_space<vmem>>, %arg7: memref<1000x128xf32, #tpu.memory_space<vmem>>) attributes {dimension_semantics = [#tpu.dimension_semantics<arbitrary>], iteration_bounds = array<i64: 10>, scalar_prefetch = 0 : i64, scratch_operands = 0 : i64, tpu.core_type = #tpu.core_type<tc>, window_params = [{transform_indices = @transform_0, window_bounds = array<i64: 1000, 128>}, {transform_indices = @transform_1, window_bounds = array<i64: 1000, 128>}, {transform_indices = @transform_2, window_bounds = array<i64: 1000, 128>}, {transform_indices = @transform_3, window_bounds = array<i64: 1000, 128>}, {pipeline_mode = #tpu.pipeline_mode<synchronous>, transform_indices = @transform_4, window_bounds = array<i64: 128>}, {pipeline_mode = #tpu.pipeline_mode<synchronous>, transform_indices = @transform_5, window_bounds = array<i64: 128, 128>}, {transform_indices = @transform_6, window_bounds = array<i64: 1000, 128>}]} {
    %get3A = arith.constant 0 : index
    %get3A_0 = arith.constant 0 : index
    %get3A_1 = vector.load %arg4[%get3A, %get3A_0] : memref<1000x128xf32, #tpu.memory_space<vmem>>, vector<1000x128xf32>
    %get3A_2 = arith.constant 0 : index
    %get3A_3 = arith.constant 0 : index
    %get3A_4 = vector.load %arg1[%get3A_2, %get3A_3] : memref<1000x128xf32, #tpu.memory_space<vmem>>, vector<1000x128xf32>
    %get3A_5 = arith.constant 0 : index
    %get3A_6 = arith.constant 0 : index
    %get3A_7 = vector.load %arg2[%get3A_5, %get3A_6] : memref<1000x128xf32, #tpu.memory_space<vmem>>, vector<1000x128xf32>
    %add3A = arith.addf %get3A_4, %get3A_7 : vector<1000x128xf32>
    %get3A_8 = arith.constant 0 : index
    %get3A_9 = arith.constant 0 : index
    %get3A_10 = vector.load %arg3[%get3A_8, %get3A_9] : memref<1000x128xf32, #tpu.memory_space<vmem>>, vector<1000x128xf32>
    %add3A_11 = arith.addf %add3A, %get3A_10 : vector<1000x128xf32>
    %mul3A = arith.mulf %get3A_1, %add3A_11 : vector<1000x128xf32>
    %get3A_12 = arith.constant 0 : index
    %get3A_13 = vector.load %arg5[%get3A_12] : memref<128xf32, #tpu.memory_space<vmem>>, vector<128xf32>
    %broadcast_in_dim3A = vector.shape_cast %get3A_13 : vector<128xf32> to vector<1x128xf32>
    %add3A_14 = vector.broadcast %broadcast_in_dim3A : vector<1x128xf32> to vector<1000x128xf32>
    %add3A_15 = arith.addf %mul3A, %add3A_14 : vector<1000x128xf32>
    %max3A = arith.constant 0.000000e+00 : f32
    %max3A_16 = vector.broadcast %max3A : f32 to vector<1000x128xf32>
    %max3A_17 = arith.maximumf %add3A_15, %max3A_16 : vector<1000x128xf32>
    %get3A_18 = arith.constant 0 : index
    %get3A_19 = arith.constant 0 : index
    %get3A_20 = vector.load %arg6[%get3A_18, %get3A_19] : memref<128x128xf32, #tpu.memory_space<vmem>>, vector<128x128xf32>
    %dot_general3A = arith.constant dense<0.000000e+00> : vector<1000x128xf32>
    %dot_general3A_21 = tpu.matmul %max3A_17, %get3A_20, %dot_general3A {dimension_numbers = #tpu.dot_dimension_numbers<[1], [0], [0], [1], [0, 0, 1, 1], [], []>, precision = #tpu.contract_precision<fp32>, transpose_lhs_hint = false} : vector<1000x128xf32>, vector<128x128xf32>, vector<1000x128xf32> -> vector<1000x128xf32>
    %mul3A_22 = arith.mulf %get3A_1, %dot_general3A_21 : vector<1000x128xf32>
    %swap3A = arith.constant 0 : index
    %swap3A_23 = arith.constant 0 : index
    %swap3A_24 = vector.load %arg7[%swap3A, %swap3A_23] : memref<1000x128xf32, #tpu.memory_space<vmem>>, vector<1000x128xf32>
    tpu.vector_store %arg7[%swap3A, %swap3A_23], %mul3A_22 {strides = array<i32>} : memref<1000x128xf32, #tpu.memory_space<vmem>>, vector<1000x128xf32>,
    return
  }
  func.func @transform_0(%arg0: i32) -> (i32, i32) {
    %c0_i32 = arith.constant 0 : i32
    %c0_i32_0 = arith.constant 0 : i32
    return %arg0, %c0_i32 : i32, i32
  }
  func.func @transform_1(%arg0: i32) -> (i32, i32) {
    %c0_i32 = arith.constant 0 : i32
    %c0_i32_0 = arith.constant 0 : i32
    return %arg0, %c0_i32 : i32, i32
  }
  func.func @transform_2(%arg0: i32) -> (i32, i32) {
    %c0_i32 = arith.constant 0 : i32
    %c0_i32_0 = arith.constant 0 : i32
    return %arg0, %c0_i32 : i32, i32
  }
  func.func @transform_3(%arg0: i32) -> (i32, i32) {
    %c0_i32 = arith.constant 0 : i32
    %c0_i32_0 = arith.constant 0 : i32
    return %arg0, %c0_i32 : i32, i32
  }
  func.func @transform_4(%arg0: i32) -> i32 {
    %c0_i32 = arith.constant 0 : i32
    %c0_i32_0 = arith.constant 0 : i32
    return %c0_i32 : i32
  }
  func.func @transform_5(%arg0: i32) -> (i32, i32) {
    %c0_i32 = arith.constant 0 : i32
    %c0_i32_0 = arith.constant 0 : i32
    %c0_i32_1 = arith.constant 0 : i32
    return %c0_i32, %c0_i32_0 : i32, i32
  }
  func.func @transform_6(%arg0: i32) -> (i32, i32) {
    %c0_i32 = arith.constant 0 : i32
    %c0_i32_0 = arith.constant 0 : i32
    return %arg0, %c0_i32 : i32, i32
  }
}

module attributes {stable_mosaic.version = 14 : i64} {
  func.func @_final_body(%arg0: i32, %arg1: memref<1000x128xf32, #tpu.memory_space<vmem>>, %arg2: memref<1000x128xf32, #tpu.memory_space<vmem>>, %arg3: memref<1000x128xf32, #tpu.memory_space<vmem>>, %arg4: memref<1000x128xf32, #tpu.memory_space<vmem>>, %arg5: memref<128xf32, #tpu.memory_space<vmem>>, %arg6: memref<1x1x1000xi32, #tpu.memory_space<vmem>>, %arg7: memref<64x128xf32, #tpu.memory_space<vmem>>, %arg8: memref<64x128xf32, #tpu.memory_space<vmem>>, %arg9: memref<64x128xf32, #tpu.memory_space<vmem>>) attributes {dimension_semantics = [#tpu.dimension_semantics<arbitrary>], iteration_bounds = array<i64: 10>, scalar_prefetch = 0 : i64, scratch_operands = 2 : i64, tpu.core_type = #tpu.core_type<tc>, window_params = [{transform_indices = @transform_0, window_bounds = array<i64: 1000, 128>}, {transform_indices = @transform_1, window_bounds = array<i64: 1000, 128>}, {transform_indices = @transform_2, window_bounds = array<i64: 1000, 128>}, {transform_indices = @transform_3, window_bounds = array<i64: 1000, 128>}, {pipeline_mode = #tpu.pipeline_mode<synchronous>, transform_indices = @transform_4, window_bounds = array<i64: 128>}, {transform_indices = @transform_5, window_bounds = array<i64: 1, 1, 1000>}, {pipeline_mode = #tpu.pipeline_mode<synchronous>, transform_indices = @transform_6, window_bounds = array<i64: 64, 128>}]} {
    %eq3A = arith.constant 0 : i32
    %eq3A_0 = arith.cmpi eq, %arg0, %eq3A : i32
    %convert_element_type3A = arith.extui %eq3A_0 : i1 to i32
    %cond3A = arith.constant 0 : i32
    %cond3A_1 = arith.cmpi ne, %convert_element_type3A, %cond3A : i32
    scf.if %cond3A_1 {
      %broadcast_in_dim3A_54 = arith.constant 0.000000e+00 : f32
      %broadcast_in_dim3A_55 = vector.broadcast %broadcast_in_dim3A_54 : f32 to vector<64x128xf32>
      %swap3A_56 = arith.constant 0 : index
      %swap3A_57 = arith.constant 0 : index
      %swap3A_58 = vector.load %arg8[%swap3A_56, %swap3A_57] : memref<64x128xf32, #tpu.memory_space<vmem>>, vector<64x128xf32>
      tpu.vector_store %arg8[%swap3A_56, %swap3A_57], %broadcast_in_dim3A_55 {strides = array<i32>} : memref<64x128xf32, #tpu.memory_space<vmem>>, vector<64x128xf32>,
      %broadcast_in_dim3A_59 = arith.constant 0.000000e+00 : f32
      %broadcast_in_dim3A_60 = vector.broadcast %broadcast_in_dim3A_59 : f32 to vector<64x128xf32>
      %swap3A_61 = arith.constant 0 : index
      %swap3A_62 = arith.constant 0 : index
      %swap3A_63 = vector.load %arg9[%swap3A_61, %swap3A_62] : memref<64x128xf32, #tpu.memory_space<vmem>>, vector<64x128xf32>
      tpu.vector_store %arg9[%swap3A_61, %swap3A_62], %broadcast_in_dim3A_60 {strides = array<i32>} : memref<64x128xf32, #tpu.memory_space<vmem>>, vector<64x128xf32>,
    } else {
    }
    %get3A = arith.constant 0 : index
    %get3A_2 = arith.constant 0 : index
    %get3A_3 = vector.load %arg4[%get3A, %get3A_2] : memref<1000x128xf32, #tpu.memory_space<vmem>>, vector<1000x128xf32>
    %get3A_4 = arith.constant 0 : index
    %get3A_5 = arith.constant 0 : index
    %get3A_6 = vector.load %arg1[%get3A_4, %get3A_5] : memref<1000x128xf32, #tpu.memory_space<vmem>>, vector<1000x128xf32>
    %get3A_7 = arith.constant 0 : index
    %get3A_8 = arith.constant 0 : index
    %get3A_9 = vector.load %arg2[%get3A_7, %get3A_8] : memref<1000x128xf32, #tpu.memory_space<vmem>>, vector<1000x128xf32>
    %add3A = arith.addf %get3A_6, %get3A_9 : vector<1000x128xf32>
    %get3A_10 = arith.constant 0 : index
    %get3A_11 = arith.constant 0 : index
    %get3A_12 = vector.load %arg3[%get3A_10, %get3A_11] : memref<1000x128xf32, #tpu.memory_space<vmem>>, vector<1000x128xf32>
    %add3A_13 = arith.addf %add3A, %get3A_12 : vector<1000x128xf32>
    %mul3A = arith.mulf %get3A_3, %add3A_13 : vector<1000x128xf32>
    %get3A_14 = arith.constant 0 : index
    %get3A_15 = vector.load %arg5[%get3A_14] : memref<128xf32, #tpu.memory_space<vmem>>, vector<128xf32>
    %broadcast_in_dim3A = vector.shape_cast %get3A_15 : vector<128xf32> to vector<1x128xf32>
    %add3A_16 = vector.broadcast %broadcast_in_dim3A : vector<1x128xf32> to vector<1000x128xf32>
    %add3A_17 = arith.addf %mul3A, %add3A_16 : vector<1000x128xf32>
    %max3A = arith.constant 0.000000e+00 : f32
    %max3A_18 = vector.broadcast %max3A : f32 to vector<1000x128xf32>
    %max3A_19 = arith.maximumf %add3A_17, %max3A_18 : vector<1000x128xf32>
    %get3A_20 = arith.constant 0 : index
    %get3A_21 = arith.constant 0 : index
    %get3A_22 = arith.constant 0 : index
    %get3A_23 = vector.load %arg6[%get3A_20, %get3A_21, %get3A_22] : memref<1x1x1000xi32, #tpu.memory_space<vmem>>, vector<1x1x1000xi32>
    %get3A_24 = vector.shape_cast %get3A_23 : vector<1x1x1000xi32> to vector<1000xi32>
    %iota3A = tpu.iota {dimensions = array<i32: 0>} : vector<64x1000xi32>
    %broadcast_in_dim3A_25 = vector.shape_cast %get3A_24 : vector<1000xi32> to vector<1x1000xi32>
    %eq3A_26 = vector.broadcast %broadcast_in_dim3A_25 : vector<1x1000xi32> to vector<64x1000xi32>
    %eq3A_27 = arith.cmpi eq, %iota3A, %eq3A_26 : vector<64x1000xi32>
    %jit3A = arith.constant 1.000000e+00 : f32
    %jit3A_28 = arith.constant 0.000000e+00 : f32
    %broadcast_in_dim3A_29 = vector.broadcast %jit3A : f32 to vector<64x1000xf32>
    %broadcast_in_dim3A_30 = vector.broadcast %jit3A_28 : f32 to vector<64x1000xf32>
    %select_n3A = arith.select %eq3A_27, %broadcast_in_dim3A_29, %broadcast_in_dim3A_30 : vector<64x1000xi1>, vector<64x1000xf32>
    %get3A_31 = arith.constant 0 : index
    %get3A_32 = arith.constant 0 : index
    %get3A_33 = vector.load %arg8[%get3A_31, %get3A_32] : memref<64x128xf32, #tpu.memory_space<vmem>>, vector<64x128xf32>
    %dot_general3A = arith.constant dense<0.000000e+00> : vector<64x128xf32>
    %dot_general3A_34 = tpu.matmul %select_n3A, %max3A_19, %dot_general3A {dimension_numbers = #tpu.dot_dimension_numbers<[1], [0], [0], [1], [0, 0, 1, 1], [], []>, precision = #tpu.contract_precision<fp32>, transpose_lhs_hint = false} : vector<64x1000xf32>, vector<1000x128xf32>, vector<64x128xf32> -> vector<64x128xf32>
    %add3A_35 = arith.addf %get3A_33, %dot_general3A_34 : vector<64x128xf32>
    %swap3A = arith.constant 0 : index
    %swap3A_36 = arith.constant 0 : index
    %swap3A_37 = vector.load %arg8[%swap3A, %swap3A_36] : memref<64x128xf32, #tpu.memory_space<vmem>>, vector<64x128xf32>
    tpu.vector_store %arg8[%swap3A, %swap3A_36], %add3A_35 {strides = array<i32>} : memref<64x128xf32, #tpu.memory_space<vmem>>, vector<64x128xf32>,
    %reduce_sum3A = arith.constant dense<0.000000e+00> : vector<64xf32>
    %reduce_sum3A_38 = vector.multi_reduction <add>, %select_n3A, %reduce_sum3A [1] : vector<64x1000xf32> to vector<64xf32>
    %broadcast_in_dim3A_39 = vector.shape_cast %reduce_sum3A_38 : vector<64xf32> to vector<64x1xf32>
    %get3A_40 = arith.constant 0 : index
    %get3A_41 = arith.constant 0 : index
    %get3A_42 = vector.load %arg9[%get3A_40, %get3A_41] : memref<64x128xf32, #tpu.memory_space<vmem>>, vector<64x128xf32>
    %broadcast_in_dim3A_43 = vector.shape_cast %broadcast_in_dim3A_39 : vector<64x1xf32> to vector<64x1xf32>
    %broadcast_in_dim3A_44 = vector.broadcast %broadcast_in_dim3A_43 : vector<64x1xf32> to vector<64x128xf32>
    %add3A_45 = arith.addf %get3A_42, %broadcast_in_dim3A_44 : vector<64x128xf32>
    %swap3A_46 = arith.constant 0 : index
    %swap3A_47 = arith.constant 0 : index
    %swap3A_48 = vector.load %arg9[%swap3A_46, %swap3A_47] : memref<64x128xf32, #tpu.memory_space<vmem>>, vector<64x128xf32>
    tpu.vector_store %arg9[%swap3A_46, %swap3A_47], %add3A_45 {strides = array<i32>} : memref<64x128xf32, #tpu.memory_space<vmem>>, vector<64x128xf32>,
    %eq3A_49 = arith.constant 9 : i32
    %eq3A_50 = arith.cmpi eq, %arg0, %eq3A_49 : i32
    %convert_element_type3A_51 = arith.extui %eq3A_50 : i1 to i32
    %cond3A_52 = arith.constant 0 : i32
    %cond3A_53 = arith.cmpi ne, %convert_element_type3A_51, %cond3A_52 : i32
    scf.if %cond3A_53 {
      %get3A_54 = arith.constant 0 : index
      %get3A_55 = arith.constant 0 : index
      %get3A_56 = vector.load %arg8[%get3A_54, %get3A_55] : memref<64x128xf32, #tpu.memory_space<vmem>>, vector<64x128xf32>
      %get3A_57 = arith.constant 0 : index
      %get3A_58 = arith.constant 0 : index
      %get3A_59 = vector.load %arg9[%get3A_57, %get3A_58] : memref<64x128xf32, #tpu.memory_space<vmem>>, vector<64x128xf32>
      %max3A_60 = arith.constant 1.000000e+00 : f32
      %max3A_61 = vector.broadcast %max3A_60 : f32 to vector<64x128xf32>
      %max3A_62 = arith.maximumf %get3A_59, %max3A_61 : vector<64x128xf32>
      %div3A = arith.divf %get3A_56, %max3A_62 : vector<64x128xf32>
      %swap3A_63 = arith.constant 0 : index
      %swap3A_64 = arith.constant 0 : index
      %swap3A_65 = vector.load %arg7[%swap3A_63, %swap3A_64] : memref<64x128xf32, #tpu.memory_space<vmem>>, vector<64x128xf32>
      tpu.vector_store %arg7[%swap3A_63, %swap3A_64], %div3A {strides = array<i32>} : memref<64x128xf32, #tpu.memory_space<vmem>>, vector<64x128xf32>,
    } else {
    }
    return
  }
  func.func @transform_0(%arg0: i32) -> (i32, i32) {
    %c0_i32 = arith.constant 0 : i32
    %c0_i32_0 = arith.constant 0 : i32
    return %arg0, %c0_i32 : i32, i32
  }
  func.func @transform_1(%arg0: i32) -> (i32, i32) {
    %c0_i32 = arith.constant 0 : i32
    %c0_i32_0 = arith.constant 0 : i32
    return %arg0, %c0_i32 : i32, i32
  }
  func.func @transform_2(%arg0: i32) -> (i32, i32) {
    %c0_i32 = arith.constant 0 : i32
    %c0_i32_0 = arith.constant 0 : i32
    return %arg0, %c0_i32 : i32, i32
  }
  func.func @transform_3(%arg0: i32) -> (i32, i32) {
    %c0_i32 = arith.constant 0 : i32
    %c0_i32_0 = arith.constant 0 : i32
    return %arg0, %c0_i32 : i32, i32
  }
  func.func @transform_4(%arg0: i32) -> i32 {
    %c0_i32 = arith.constant 0 : i32
    %c0_i32_0 = arith.constant 0 : i32
    return %c0_i32 : i32
  }
  func.func @transform_5(%arg0: i32) -> (i32, i32, i32) {
    %c0_i32 = arith.constant 0 : i32
    %c0_i32_0 = arith.constant 0 : i32
    %c0_i32_1 = arith.constant 0 : i32
    return %arg0, %c0_i32, %c0_i32_0 : i32, i32, i32
  }
  func.func @transform_6(%arg0: i32) -> (i32, i32) {
    %c0_i32 = arith.constant 0 : i32
    %c0_i32_0 = arith.constant 0 : i32
    %c0_i32_1 = arith.constant 0 : i32
    return %c0_i32, %c0_i32_0 : i32, i32
  }
}

</mosaic_0001>

<sc_bundles>
// kernel: kernel.11.cloned.1.call-start
scs
__scs_entry_jumppad:
0x0: {  	(pc) =	sbr.rel $0x88, $3  }
0x1: {  	(tag) =	ssettag $0x0;
	lr =	simm.s32 $0x1  }
0x2: {  	[smem:$0x3F96] =	sst lr;
	_ =	strace $0xD0000000  }
0x3: {  	_ = 	snop  }
0x4: {  	_ = 	snop  }
0x5: {  	_ = 	snop  }
0x6: {  	_ = 	snop  }
0x7: {  	_ = 	snop  }
__scs_overlays_trampoline_lowered:
0x8: {  	[smem:$0x3FA5] =	sst s0  }
0x9: {  	[smem:$0x3FA6] =	sst s1  }
0xa: {  	[smem:$0x3FA7] =	sst s2  }
0xb: {  	[smem:$0x3FA8] =	sst s3  }
0xc: {  	[smem:$0x3FA9] =	sst s4  }
0xd: {  	[smem:$0x3FAA] =	sst s5  }
0xe: {  	[smem:$0x3FAB] =	sst s6  }
0xf: {  	[smem:$0x3FAC] =	sst s7  }
0x10: {  	[smem:$0x3FAD] =	sst s8  }
0x11: {  	[smem:$0x3FAE] =	sst s9;
	s0 =	simm.s32 @!p0 $0x0  }
0x12: {  	s1 =	sld [smem:$0x3F94];
	s0 =	simm.s32 @p0 $0x1  }
0x13: {  	[smem:$0x3FAF] =	sst s0;
	s0 =	simm.s32 @!p1 $0x0  }
0x14: {  	s2 =	sld [smem:$0x3F93];
	s0 =	simm.s32 @p1 $0x1  }
0x15: {  	[smem:$0x3FB0] =	sst s0;
	s0 =	simm.s32 @!p2 $0x0  }
0x16: {  	s3 =	sld [smem:$0x3FDB];
	s0 =	simm.s32 @p2 $0x1  }
0x17: {  	s4 =	simm.s32 $0x1BF5;
	[smem:$0x3FB2] =	sst s0  }
0x18: {  	s0 =	sld [smem:$0x3F95];
	_ =	swait.ge [sflag:s4], $0x0  }
0x19: {  	s7 =	sld [smem:$0x3F96]  }
0x1a: {  	s8 =	sadd.s32 $0xFFFFE003, lr  }
0x1b: {  	s9 =	sadd.s32 $0xFFFFFEF7, lr;
	s5 =	simm.s32 $0xFFFFFFFF;
	p2 =	slt.u32 s8, $0xFFFFF086  }
0x1c: {  	p1 =	slt.u32 s9, $0xF7A;
	s5 =	simm.s32 @!p2 $0x0  }
0x1d: {  	s5 =	simm.s32 @p1 $0x1;
	p0 =	seq.s32 s7, s2  }
0x1e: {  	s7 =	smul.u32 @!p0 $0xF7A, s2;
	p2 =	seq.s32 @!p0 s5, $0x0  }
0x1f: {  	s9 =	smul.u32 $0xF7A, s1;
	s8 =	simm.s32 @!p0 $0x1BF5;
	p2 =	por !p2, p0  }
0x20: {  	[sflag:s8] =	ssyncset.s32 @!p0 $0xFFFFF086;
	s6 =	sadd.s32 @!p0 s3, s7;
	s7 =	simm.s32 @!p0 $0x108  }
0x21: {  	s3 =	sadd.s32 s3, s9;
	s6 =	sadd.s32 @!p0 $0x88, s6;
	s7 =	simm.s32 @p2 $0x1082  }
0x22: {  	[simem:s7], [sflag:s8] =	dma.local @!p0 [hbm:s6], $0xF7A  }
0x23: {  	s9 =	sor.u32 $0xD0000000, s2;
	s6 =	simm.s32 $0x108;
	_ =	swait.ge @!p0 [sflag:s8], $0x0  }
0x24: {  	s3 =	sadd.s32 $0x88, s3;
	s6 =	simm.s32 @!p1 $0x1082;
	[sflag:s4] =	ssyncset.s32 $0xFFFFF086  }
0x25: {  	[simem:s6], [sflag:s4] =	dma.local [hbm:s3], $0xF7A  }
0x26: {  	[smem:$0x3F96] =	sst s1;
	(tag) =	ssettag s2;
	_ =	strace s9  }
0x27: {  	s1 =	sld [smem:$0x3FA6]  }
0x28: {  	s2 =	sld [smem:$0x3FA7]  }
0x29: {  	s4 =	sld [smem:$0x3FA9]  }
0x2a: {  	p0 =	seq.s32 s5, $0x0;
	s5 =	sld [smem:$0x3FAA]  }
0x2b: {  	s6 =	sld [smem:$0x3FAB]  }
0x2c: {  	s7 =	sld [smem:$0x3FAC]  }
0x2d: {  	s3 =	simm.s32 $0x108;
	s8 =	sld [smem:$0x3FAD]  }
0x2e: {  	s3 =	simm.s32 @!p0 $0x1082;
	s9 =	sld [smem:$0x3FAE]  }
0x2f: {  	lr =	sadd.s32 s0, s3;
	s0 =	sld [smem:$0x3FA5]  }
0x30: {  	s3 =	sld [smem:$0x3FA8]  }
0x31: {  	[smem:$0x3FB1] =	sst s10  }
0x32: {  	s10 =	sld [smem:$0x3FAF];
	_ =	sdelay $0x3  }
0x33: {  	p0 =	seq.s32 s10, $0x1;
	s10 =	sld [smem:$0x3FB1];
	_ =	sdelay $0x3  }
0x34: {  	[smem:$0x3FB1] =	sst s10  }
0x35: {  	s10 =	sld [smem:$0x3FB0];
	_ =	sdelay $0x3  }
0x36: {  	p1 =	seq.s32 s10, $0x1;
	s10 =	sld [smem:$0x3FB1];
	_ =	sdelay $0x3  }
0x37: {  	[smem:$0x3FB1] =	sst s10  }
0x38: {  	s10 =	sld [smem:$0x3FB2]  }
0x39: {  	_ = 	snop;
	(pc) =	sbr.ind lr, $3  }
0x3a: {  	_ = 	snop  }
0x3b: {  	_ = 	snop  }
0x3c: {  	p2 =	seq.s32 s10, $0x1;
	s10 =	sld [smem:$0x3FB1]  }
0x3d: {  	_ =	shalt  }
0x3e: {  	_ =	shalt  }
0x3f: {  	_ =	shalt  }
0x40: {  	_ =	shalt  }
0x41: {  	_ =	shalt  }
0x42: {  	_ =	shalt  }
0x43: {  	_ =	shalt  }
0x44: {  	_ =	shalt  }
0x45: {  	_ =	shalt  }
0x46: {  	_ =	shalt  }
0x47: {  	_ =	shalt  }
0x48: {  	_ =	shalt  }
0x49: {  	_ =	shalt  }
0x4a: {  	_ =	shalt  }
0x4b: {  	_ =	shalt  }
0x4c: {  	_ =	shalt  }
0x4d: {  	_ =	shalt  }
0x4e: {  	_ =	shalt  }
0x4f: {  	_ =	shalt  }
0x50: {  	_ =	shalt  }
0x51: {  	_ =	shalt  }
0x52: {  	_ =	shalt  }
0x53: {  	_ =	shalt  }
0x54: {  	_ =	shalt  }
0x55: {  	_ =	shalt  }
0x56: {  	_ =	shalt  }
0x57: {  	_ =	shalt  }
0x58: {  	_ =	shalt  }
0x59: {  	_ =	shalt  }
0x5a: {  	_ =	shalt  }
0x5b: {  	_ =	shalt  }
0x5c: {  	_ =	shalt  }
0x5d: {  	_ =	shalt  }
0x5e: {  	_ =	shalt  }
0x5f: {  	_ =	shalt  }
0x60: {  	_ =	shalt  }
0x61: {  	_ =	shalt  }
0x62: {  	_ =	shalt  }
0x63: {  	_ =	shalt  }
0x64: {  	_ =	shalt  }
0x65: {  	_ =	shalt  }
0x66: {  	_ =	shalt  }
0x67: {  	_ =	shalt  }
0x68: {  	_ =	shalt  }
0x69: {  	_ =	shalt  }
0x6a: {  	_ =	shalt  }
0x6b: {  	_ =	shalt  }
0x6c: {  	_ =	shalt  }
0x6d: {  	_ =	shalt  }
0x6e: {  	_ =	shalt  }
0x6f: {  	_ =	shalt  }
0x70: {  	_ =	shalt  }
0x71: {  	_ =	shalt  }
0x72: {  	_ =	shalt  }
0x73: {  	_ =	shalt  }
0x74: {  	_ =	shalt  }
0x75: {  	_ =	shalt  }
0x76: {  	_ =	shalt  }
0x77: {  	_ =	shalt  }
0x78: {  	_ =	shalt  }
0x79: {  	_ =	shalt  }
0x7a: {  	_ =	shalt  }
0x7b: {  	_ =	shalt  }
0x7c: {  	_ =	shalt  }
0x7d: {  	_ =	shalt  }
0x7e: {  	_ =	shalt  }
0x7f: {  	_ =	shalt  }
0x80: {  	_ =	shalt  }
0x81: {  	_ =	shalt  }
0x82: {  	_ =	shalt  }
0x83: {  	_ =	shalt  }
0x84: {  	_ =	shalt  }
0x85: {  	_ =	shalt  }
0x86: {  	_ =	shalt  }
0x87: {  	_ =	shalt  }
.Lfunc_end0:
.L_simem_size_0:
called_computation_lowered:
.L_overlay_start_0:
0x88: {  	s2 =	sld [smem:$0x3FD9]  }
0x89: {  	s3 =	sld [smem:$0x3FFE];
	_ =	sdelay $0x1  }
0x8a: {  	s1 =	srdreg.scid  }
0x8b: {  	s0 =	sand.u32 $0x1, s1  }
0x8c: {  	s16 =	sshll.u32 s0, $0xA;
	s2 =	sadd.s32 s3, s2  }
0x8d: {  	s2 =	sadd.s32 s2, s16  }
0x8e: {  	[smem:$0x3FBD] =	sst s2  }
0x8f: {  	_ = 	snop  }
0x90: {  	(tm) =	ssettm $0x1  }
0x91: {  	s17 =	sld [smem:$0x3FFB];
	_ =	sdelay $0x3  }
0x92: {  	_ =	strace s17  }
0x93: {  	s2 =	sld [smem:$0x3FFC];
	_ =	sdelay $0x3  }
0x94: {  	_ =	strace s2  }
0x95: {  	s2 =	sld [smem:$0x3FFD];
	_ =	sdelay $0x3  }
0x96: {  	_ =	strace s2  }
0x97: {  	_ =	strace $0x8FFFFFFF  }
0x98: {  	s18 =	sld [smem:$0x3FDB];
	_ =	sdelay $0x1  }
0x99: {  	s19 =	simm.s32 $_scs_section_size  }
0x9a: {  	s4 =	simm.s32 $_size__tile_overlayer_lowered;
	s5 =	simm.s32 $_tile_overlayer_lowered  }
0x9b: {  	s22 =	simm.s32 $0x1BFF;
	s21 =	sshll.u32 s5, $0x1;
	s2 =	sadd.s32 s19, s18  }
0x9c: {  	s6 =	simm.s32 $0x0;
	s20 =	sshll.u32 s4, $0x1;
	s4 =	sadd.s32 s21, s2  }
0x9d: {  	[timem:s6], [sflag:s22] =	dma.local [hbm:s4], s20  }
0x9e: {  	_ =	swait.ge [sflag:s22], s20  }
0x9f: {  	s3 =	ssub.s32 $0x0, s20;
	[sflag:s22] =	ssyncset.done $0x0  }
0xa0: {  	[sflag:s22] =	ssyncadd.s32 s3;
	_ =	sdelay $0x1  }
0xa1: {  	s23 =	simm.s32 $0x1B8B  }
0xa2: {  	_ =	swait.ge [sflag:s23], $0x1  }
0xa3: {  	[sflag:s23] =	ssyncset.done $0x0  }
0xa4: {  	s25 =	simm.s32 $0x1B8E;
	s24 =	sld [smem:$0x3FFE];
	[sflag:s23] =	ssyncadd.s32 $0xFFFFFFFF  }
0xa5: {  	s26 =	simm.s32 $execute0_lowered;
	[smem:$0x3FD2] =	sst s25  }
0xa6: {  	s4 =	sshll.u32 s26, $0x1;
	_ =	strace $0x80000046;
	[dreg:$0x1] =	wrdreg $0xFFFFFFFF  }
0xa7: {  	s28 =	simm.s32 $_size_execute0_lowered;
	s2 =	sadd.s32 s2, s4;
	[dreg:$0x0] =	wrdreg $0x0  }
0xa8: {  	s4 =	sshll.u32 s28, $0x1;
	[dreg:$0x2] =	wrdreg s2  }
0xa9: {  	[dreg:$0x3] =	wrdreg s4  }
0xaa: {  	[dreg:$0x4] =	wrdreg $0xC0  }
0xab: {  	_ =	task [dreg:s6], $0x5FFFF  }
0xac: {  	[dreg:$0x1] =	wrdreg $0xFFFFFFFF  }
0xad: {  	[dreg:$0x0] =	wrdreg $0x60  }
0xae: {  	[dreg:$0x2] =	wrdreg s24  }
0xaf: {  	[dreg:$0x3] =	wrdreg $0x40800  }
0xb0: {  	[dreg:$0x4] =	wrdreg $0x9  }
0xb1: {  	_ =	task.clear_ibuf [dreg:s6], $0x5FFFF;
	_ =	strace $0x90000046  }
0xb2: {  	s29 =	simm.s32 $0x9;
	_ =	strace $0x80000048  }
0xb3: {  	_ =	swait.ge [sflag:s29], $0x1  }
0xb4: {  	[sflag:s29] =	ssyncadd.s32 $0xFFFFFFFF  }
0xb5: {  	_ =	strace $0x90000048  }
0xb6: {  	_ =	sfence  }
0xb7: {  	s30 =	sld [smem:$0x0];
	_ =	sdelay $0x2  }
0xb8: {  	s31 =	sshll.u32 s1, $0xD;
	s1 =	sshrl.u32 s1, $0x2  }
0xb9: {  	s3 =	sand.u32 $0x4000, s31;
	s1 =	sadd.s32 s1, s30  }
0xba: {  	s0 =	sor.u32 s3, s0;
	s1 =	sshll.u32 s1, $0x11  }
0xbb: {  	s0 =	sor.u32 s1, s0  }
0xbc: {  	s0 =	sadd.s32 $0x8F2B, s0  }
0xbd: {  	[sflag:s0] =	ssyncadd.remote.s32 $0x1  }
0xbe: {  	_ =	sfence.sel $0xFFFF  }
0xbf: {  	[dreg:$0x0] =	wrdreg $0xFFFFFFFF;
	(pc) =	sbr.abs _section_cstart, $3  }
0xc0: {  	[dreg:$0x1] =	wrdreg $0xFFFFFFFF  }
0xc1: {  	_ =	task.clear_ibuf [dreg:s6], $0x2FFFF;
	_ =	strace $0x9FFFFFFF  }
0xc2: {  	(tm) =	ssettm $0x7FFFFFFF  }
0xc3: {  	_ =	shalt  }
tec
execute0_lowered:
.L_overlay_start_1:
0x0: {  	(tag) =	ssettag $0x1  }
0x1: {  	s14 =	rddreg [dreg:$0x0]  }
0x2: {  	s1 =	rddreg [dreg:$0x1]  }
0x3: {  	s0 =	rddreg [dreg:$0x2]  }
0x4: {  	s3 =	simm.s32 $0x0;
	s4 =	srdreg.scid;
	s2 =	stileid.u32  }
0x5: {  	s22 =	simm.s32 $0x11400;
	s23 =	simm.s32 $0x0;
	[smem:$0x7FF] =	sst s3  }
0x6: {  	s16 =	sand.u32 $0x1, s4;
	s25 =	sshll.u32 s2, $0x5;
	s10 =	smul.u32 $0x280, s2  }
0x7: {  	s8 =	smul.u32 $0x50000, s2;
	s4 =	sadd.s32 $0x10C00, s14;
	s5 =	sadd.s32 $0x10400, s14  }
0x8: {  	s28 =	sshll.u32 s2, $0x6;
	s21 =	smul.u32 $0x2800, s2;
	_ =	strace $0x80000047  }
0x9: {  	s6 =	ssub.s32 $0x2, s16;
	s18 =	sadd.s32 s25, s14;
	p0 =	seq.s32 s16, $0x0  }
0xa: {  	s30 =	sshll.u32 s16, $0x4;
	s7 =	sshrl.u32 s6, $0x1;
	s26 =	sshrl.u32 s8, $0x2  }
0xb: {  	s15 =	sadd.s32 $0x80, s10;
	s8 =	sor.u32 $0x1C01, s28;
	s17 =	sadd.s32 $0x100, s10  }
0xc: {  	s19 =	sadd.s32 $0x180, s10;
	s20 =	sadd.s32 $0x200, s10;
	s22 =	simm.s32 @!p0 $0x39400  }
0xd: {  	s31 =	sadd.s32 s30, s18;
	s13 =	ssub.s32 s6, s7;
	s6 =	sshll.u32 s2, $0x1  }
0xe: {  	s7 =	sadd.s32 s26, s1;
	s9 =	sshll.u32 s15, $0x7;
	s11 =	sshll.u32 s17, $0x7  }
0xf: {  	s29 =	sshll.u32 s19, $0x7;
	s12 =	sshll.u32 s20, $0x7;
	s15 =	sshll.u32 s15, $0x4  }
0x10: {  	s17 =	sshll.u32 s17, $0x4;
	s19 =	sshll.u32 s19, $0x4;
	s20 =	sshll.u32 s20, $0x4  }
0x11: {  	s22 =	sadd.s32 s22, s14;
	s9 =	sadd.s32 s9, s1;
	s10 =	sadd.s32 s11, s1  }
0x12: {  	s11 =	sadd.s32 s29, s1;
	s12 =	sadd.s32 s12, s1;
	s13 =	smax.u32 s13, $0x1  }
0x13: {  	s14 =	sadd.s32 s22, s21;
	s15 =	sadd.s32 s22, s15;
	s16 =	sadd.s32 s22, s17  }
0x14: {  	s17 =	sadd.s32 s22, s19;
	s18 =	sadd.s32 s22, s20;
	s19 =	sadd.s32 $0x6600, s31  }
0x15: {  	s20 =	sshrl.u32 s7, $0x3;
	s21 =	simm.s32 $0x1;
	s22 =	simm.s32 $0x80  }
.LBB2_1:
0x16: {  	[spmem:s20], [sflag:s8] =	dma.local [hbm:s5], $0x800  }
0x17: {  	_ =	swait.ge [sflag:s21], $0x800  }
0x18: {  	[sflag:s21] =	ssyncset.done $0x0  }
0x19: {  	s24 =	sshrl.u32 s9, $0x3;
	[sflag:s21] =	ssyncadd.s32 $0xFFFFF800  }
0x1a: {  	[spmem:s24], [sflag:s8] =	dma.local [hbm:s5], $0x800  }
0x1b: {  	_ =	swait.ge [sflag:s21], $0x800  }
0x1c: {  	[sflag:s21] =	ssyncset.done $0x0  }
0x1d: {  	s26 =	sshrl.u32 s10, $0x3;
	[sflag:s21] =	ssyncadd.s32 $0xFFFFF800  }
0x1e: {  	[spmem:s26], [sflag:s8] =	dma.local [hbm:s5], $0x800  }
0x1f: {  	_ =	swait.ge [sflag:s21], $0x800  }
0x20: {  	[sflag:s21] =	ssyncset.done $0x0  }
0x21: {  	s28 =	sshrl.u32 s11, $0x3;
	[sflag:s21] =	ssyncadd.s32 $0xFFFFF800  }
0x22: {  	[spmem:s28], [sflag:s8] =	dma.local [hbm:s5], $0x800  }
0x23: {  	_ =	swait.ge [sflag:s21], $0x800  }
0x24: {  	[sflag:s21] =	ssyncset.done $0x0  }
0x25: {  	s29 =	sshrl.u32 s12, $0x3;
	[sflag:s21] =	ssyncadd.s32 $0xFFFFF800  }
0x26: {  	[spmem:s29], [sflag:s8] =	dma.local [hbm:s5], $0x800  }
0x27: {  	_ =	swait.ge [sflag:s21], $0x800  }
0x28: {  	[sflag:s21] =	ssyncset.done $0x0  }
0x29: {  	[sflag:s21] =	ssyncadd.s32 $0xFFFFF800  }
0x2a: {  	[tilespmem:s22], [sflag:$0x1] =	stream.linear.gather [hbm4b:s4+s3], $0x4000, $0x38;
	[tilespmem:$0x18080] =	vst v63  }
0x2b: {  	_ =	swait.ge [sflag:s21], $0x4000  }
0x2c: {  	s30 =	sadd.s32 $0x0, s6;
	[sflag:s21] =	ssyncset.done $0x0  }
0x2d: {  	p0 =	sgt.u32 s30, $0x9C3;
	[sflag:s21] =	ssyncadd.s32 $0xFFFFC000  }
0x2e: {  	s25 =	simm.s32 @!p0 $0x0;
	s26 =	simm.s32 @!p0 $0x2;
	[bflag:$0x0] =	sbarrier.arrive $0xFFFF  }
0x2f: {  	[tilespmem:s25], [sflag:$0x2] =	stream.linear.gather @!p0 [hbm4b:s19+s25], $0x80, $0x38;
	[tilespmem:$0x18080] =	vst v63  }
0x30: {  	_ =	swait.ge @!p0 [sflag:s26], $0x80  }
0x31: {  	s31 =	sadd.s32 $0x20, s6;
	[sflag:s26] =	ssyncset.done @!p0 $0x0  }
0x32: {  	s28 =	simm.s32 @!p0 $0x80;
	[sflag:s26] =	ssyncadd.s32 @!p0 $0xFFFFFF80;
	s26 =	simm.s32 @!p0 $0x1  }
0x33: {  	[spmem:s1] =	stream.indirect.scatter.add.f32 @!p0 [tilespmem:s28], [sflag:$0x1], $0x80, s25, s28, $0xb8;
	[tilespmem:$0x18080] =	vst v63  }
0x34: {  	p1 =	por p0, p0;
	s24 =	simm.s32 $0x40;
	_ =	swait.ge @!p0 [sflag:s26], $0x4000  }
0x35: {  	s25 =	sadd.s32 $0x200, s19;
	p0 =	sgt.u32 s31, $0x9C3;
	[sflag:s26] =	ssyncset.done @!p1 $0x0  }
.LBB2_2:
0x36: {  	s28 =	simm.s32 @!p0 $0x0;
	s29 =	simm.s32 @!p0 $0x2  }
0x37: {  	[sflag:s26] =	ssyncadd.s32 @!p1 $0xFFFFC000;
	s30 =	smov.u32 s24;
	s24 =	sadd.s32 $0x20, s24  }
0x38: {  	[tilespmem:s28], [sflag:$0x2] =	stream.linear.gather @!p0 [hbm4b:s25+s28], $0x80, $0x38;
	[tilespmem:$0x18080] =	vst v63  }
0x39: {  	p2 =	sne.s32 s24, $0x9E0;
	_ =	swait.ge @!p0 [sflag:s29], $0x80  }
.Ltmp0:
0x3a: {  	[sflag:s29] =	ssyncset.done @!p0 $0x0;
	(pc) =	sbr.rel @p2 .LBB2_2-.Ltmp0, $4  }
0x3b: {  	s26 =	simm.s32 @!p0 $0x1;
	[sflag:s29] =	ssyncadd.s32 @!p0 $0xFFFFFF80;
	s29 =	simm.s32 @!p0 $0x80  }
0x3c: {  	[spmem:s1] =	stream.indirect.scatter.add.f32 @!p0 [tilespmem:s29], [sflag:$0x1], $0x80, s28, s29, $0xb8;
	[tilespmem:$0x18080] =	vst v63  }
0x3d: {  	p1 =	por p0, p0;
	s28 =	sadd.s32 s30, s6;
	_ =	swait.ge @!p0 [sflag:s26], $0x4000  }
0x3e: {  	s25 =	sadd.s32 $0x200, s25;
	p0 =	sgt.u32 s28, $0x9C3;
	[sflag:s26] =	ssyncset.done @!p1 $0x0  }
0x3f: {  	s24 =	simm.s32 @!p0 $0x0;
	s28 =	simm.s32 @!p0 $0x2;
	[sflag:s26] =	ssyncadd.s32 @!p1 $0xFFFFC000  }
0x40: {  	[tilespmem:s24], [sflag:$0x2] =	stream.linear.gather @!p0 [hbm4b:s25+s24], $0x80, $0x38;
	[tilespmem:$0x18080] =	vst v63  }
0x41: {  	_ =	swait.ge @!p0 [sflag:s28], $0x80  }
0x42: {  	[sflag:s28] =	ssyncset.done @!p0 $0x0  }
0x43: {  	s26 =	simm.s32 @!p0 $0x1;
	s25 =	simm.s32 @!p0 $0x80;
	[sflag:s28] =	ssyncadd.s32 @!p0 $0xFFFFFF80  }
0x44: {  	[spmem:s1] =	stream.indirect.scatter.add.f32 @!p0 [tilespmem:s25], [sflag:$0x1], $0x80, s24, s25, $0xb8;
	[tilespmem:$0x18080] =	vst v63  }
0x45: {  	_ =	swait.ge @!p0 [sflag:s26], $0x4000;
	p0 =	por p0, p0  }
0x46: {  	[sflag:s26] =	ssyncset.done @!p0 $0x0  }
0x47: {  	[sflag:s26] =	ssyncadd.s32 @!p0 $0xFFFFC000  }
0x48: {  	[bflag:$0x0] =	sbarrier.arrive $0xFFFF  }
0x49: {  	[tilespmem:s22], [sflag:$0x1] =	stream.linear.gather [spmem:s7], $0x4000, $0x38;
	[tilespmem:$0x18080] =	vst v63  }
0x4a: {  	_ =	swait.ge [sflag:s21], $0x4000  }
0x4b: {  	[sflag:s21] =	ssyncset.done $0x0  }
0x4c: {  	[sflag:s21] =	ssyncadd.s32 $0xFFFFC000  }
0x4d: {  	[hbm4b:s14+s3] =	stream.linear.scatter [tilespmem:s22], [sflag:$0x1], $0x4000, $0x38;
	[tilespmem:$0x18080] =	vst v63  }
0x4e: {  	_ =	swait.ge [sflag:s21], $0x4000  }
0x4f: {  	[sflag:s21] =	ssyncset.done $0x0  }
0x50: {  	[sflag:s21] =	ssyncadd.s32 $0xFFFFC000  }
0x51: {  	[tilespmem:s22], [sflag:$0x1] =	stream.linear.gather [spmem:s9], $0x4000, $0x38;
	[tilespmem:$0x18080] =	vst v63  }
0x52: {  	_ =	swait.ge [sflag:s21], $0x4000  }
0x53: {  	[sflag:s21] =	ssyncset.done $0x0  }
0x54: {  	[sflag:s21] =	ssyncadd.s32 $0xFFFFC000  }
0x55: {  	[hbm4b:s15+s3] =	stream.linear.scatter [tilespmem:s22], [sflag:$0x1], $0x4000, $0x38;
	[tilespmem:$0x18080] =	vst v63  }
0x56: {  	_ =	swait.ge [sflag:s21], $0x4000  }
0x57: {  	[sflag:s21] =	ssyncset.done $0x0  }
0x58: {  	[sflag:s21] =	ssyncadd.s32 $0xFFFFC000  }
0x59: {  	[tilespmem:s22], [sflag:$0x1] =	stream.linear.gather [spmem:s10], $0x4000, $0x38;
	[tilespmem:$0x18080] =	vst v63  }
0x5a: {  	_ =	swait.ge [sflag:s21], $0x4000  }
0x5b: {  	[sflag:s21] =	ssyncset.done $0x0  }
0x5c: {  	[sflag:s21] =	ssyncadd.s32 $0xFFFFC000  }
0x5d: {  	[hbm4b:s16+s3] =	stream.linear.scatter [tilespmem:s22], [sflag:$0x1], $0x4000, $0x38;
	[tilespmem:$0x18080] =	vst v63  }
0x5e: {  	_ =	swait.ge [sflag:s21], $0x4000  }
0x5f: {  	[sflag:s21] =	ssyncset.done $0x0  }
0x60: {  	[sflag:s21] =	ssyncadd.s32 $0xFFFFC000  }
0x61: {  	[tilespmem:s22], [sflag:$0x1] =	stream.linear.gather [spmem:s11], $0x4000, $0x38;
	[tilespmem:$0x18080] =	vst v63  }
0x62: {  	_ =	swait.ge [sflag:s21], $0x4000  }
0x63: {  	[sflag:s21] =	ssyncset.done $0x0  }
0x64: {  	[sflag:s21] =	ssyncadd.s32 $0xFFFFC000  }
0x65: {  	[hbm4b:s17+s3] =	stream.linear.scatter [tilespmem:s22], [sflag:$0x1], $0x4000, $0x38;
	[tilespmem:$0x18080] =	vst v63  }
0x66: {  	_ =	swait.ge [sflag:s21], $0x4000  }
0x67: {  	[sflag:s21] =	ssyncset.done $0x0  }
0x68: {  	[sflag:s21] =	ssyncadd.s32 $0xFFFFC000  }
0x69: {  	[tilespmem:s22], [sflag:$0x1] =	stream.linear.gather [spmem:s12], $0x4000, $0x38;
	[tilespmem:$0x18080] =	vst v63  }
0x6a: {  	s23 =	sadd.s32 $0x1, s23;
	_ =	swait.ge [sflag:s21], $0x4000  }
0x6b: {  	p0 =	sne.s32 s23, s13;
	[sflag:s21] =	ssyncset.done $0x0  }
.Ltmp1:
0x6c: {  	[sflag:s21] =	ssyncadd.s32 $0xFFFFC000;
	(pc) =	sbr.rel @p0 .LBB2_1-.Ltmp1, $4  }
0x6d: {  	[hbm4b:s18+s3] =	stream.linear.scatter [tilespmem:s22], [sflag:$0x1], $0x4000, $0x38;
	[tilespmem:$0x18080] =	vst v63  }
0x6e: {  	_ =	swait.ge [sflag:s21], $0x4000  }
0x6f: {  	[sflag:s21] =	ssyncset.done $0x0  }
0x70: {  	[sflag:s21] =	ssyncadd.s32 $0xFFFFC000  }
0x71: {  	_ =	sfence.sel $0x180000  }
0x72: {  	[bflag:$0x0] =	sbarrier.arrive $0xFFFF  }
0x73: {  	p0 =	sne.s32 s2, $0x0;
	_ =	strace $0x90000047  }
0x74: {  	s0 =	sadd.s32 @!p0 $0x100000, s0;
	[bflag:$0x2] =	sbarrier.arrive $0xFFFF  }
0x75: {  	[sflag:s0] =	ssyncadd.tile.s32 @!p0 $0x1;
	_ =	shalt  }
.Lfunc_end2:
_tile_overlayer_lowered:
.L_overlay_start_2:
0x76: {  	(tag) =	ssettag $0x2  }
0x77: {  	s0 =	rddreg [dreg:$0x0];
	s2 =	stileid.u32  }
0x78: {  	s1 =	rddreg [dreg:$0x1];
	p0 =	sne.s32 s2, $0x0  }
0x79: {  	s3 =	rddreg [dreg:$0x2];
	[bflag:$0x3] =	sbarrier.arrive $0xFFFF;
	s2 =	simm.s32 @!p0 $0x1C01  }
0x7a: {  	[timem:s3], [sflag:s2] =	dma.local @!p0 [hbm:s0], s1  }
0x7b: {  	s0 =	simm.s32 @!p0 $0x1  }
0x7c: {  	_ =	swait.ge @!p0 [sflag:s0], s1  }
0x7d: {  	s1 =	ssub.s32 @!p0 $0x0, s1;
	[sflag:s0] =	ssyncset.done @!p0 $0x0  }
0x7e: {  	[sflag:s0] =	ssyncadd.s32 @!p0 s1  }
0x7f: {  	[bflag:$0x3] =	sbarrier.arrive $0xFFFF  }
0x80: {  	_ =	shalt  }

// kernel: kernel.14.cloned.1.call-start
scs
__scs_entry_jumppad:
0x0: {  	(pc) =	sbr.rel $0x88, $3  }
0x1: {  	(tag) =	ssettag $0x0;
	lr =	simm.s32 $0x1  }
0x2: {  	[smem:$0x3F96] =	sst lr;
	_ =	strace $0xD0000000  }
0x3: {  	_ = 	snop  }
0x4: {  	_ = 	snop  }
0x5: {  	_ = 	snop  }
0x6: {  	_ = 	snop  }
0x7: {  	_ = 	snop  }
__scs_overlays_trampoline_lowered:
0x8: {  	[smem:$0x3FA5] =	sst s0  }
0x9: {  	[smem:$0x3FA6] =	sst s1  }
0xa: {  	[smem:$0x3FA7] =	sst s2  }
0xb: {  	[smem:$0x3FA8] =	sst s3  }
0xc: {  	[smem:$0x3FA9] =	sst s4  }
0xd: {  	[smem:$0x3FAA] =	sst s5  }
0xe: {  	[smem:$0x3FAB] =	sst s6  }
0xf: {  	[smem:$0x3FAC] =	sst s7  }
0x10: {  	[smem:$0x3FAD] =	sst s8  }
0x11: {  	[smem:$0x3FAE] =	sst s9;
	s0 =	simm.s32 @!p0 $0x0  }
0x12: {  	s1 =	sld [smem:$0x3F94];
	s0 =	simm.s32 @p0 $0x1  }
0x13: {  	[smem:$0x3FAF] =	sst s0;
	s0 =	simm.s32 @!p1 $0x0  }
0x14: {  	s2 =	sld [smem:$0x3F93];
	s0 =	simm.s32 @p1 $0x1  }
0x15: {  	[smem:$0x3FB0] =	sst s0;
	s0 =	simm.s32 @!p2 $0x0  }
0x16: {  	s3 =	sld [smem:$0x3FDB];
	s0 =	simm.s32 @p2 $0x1  }
0x17: {  	s4 =	simm.s32 $0x1BF5;
	[smem:$0x3FB2] =	sst s0  }
0x18: {  	s0 =	sld [smem:$0x3F95];
	_ =	swait.ge [sflag:s4], $0x0  }
0x19: {  	s7 =	sld [smem:$0x3F96]  }
0x1a: {  	s8 =	sadd.s32 $0xFFFFE003, lr  }
0x1b: {  	s9 =	sadd.s32 $0xFFFFFEF7, lr;
	s5 =	simm.s32 $0xFFFFFFFF;
	p2 =	slt.u32 s8, $0xFFFFF086  }
0x1c: {  	p1 =	slt.u32 s9, $0xF7A;
	s5 =	simm.s32 @!p2 $0x0  }
0x1d: {  	s5 =	simm.s32 @p1 $0x1;
	p0 =	seq.s32 s7, s2  }
0x1e: {  	s7 =	smul.u32 @!p0 $0xF7A, s2;
	p2 =	seq.s32 @!p0 s5, $0x0  }
0x1f: {  	s9 =	smul.u32 $0xF7A, s1;
	s8 =	simm.s32 @!p0 $0x1BF5;
	p2 =	por !p2, p0  }
0x20: {  	[sflag:s8] =	ssyncset.s32 @!p0 $0xFFFFF086;
	s6 =	sadd.s32 @!p0 s3, s7;
	s7 =	simm.s32 @!p0 $0x108  }
0x21: {  	s3 =	sadd.s32 s3, s9;
	s6 =	sadd.s32 @!p0 $0x88, s6;
	s7 =	simm.s32 @p2 $0x1082  }
0x22: {  	[simem:s7], [sflag:s8] =	dma.local @!p0 [hbm:s6], $0xF7A  }
0x23: {  	s9 =	sor.u32 $0xD0000000, s2;
	s6 =	simm.s32 $0x108;
	_ =	swait.ge @!p0 [sflag:s8], $0x0  }
0x24: {  	s3 =	sadd.s32 $0x88, s3;
	s6 =	simm.s32 @!p1 $0x1082;
	[sflag:s4] =	ssyncset.s32 $0xFFFFF086  }
0x25: {  	[simem:s6], [sflag:s4] =	dma.local [hbm:s3], $0xF7A  }
0x26: {  	[smem:$0x3F96] =	sst s1;
	(tag) =	ssettag s2;
	_ =	strace s9  }
0x27: {  	s1 =	sld [smem:$0x3FA6]  }
0x28: {  	s2 =	sld [smem:$0x3FA7]  }
0x29: {  	s4 =	sld [smem:$0x3FA9]  }
0x2a: {  	p0 =	seq.s32 s5, $0x0;
	s5 =	sld [smem:$0x3FAA]  }
0x2b: {  	s6 =	sld [smem:$0x3FAB]  }
0x2c: {  	s7 =	sld [smem:$0x3FAC]  }
0x2d: {  	s3 =	simm.s32 $0x108;
	s8 =	sld [smem:$0x3FAD]  }
0x2e: {  	s3 =	simm.s32 @!p0 $0x1082;
	s9 =	sld [smem:$0x3FAE]  }
0x2f: {  	lr =	sadd.s32 s0, s3;
	s0 =	sld [smem:$0x3FA5]  }
0x30: {  	s3 =	sld [smem:$0x3FA8]  }
0x31: {  	[smem:$0x3FB1] =	sst s10  }
0x32: {  	s10 =	sld [smem:$0x3FAF];
	_ =	sdelay $0x3  }
0x33: {  	p0 =	seq.s32 s10, $0x1;
	s10 =	sld [smem:$0x3FB1];
	_ =	sdelay $0x3  }
0x34: {  	[smem:$0x3FB1] =	sst s10  }
0x35: {  	s10 =	sld [smem:$0x3FB0];
	_ =	sdelay $0x3  }
0x36: {  	p1 =	seq.s32 s10, $0x1;
	s10 =	sld [smem:$0x3FB1];
	_ =	sdelay $0x3  }
0x37: {  	[smem:$0x3FB1] =	sst s10  }
0x38: {  	s10 =	sld [smem:$0x3FB2]  }
0x39: {  	_ = 	snop;
	(pc) =	sbr.ind lr, $3  }
0x3a: {  	_ = 	snop  }
0x3b: {  	_ = 	snop  }
0x3c: {  	p2 =	seq.s32 s10, $0x1;
	s10 =	sld [smem:$0x3FB1]  }
0x3d: {  	_ =	shalt  }
0x3e: {  	_ =	shalt  }
0x3f: {  	_ =	shalt  }
0x40: {  	_ =	shalt  }
0x41: {  	_ =	shalt  }
0x42: {  	_ =	shalt  }
0x43: {  	_ =	shalt  }
0x44: {  	_ =	shalt  }
0x45: {  	_ =	shalt  }
0x46: {  	_ =	shalt  }
0x47: {  	_ =	shalt  }
0x48: {  	_ =	shalt  }
0x49: {  	_ =	shalt  }
0x4a: {  	_ =	shalt  }
0x4b: {  	_ =	shalt  }
0x4c: {  	_ =	shalt  }
0x4d: {  	_ =	shalt  }
0x4e: {  	_ =	shalt  }
0x4f: {  	_ =	shalt  }
0x50: {  	_ =	shalt  }
0x51: {  	_ =	shalt  }
0x52: {  	_ =	shalt  }
0x53: {  	_ =	shalt  }
0x54: {  	_ =	shalt  }
0x55: {  	_ =	shalt  }
0x56: {  	_ =	shalt  }
0x57: {  	_ =	shalt  }
0x58: {  	_ =	shalt  }
0x59: {  	_ =	shalt  }
0x5a: {  	_ =	shalt  }
0x5b: {  	_ =	shalt  }
0x5c: {  	_ =	shalt  }
0x5d: {  	_ =	shalt  }
0x5e: {  	_ =	shalt  }
0x5f: {  	_ =	shalt  }
0x60: {  	_ =	shalt  }
0x61: {  	_ =	shalt  }
0x62: {  	_ =	shalt  }
0x63: {  	_ =	shalt  }
0x64: {  	_ =	shalt  }
0x65: {  	_ =	shalt  }
0x66: {  	_ =	shalt  }
0x67: {  	_ =	shalt  }
0x68: {  	_ =	shalt  }
0x69: {  	_ =	shalt  }
0x6a: {  	_ =	shalt  }
0x6b: {  	_ =	shalt  }
0x6c: {  	_ =	shalt  }
0x6d: {  	_ =	shalt  }
0x6e: {  	_ =	shalt  }
0x6f: {  	_ =	shalt  }
0x70: {  	_ =	shalt  }
0x71: {  	_ =	shalt  }
0x72: {  	_ =	shalt  }
0x73: {  	_ =	shalt  }
0x74: {  	_ =	shalt  }
0x75: {  	_ =	shalt  }
0x76: {  	_ =	shalt  }
0x77: {  	_ =	shalt  }
0x78: {  	_ =	shalt  }
0x79: {  	_ =	shalt  }
0x7a: {  	_ =	shalt  }
0x7b: {  	_ =	shalt  }
0x7c: {  	_ =	shalt  }
0x7d: {  	_ =	shalt  }
0x7e: {  	_ =	shalt  }
0x7f: {  	_ =	shalt  }
0x80: {  	_ =	shalt  }
0x81: {  	_ =	shalt  }
0x82: {  	_ =	shalt  }
0x83: {  	_ =	shalt  }
0x84: {  	_ =	shalt  }
0x85: {  	_ =	shalt  }
0x86: {  	_ =	shalt  }
0x87: {  	_ =	shalt  }
.Lfunc_end0:
.L_simem_size_0:
called_computation.1_lowered:
.L_overlay_start_0:
0x88: {  	s2 =	sld [smem:$0x3FD9]  }
0x89: {  	s3 =	sld [smem:$0x3FFE];
	_ =	sdelay $0x1  }
0x8a: {  	s1 =	srdreg.scid  }
0x8b: {  	s0 =	sand.u32 $0x1, s1  }
0x8c: {  	s16 =	sshll.u32 s0, $0xA;
	s2 =	sadd.s32 s3, s2  }
0x8d: {  	s2 =	sadd.s32 s2, s16  }
0x8e: {  	[smem:$0x3FBD] =	sst s2  }
0x8f: {  	_ = 	snop  }
0x90: {  	(tm) =	ssettm $0x1  }
0x91: {  	s17 =	sld [smem:$0x3FFB];
	_ =	sdelay $0x3  }
0x92: {  	_ =	strace s17  }
0x93: {  	s2 =	sld [smem:$0x3FFC];
	_ =	sdelay $0x3  }
0x94: {  	_ =	strace s2  }
0x95: {  	s2 =	sld [smem:$0x3FFD];
	_ =	sdelay $0x3  }
0x96: {  	_ =	strace s2  }
0x97: {  	_ =	strace $0x8FFFFFFF  }
0x98: {  	s18 =	sld [smem:$0x3FDB];
	_ =	sdelay $0x1  }
0x99: {  	s19 =	simm.s32 $_scs_section_size  }
0x9a: {  	s4 =	simm.s32 $_size__tile_overlayer_lowered;
	s5 =	simm.s32 $_tile_overlayer_lowered  }
0x9b: {  	s22 =	simm.s32 $0x1BFF;
	s21 =	sshll.u32 s5, $0x1;
	s2 =	sadd.s32 s19, s18  }
0x9c: {  	s6 =	simm.s32 $0x0;
	s20 =	sshll.u32 s4, $0x1;
	s4 =	sadd.s32 s21, s2  }
0x9d: {  	[timem:s6], [sflag:s22] =	dma.local [hbm:s4], s20  }
0x9e: {  	_ =	swait.ge [sflag:s22], s20  }
0x9f: {  	s3 =	ssub.s32 $0x0, s20;
	[sflag:s22] =	ssyncset.done $0x0  }
0xa0: {  	[sflag:s22] =	ssyncadd.s32 s3;
	_ =	sdelay $0x1  }
0xa1: {  	s23 =	simm.s32 $0x1B8B  }
0xa2: {  	_ =	swait.ge [sflag:s23], $0x1  }
0xa3: {  	[sflag:s23] =	ssyncset.done $0x0  }
0xa4: {  	s25 =	simm.s32 $0x1B8E;
	s24 =	sld [smem:$0x3FFE];
	[sflag:s23] =	ssyncadd.s32 $0xFFFFFFFF  }
0xa5: {  	s26 =	simm.s32 $execute0_lowered;
	[smem:$0x3FD2] =	sst s25  }
0xa6: {  	s4 =	sshll.u32 s26, $0x1;
	_ =	strace $0x80000049;
	[dreg:$0x1] =	wrdreg $0xFFFFFFFF  }
0xa7: {  	s28 =	simm.s32 $_size_execute0_lowered;
	s2 =	sadd.s32 s2, s4;
	[dreg:$0x0] =	wrdreg $0x0  }
0xa8: {  	s4 =	sshll.u32 s28, $0x1;
	[dreg:$0x2] =	wrdreg s2  }
0xa9: {  	[dreg:$0x3] =	wrdreg s4  }
0xaa: {  	[dreg:$0x4] =	wrdreg $0xC0  }
0xab: {  	_ =	task [dreg:s6], $0x5FFFF  }
0xac: {  	[dreg:$0x1] =	wrdreg $0xFFFFFFFF  }
0xad: {  	[dreg:$0x0] =	wrdreg $0x60  }
0xae: {  	[dreg:$0x2] =	wrdreg s24  }
0xaf: {  	[dreg:$0x3] =	wrdreg $0x41000  }
0xb0: {  	[dreg:$0x4] =	wrdreg $0x9  }
0xb1: {  	_ =	task.clear_ibuf [dreg:s6], $0x5FFFF;
	_ =	strace $0x90000049  }
0xb2: {  	s29 =	simm.s32 $0x9;
	_ =	strace $0x8000004B  }
0xb3: {  	_ =	swait.ge [sflag:s29], $0x1  }
0xb4: {  	[sflag:s29] =	ssyncadd.s32 $0xFFFFFFFF  }
0xb5: {  	_ =	strace $0x9000004B  }
0xb6: {  	_ =	sfence  }
0xb7: {  	s30 =	sld [smem:$0x0];
	_ =	sdelay $0x2  }
0xb8: {  	s31 =	sshll.u32 s1, $0xD;
	s1 =	sshrl.u32 s1, $0x2  }
0xb9: {  	s3 =	sand.u32 $0x4000, s31;
	s1 =	sadd.s32 s1, s30  }
0xba: {  	s0 =	sor.u32 s3, s0;
	s1 =	sshll.u32 s1, $0x11  }
0xbb: {  	s0 =	sor.u32 s1, s0  }
0xbc: {  	s0 =	sadd.s32 $0x8F2B, s0  }
0xbd: {  	[sflag:s0] =	ssyncadd.remote.s32 $0x1  }
0xbe: {  	_ =	sfence.sel $0xFFFF  }
0xbf: {  	[dreg:$0x0] =	wrdreg $0xFFFFFFFF;
	(pc) =	sbr.abs _section_cstart, $3  }
0xc0: {  	[dreg:$0x1] =	wrdreg $0xFFFFFFFF  }
0xc1: {  	_ =	task.clear_ibuf [dreg:s6], $0x2FFFF;
	_ =	strace $0x9FFFFFFF  }
0xc2: {  	(tm) =	ssettm $0x7FFFFFFF  }
0xc3: {  	_ =	shalt  }
tec
execute0_lowered:
.L_overlay_start_1:
0x0: {  	(tag) =	ssettag $0x1  }
0x1: {  	s14 =	rddreg [dreg:$0x0]  }
0x2: {  	s1 =	rddreg [dreg:$0x1]  }
0x3: {  	s0 =	rddreg [dreg:$0x2];
	s3 =	simm.s32 $0x0;
	s2 =	stileid.u32  }
0x4: {  	s4 =	srdreg.scid;
	s22 =	simm.s32 $0x37E00;
	s23 =	simm.s32 $0x0  }
0x5: {  	[smem:$0x7FF] =	sst s3;
	s8 =	sshll.u32 s2, $0x6;
	s10 =	smul.u32 $0x280, s2  }
0x6: {  	s16 =	sand.u32 $0x1, s4;
	s7 =	smul.u32 $0x50000, s2;
	s4 =	sadd.s32 $0x10C00, s14  }
0x7: {  	s5 =	sadd.s32 $0x10400, s14;
	s21 =	smul.u32 $0x2800, s2;
	_ =	strace $0x8000004A  }
0x8: {  	s18 =	sadd.s32 s8, s14;
	s6 =	ssub.s32 $0x2, s16;
	s8 =	sor.u32 $0x1C02, s8  }
0x9: {  	p0 =	seq.s32 s16, $0x0;
	s30 =	sshll.u32 s16, $0x5;
	s9 =	sshrl.u32 s6, $0x1  }
0xa: {  	s7 =	sshrl.u32 s7, $0x2;
	s15 =	sadd.s32 $0x80, s10;
	s17 =	sadd.s32 $0x100, s10  }
0xb: {  	s19 =	sadd.s32 $0x180, s10;
	s20 =	sadd.s32 $0x200, s10;
	s22 =	simm.s32 @!p0 $0x74E00  }
0xc: {  	s31 =	sadd.s32 s30, s18;
	s13 =	ssub.s32 s6, s9;
	s6 =	sshll.u32 s2, $0x1  }
0xd: {  	s7 =	sadd.s32 s7, s1;
	s28 =	sshll.u32 s15, $0x7;
	s11 =	sshll.u32 s17, $0x7  }
0xe: {  	s29 =	sshll.u32 s19, $0x7;
	s12 =	sshll.u32 s20, $0x7;
	s15 =	sshll.u32 s15, $0x4  }
0xf: {  	s17 =	sshll.u32 s17, $0x4;
	s19 =	sshll.u32 s19, $0x4;
	s20 =	sshll.u32 s20, $0x4  }
0x10: {  	s22 =	sadd.s32 s22, s14;
	s9 =	sadd.s32 s28, s1;
	s10 =	sadd.s32 s11, s1  }
0x11: {  	s11 =	sadd.s32 s29, s1;
	s12 =	sadd.s32 s12, s1;
	s13 =	smax.u32 s13, $0x1  }
0x12: {  	s14 =	sadd.s32 s22, s21;
	s15 =	sadd.s32 s22, s15;
	s16 =	sadd.s32 s22, s17  }
0x13: {  	s17 =	sadd.s32 s22, s19;
	s18 =	sadd.s32 s22, s20;
	s19 =	sadd.s32 $0x61400, s31  }
0x14: {  	s20 =	sshrl.u32 s7, $0x3;
	s21 =	simm.s32 $0x2;
	s22 =	simm.s32 $0x100  }
.LBB2_1:
0x15: {  	[spmem:s20], [sflag:s8] =	dma.local [hbm:s5], $0x800  }
0x16: {  	_ =	swait.ge [sflag:s21], $0x800  }
0x17: {  	[sflag:s21] =	ssyncset.done $0x0  }
0x18: {  	s24 =	sshrl.u32 s9, $0x3;
	[sflag:s21] =	ssyncadd.s32 $0xFFFFF800  }
0x19: {  	[spmem:s24], [sflag:s8] =	dma.local [hbm:s5], $0x800  }
0x1a: {  	_ =	swait.ge [sflag:s21], $0x800  }
0x1b: {  	[sflag:s21] =	ssyncset.done $0x0  }
0x1c: {  	s26 =	sshrl.u32 s10, $0x3;
	[sflag:s21] =	ssyncadd.s32 $0xFFFFF800  }
0x1d: {  	[spmem:s26], [sflag:s8] =	dma.local [hbm:s5], $0x800  }
0x1e: {  	_ =	swait.ge [sflag:s21], $0x800  }
0x1f: {  	[sflag:s21] =	ssyncset.done $0x0  }
0x20: {  	s28 =	sshrl.u32 s11, $0x3;
	[sflag:s21] =	ssyncadd.s32 $0xFFFFF800  }
0x21: {  	[spmem:s28], [sflag:s8] =	dma.local [hbm:s5], $0x800  }
0x22: {  	_ =	swait.ge [sflag:s21], $0x800  }
0x23: {  	[sflag:s21] =	ssyncset.done $0x0  }
0x24: {  	s29 =	sshrl.u32 s12, $0x3;
	[sflag:s21] =	ssyncadd.s32 $0xFFFFF800  }
0x25: {  	[spmem:s29], [sflag:s8] =	dma.local [hbm:s5], $0x800  }
0x26: {  	_ =	swait.ge [sflag:s21], $0x800  }
0x27: {  	s30 =	sadd.s32 $0x0, s6;
	[sflag:s21] =	ssyncset.done $0x0  }
0x28: {  	p0 =	sgt.u32 s30, $0x9C3;
	[sflag:s21] =	ssyncadd.s32 $0xFFFFF800  }
0x29: {  	s25 =	simm.s32 @!p0 $0x3;
	s24 =	simm.s32 @!p0 $0x0;
	[bflag:$0x0] =	sbarrier.arrive $0xFFFF  }
0x2a: {  	[tilespmem:s24], [sflag:$0x3] =	stream.linear.gather @!p0 [hbm4b:s19+s24], $0x100, $0x38;
	[tilespmem:$0x18100] =	vst v63  }
0x2b: {  	_ =	swait.ge @!p0 [sflag:s25], $0x100  }
0x2c: {  	s26 =	simm.s32 @!p0 $0x1;
	[sflag:s25] =	ssyncset.done @!p0 $0x0  }
0x2d: {  	s28 =	simm.s32 @!p0 $0x100;
	[sflag:s25] =	ssyncadd.s32 @!p0 $0xFFFFFF00;
	s25 =	simm.s32 @!p0 $0x80  }
0x2e: {  	[tilespmem:s28], [sflag:$0x1] =	stream.indirect.gather @!p0 [hbm4b:s4+s25], $0x80, s24, s25, $0xb8;
	[tilespmem:$0x18100] =	vst v63  }
0x2f: {  	p1 =	por p0, p0;
	_ =	swait.ge @!p0 [sflag:s26], $0x4000  }
0x30: {  	[sflag:s26] =	ssyncset.done @!p1 $0x0  }
0x31: {  	[sflag:s26] =	ssyncadd.s32 @!p1 $0xFFFFC000;
	s26 =	simm.s32 @!p1 $0x2  }
0x32: {  	[spmem:s1] =	stream.indirect.scatter.add.f32 @!p1 [tilespmem:s28], [sflag:$0x2], $0x80, s25, s25, $0xb8;
	[tilespmem:$0x18100] =	vst v63  }
0x33: {  	s31 =	sadd.s32 $0x20, s6;
	s24 =	simm.s32 $0x40;
	_ =	swait.ge @!p1 [sflag:s26], $0x4000  }
0x34: {  	p0 =	sgt.u32 s31, $0x9C3;
	s25 =	sadd.s32 $0x400, s19;
	[sflag:s26] =	ssyncset.done @!p1 $0x0  }
.LBB2_2:
0x35: {  	s28 =	simm.s32 @!p0 $0x0;
	s29 =	simm.s32 @!p0 $0x3;
	[sflag:s26] =	ssyncadd.s32 @!p1 $0xFFFFC000  }
0x36: {  	[tilespmem:s28], [sflag:$0x3] =	stream.linear.gather @!p0 [hbm4b:s25+s28], $0x100, $0x38;
	[tilespmem:$0x18100] =	vst v63  }
0x37: {  	s30 =	smov.u32 s24;
	s24 =	sadd.s32 $0x20, s24;
	_ =	swait.ge @!p0 [sflag:s29], $0x100  }
0x38: {  	s26 =	simm.s32 @!p0 $0x1;
	p2 =	sne.s32 s24, $0x9E0;
	[sflag:s29] =	ssyncset.done @!p0 $0x0  }
0x39: {  	s31 =	simm.s32 @!p0 $0x100;
	[sflag:s29] =	ssyncadd.s32 @!p0 $0xFFFFFF00;
	s29 =	simm.s32 @!p0 $0x80  }
0x3a: {  	[tilespmem:s31], [sflag:$0x1] =	stream.indirect.gather @!p0 [hbm4b:s4+s29], $0x80, s28, s29, $0xb8;
	[tilespmem:$0x18100] =	vst v63  }
0x3b: {  	p1 =	por p0, p0;
	_ =	swait.ge @!p0 [sflag:s26], $0x4000  }
.Ltmp0:
0x3c: {  	[sflag:s26] =	ssyncset.done @!p1 $0x0;
	(pc) =	sbr.rel @p2 .LBB2_2-.Ltmp0, $4  }
0x3d: {  	[sflag:s26] =	ssyncadd.s32 @!p1 $0xFFFFC000;
	s26 =	simm.s32 @!p1 $0x2  }
0x3e: {  	[spmem:s1] =	stream.indirect.scatter.add.f32 @!p1 [tilespmem:s31], [sflag:$0x2], $0x80, s29, s29, $0xb8;
	[tilespmem:$0x18100] =	vst v63  }
0x3f: {  	s28 =	sadd.s32 s30, s6;
	_ =	swait.ge @!p1 [sflag:s26], $0x4000  }
0x40: {  	s25 =	sadd.s32 $0x400, s25;
	p0 =	sgt.u32 s28, $0x9C3;
	[sflag:s26] =	ssyncset.done @!p1 $0x0  }
0x41: {  	s24 =	simm.s32 @!p0 $0x0;
	s28 =	simm.s32 @!p0 $0x3;
	[sflag:s26] =	ssyncadd.s32 @!p1 $0xFFFFC000  }
0x42: {  	[tilespmem:s24], [sflag:$0x3] =	stream.linear.gather @!p0 [hbm4b:s25+s24], $0x100, $0x38;
	[tilespmem:$0x18100] =	vst v63  }
0x43: {  	_ =	swait.ge @!p0 [sflag:s28], $0x100  }
0x44: {  	s26 =	simm.s32 @!p0 $0x80;
	[sflag:s28] =	ssyncset.done @!p0 $0x0  }
0x45: {  	s25 =	simm.s32 @!p0 $0x1;
	[sflag:s28] =	ssyncadd.s32 @!p0 $0xFFFFFF00;
	s28 =	simm.s32 @!p0 $0x100  }
0x46: {  	[tilespmem:s28], [sflag:$0x1] =	stream.indirect.gather @!p0 [hbm4b:s4+s26], $0x80, s24, s26, $0xb8;
	[tilespmem:$0x18100] =	vst v63  }
0x47: {  	_ =	swait.ge @!p0 [sflag:s25], $0x4000;
	p0 =	por p0, p0  }
0x48: {  	[sflag:s25] =	ssyncset.done @!p0 $0x0  }
0x49: {  	s24 =	simm.s32 @!p0 $0x2;
	[sflag:s25] =	ssyncadd.s32 @!p0 $0xFFFFC000  }
0x4a: {  	[spmem:s1] =	stream.indirect.scatter.add.f32 @!p0 [tilespmem:s28], [sflag:$0x2], $0x80, s26, s26, $0xb8;
	[tilespmem:$0x18100] =	vst v63  }
0x4b: {  	_ =	swait.ge @!p0 [sflag:s24], $0x4000  }
0x4c: {  	[sflag:s24] =	ssyncset.done @!p0 $0x0  }
0x4d: {  	[sflag:s24] =	ssyncadd.s32 @!p0 $0xFFFFC000  }
0x4e: {  	[bflag:$0x0] =	sbarrier.arrive $0xFFFF  }
0x4f: {  	[tilespmem:s22], [sflag:$0x2] =	stream.linear.gather [spmem:s7], $0x4000, $0x38;
	[tilespmem:$0x18100] =	vst v63  }
0x50: {  	_ =	swait.ge [sflag:s21], $0x4000  }
0x51: {  	[sflag:s21] =	ssyncset.done $0x0  }
0x52: {  	[sflag:s21] =	ssyncadd.s32 $0xFFFFC000  }
0x53: {  	[hbm4b:s14+s3] =	stream.linear.scatter [tilespmem:s22], [sflag:$0x2], $0x4000, $0x38;
	[tilespmem:$0x18100] =	vst v63  }
0x54: {  	_ =	swait.ge [sflag:s21], $0x4000  }
0x55: {  	[sflag:s21] =	ssyncset.done $0x0  }
0x56: {  	[sflag:s21] =	ssyncadd.s32 $0xFFFFC000  }
0x57: {  	[tilespmem:s22], [sflag:$0x2] =	stream.linear.gather [spmem:s9], $0x4000, $0x38;
	[tilespmem:$0x18100] =	vst v63  }
0x58: {  	_ =	swait.ge [sflag:s21], $0x4000  }
0x59: {  	[sflag:s21] =	ssyncset.done $0x0  }
0x5a: {  	[sflag:s21] =	ssyncadd.s32 $0xFFFFC000  }
0x5b: {  	[hbm4b:s15+s3] =	stream.linear.scatter [tilespmem:s22], [sflag:$0x2], $0x4000, $0x38;
	[tilespmem:$0x18100] =	vst v63  }
0x5c: {  	_ =	swait.ge [sflag:s21], $0x4000  }
0x5d: {  	[sflag:s21] =	ssyncset.done $0x0  }
0x5e: {  	[sflag:s21] =	ssyncadd.s32 $0xFFFFC000  }
0x5f: {  	[tilespmem:s22], [sflag:$0x2] =	stream.linear.gather [spmem:s10], $0x4000, $0x38;
	[tilespmem:$0x18100] =	vst v63  }
0x60: {  	_ =	swait.ge [sflag:s21], $0x4000  }
0x61: {  	[sflag:s21] =	ssyncset.done $0x0  }
0x62: {  	[sflag:s21] =	ssyncadd.s32 $0xFFFFC000  }
0x63: {  	[hbm4b:s16+s3] =	stream.linear.scatter [tilespmem:s22], [sflag:$0x2], $0x4000, $0x38;
	[tilespmem:$0x18100] =	vst v63  }
0x64: {  	_ =	swait.ge [sflag:s21], $0x4000  }
0x65: {  	[sflag:s21] =	ssyncset.done $0x0  }
0x66: {  	[sflag:s21] =	ssyncadd.s32 $0xFFFFC000  }
0x67: {  	[tilespmem:s22], [sflag:$0x2] =	stream.linear.gather [spmem:s11], $0x4000, $0x38;
	[tilespmem:$0x18100] =	vst v63  }
0x68: {  	_ =	swait.ge [sflag:s21], $0x4000  }
0x69: {  	[sflag:s21] =	ssyncset.done $0x0  }
0x6a: {  	[sflag:s21] =	ssyncadd.s32 $0xFFFFC000  }
0x6b: {  	[hbm4b:s17+s3] =	stream.linear.scatter [tilespmem:s22], [sflag:$0x2], $0x4000, $0x38;
	[tilespmem:$0x18100] =	vst v63  }
0x6c: {  	_ =	swait.ge [sflag:s21], $0x4000  }
0x6d: {  	[sflag:s21] =	ssyncset.done $0x0  }
0x6e: {  	[sflag:s21] =	ssyncadd.s32 $0xFFFFC000  }
0x6f: {  	[tilespmem:s22], [sflag:$0x2] =	stream.linear.gather [spmem:s12], $0x4000, $0x38;
	[tilespmem:$0x18100] =	vst v63  }
0x70: {  	s23 =	sadd.s32 $0x1, s23;
	_ =	swait.ge [sflag:s21], $0x4000  }
0x71: {  	p0 =	sne.s32 s23, s13;
	[sflag:s21] =	ssyncset.done $0x0  }
.Ltmp1:
0x72: {  	[sflag:s21] =	ssyncadd.s32 $0xFFFFC000;
	(pc) =	sbr.rel @p0 .LBB2_1-.Ltmp1, $4  }
0x73: {  	[hbm4b:s18+s3] =	stream.linear.scatter [tilespmem:s22], [sflag:$0x2], $0x4000, $0x38;
	[tilespmem:$0x18100] =	vst v63  }
0x74: {  	_ =	swait.ge [sflag:s21], $0x4000  }
0x75: {  	[sflag:s21] =	ssyncset.done $0x0  }
0x76: {  	[sflag:s21] =	ssyncadd.s32 $0xFFFFC000  }
0x77: {  	_ =	sfence.sel $0x180000  }
0x78: {  	[bflag:$0x0] =	sbarrier.arrive $0xFFFF  }
0x79: {  	p0 =	sne.s32 s2, $0x0;
	_ =	strace $0x9000004A  }
0x7a: {  	s0 =	sadd.s32 @!p0 $0x100000, s0;
	[bflag:$0x2] =	sbarrier.arrive $0xFFFF  }
0x7b: {  	[sflag:s0] =	ssyncadd.tile.s32 @!p0 $0x1;
	_ =	shalt  }
.Lfunc_end2:
_tile_overlayer_lowered:
.L_overlay_start_2:
0x7c: {  	(tag) =	ssettag $0x2  }
0x7d: {  	s0 =	rddreg [dreg:$0x0];
	s2 =	stileid.u32  }
0x7e: {  	s1 =	rddreg [dreg:$0x1];
	p0 =	sne.s32 s2, $0x0  }
0x7f: {  	s3 =	rddreg [dreg:$0x2];
	[bflag:$0x3] =	sbarrier.arrive $0xFFFF;
	s2 =	simm.s32 @!p0 $0x1C02  }
0x80: {  	[timem:s3], [sflag:s2] =	dma.local @!p0 [hbm:s0], s1  }
0x81: {  	s0 =	simm.s32 @!p0 $0x2  }
0x82: {  	_ =	swait.ge @!p0 [sflag:s0], s1  }
0x83: {  	s1 =	ssub.s32 @!p0 $0x0, s1;
	[sflag:s0] =	ssyncset.done @!p0 $0x0  }
0x84: {  	[sflag:s0] =	ssyncadd.s32 @!p0 s1  }
0x85: {  	[bflag:$0x3] =	sbarrier.arrive $0xFFFF  }
0x86: {  	_ =	shalt  }

// kernel: kernel.17.cloned.1.call-start
scs
__scs_entry_jumppad:
0x0: {  	(pc) =	sbr.rel $0x88, $3  }
0x1: {  	(tag) =	ssettag $0x0;
	lr =	simm.s32 $0x1  }
0x2: {  	[smem:$0x3F96] =	sst lr;
	_ =	strace $0xD0000000  }
0x3: {  	_ = 	snop  }
0x4: {  	_ = 	snop  }
0x5: {  	_ = 	snop  }
0x6: {  	_ = 	snop  }
0x7: {  	_ = 	snop  }
__scs_overlays_trampoline_lowered:
0x8: {  	[smem:$0x3FA5] =	sst s0  }
0x9: {  	[smem:$0x3FA6] =	sst s1  }
0xa: {  	[smem:$0x3FA7] =	sst s2  }
0xb: {  	[smem:$0x3FA8] =	sst s3  }
0xc: {  	[smem:$0x3FA9] =	sst s4  }
0xd: {  	[smem:$0x3FAA] =	sst s5  }
0xe: {  	[smem:$0x3FAB] =	sst s6  }
0xf: {  	[smem:$0x3FAC] =	sst s7  }
0x10: {  	[smem:$0x3FAD] =	sst s8  }
0x11: {  	[smem:$0x3FAE] =	sst s9;
	s0 =	simm.s32 @!p0 $0x0  }
0x12: {  	s1 =	sld [smem:$0x3F94];
	s0 =	simm.s32 @p0 $0x1  }
0x13: {  	[smem:$0x3FAF] =	sst s0;
	s0 =	simm.s32 @!p1 $0x0  }
0x14: {  	s2 =	sld [smem:$0x3F93];
	s0 =	simm.s32 @p1 $0x1  }
0x15: {  	[smem:$0x3FB0] =	sst s0;
	s0 =	simm.s32 @!p2 $0x0  }
0x16: {  	s3 =	sld [smem:$0x3FDB];
	s0 =	simm.s32 @p2 $0x1  }
0x17: {  	s4 =	simm.s32 $0x1BF5;
	[smem:$0x3FB2] =	sst s0  }
0x18: {  	s0 =	sld [smem:$0x3F95];
	_ =	swait.ge [sflag:s4], $0x0  }
0x19: {  	s7 =	sld [smem:$0x3F96]  }
0x1a: {  	s8 =	sadd.s32 $0xFFFFE003, lr  }
0x1b: {  	s9 =	sadd.s32 $0xFFFFFEF7, lr;
	s5 =	simm.s32 $0xFFFFFFFF;
	p2 =	slt.u32 s8, $0xFFFFF086  }
0x1c: {  	p1 =	slt.u32 s9, $0xF7A;
	s5 =	simm.s32 @!p2 $0x0  }
0x1d: {  	s5 =	simm.s32 @p1 $0x1;
	p0 =	seq.s32 s7, s2  }
0x1e: {  	s7 =	smul.u32 @!p0 $0xF7A, s2;
	p2 =	seq.s32 @!p0 s5, $0x0  }
0x1f: {  	s9 =	smul.u32 $0xF7A, s1;
	s8 =	simm.s32 @!p0 $0x1BF5;
	p2 =	por !p2, p0  }
0x20: {  	[sflag:s8] =	ssyncset.s32 @!p0 $0xFFFFF086;
	s6 =	sadd.s32 @!p0 s3, s7;
	s7 =	simm.s32 @!p0 $0x108  }
0x21: {  	s3 =	sadd.s32 s3, s9;
	s6 =	sadd.s32 @!p0 $0x88, s6;
	s7 =	simm.s32 @p2 $0x1082  }
0x22: {  	[simem:s7], [sflag:s8] =	dma.local @!p0 [hbm:s6], $0xF7A  }
0x23: {  	s9 =	sor.u32 $0xD0000000, s2;
	s6 =	simm.s32 $0x108;
	_ =	swait.ge @!p0 [sflag:s8], $0x0  }
0x24: {  	s3 =	sadd.s32 $0x88, s3;
	s6 =	simm.s32 @!p1 $0x1082;
	[sflag:s4] =	ssyncset.s32 $0xFFFFF086  }
0x25: {  	[simem:s6], [sflag:s4] =	dma.local [hbm:s3], $0xF7A  }
0x26: {  	[smem:$0x3F96] =	sst s1;
	(tag) =	ssettag s2;
	_ =	strace s9  }
0x27: {  	s1 =	sld [smem:$0x3FA6]  }
0x28: {  	s2 =	sld [smem:$0x3FA7]  }
0x29: {  	s4 =	sld [smem:$0x3FA9]  }
0x2a: {  	p0 =	seq.s32 s5, $0x0;
	s5 =	sld [smem:$0x3FAA]  }
0x2b: {  	s6 =	sld [smem:$0x3FAB]  }
0x2c: {  	s7 =	sld [smem:$0x3FAC]  }
0x2d: {  	s3 =	simm.s32 $0x108;
	s8 =	sld [smem:$0x3FAD]  }
0x2e: {  	s3 =	simm.s32 @!p0 $0x1082;
	s9 =	sld [smem:$0x3FAE]  }
0x2f: {  	lr =	sadd.s32 s0, s3;
	s0 =	sld [smem:$0x3FA5]  }
0x30: {  	s3 =	sld [smem:$0x3FA8]  }
0x31: {  	[smem:$0x3FB1] =	sst s10  }
0x32: {  	s10 =	sld [smem:$0x3FAF];
	_ =	sdelay $0x3  }
0x33: {  	p0 =	seq.s32 s10, $0x1;
	s10 =	sld [smem:$0x3FB1];
	_ =	sdelay $0x3  }
0x34: {  	[smem:$0x3FB1] =	sst s10  }
0x35: {  	s10 =	sld [smem:$0x3FB0];
	_ =	sdelay $0x3  }
0x36: {  	p1 =	seq.s32 s10, $0x1;
	s10 =	sld [smem:$0x3FB1];
	_ =	sdelay $0x3  }
0x37: {  	[smem:$0x3FB1] =	sst s10  }
0x38: {  	s10 =	sld [smem:$0x3FB2]  }
0x39: {  	_ = 	snop;
	(pc) =	sbr.ind lr, $3  }
0x3a: {  	_ = 	snop  }
0x3b: {  	_ = 	snop  }
0x3c: {  	p2 =	seq.s32 s10, $0x1;
	s10 =	sld [smem:$0x3FB1]  }
0x3d: {  	_ =	shalt  }
0x3e: {  	_ =	shalt  }
0x3f: {  	_ =	shalt  }
0x40: {  	_ =	shalt  }
0x41: {  	_ =	shalt  }
0x42: {  	_ =	shalt  }
0x43: {  	_ =	shalt  }
0x44: {  	_ =	shalt  }
0x45: {  	_ =	shalt  }
0x46: {  	_ =	shalt  }
0x47: {  	_ =	shalt  }
0x48: {  	_ =	shalt  }
0x49: {  	_ =	shalt  }
0x4a: {  	_ =	shalt  }
0x4b: {  	_ =	shalt  }
0x4c: {  	_ =	shalt  }
0x4d: {  	_ =	shalt  }
0x4e: {  	_ =	shalt  }
0x4f: {  	_ =	shalt  }
0x50: {  	_ =	shalt  }
0x51: {  	_ =	shalt  }
0x52: {  	_ =	shalt  }
0x53: {  	_ =	shalt  }
0x54: {  	_ =	shalt  }
0x55: {  	_ =	shalt  }
0x56: {  	_ =	shalt  }
0x57: {  	_ =	shalt  }
0x58: {  	_ =	shalt  }
0x59: {  	_ =	shalt  }
0x5a: {  	_ =	shalt  }
0x5b: {  	_ =	shalt  }
0x5c: {  	_ =	shalt  }
0x5d: {  	_ =	shalt  }
0x5e: {  	_ =	shalt  }
0x5f: {  	_ =	shalt  }
0x60: {  	_ =	shalt  }
0x61: {  	_ =	shalt  }
0x62: {  	_ =	shalt  }
0x63: {  	_ =	shalt  }
0x64: {  	_ =	shalt  }
0x65: {  	_ =	shalt  }
0x66: {  	_ =	shalt  }
0x67: {  	_ =	shalt  }
0x68: {  	_ =	shalt  }
0x69: {  	_ =	shalt  }
0x6a: {  	_ =	shalt  }
0x6b: {  	_ =	shalt  }
0x6c: {  	_ =	shalt  }
0x6d: {  	_ =	shalt  }
0x6e: {  	_ =	shalt  }
0x6f: {  	_ =	shalt  }
0x70: {  	_ =	shalt  }
0x71: {  	_ =	shalt  }
0x72: {  	_ =	shalt  }
0x73: {  	_ =	shalt  }
0x74: {  	_ =	shalt  }
0x75: {  	_ =	shalt  }
0x76: {  	_ =	shalt  }
0x77: {  	_ =	shalt  }
0x78: {  	_ =	shalt  }
0x79: {  	_ =	shalt  }
0x7a: {  	_ =	shalt  }
0x7b: {  	_ =	shalt  }
0x7c: {  	_ =	shalt  }
0x7d: {  	_ =	shalt  }
0x7e: {  	_ =	shalt  }
0x7f: {  	_ =	shalt  }
0x80: {  	_ =	shalt  }
0x81: {  	_ =	shalt  }
0x82: {  	_ =	shalt  }
0x83: {  	_ =	shalt  }
0x84: {  	_ =	shalt  }
0x85: {  	_ =	shalt  }
0x86: {  	_ =	shalt  }
0x87: {  	_ =	shalt  }
.Lfunc_end0:
.L_simem_size_0:
called_computation.2_lowered:
.L_overlay_start_0:
0x88: {  	s2 =	sld [smem:$0x3FD9]  }
0x89: {  	s3 =	sld [smem:$0x3FFE];
	_ =	sdelay $0x1  }
0x8a: {  	s1 =	srdreg.scid  }
0x8b: {  	s0 =	sand.u32 $0x1, s1  }
0x8c: {  	s16 =	sshll.u32 s0, $0xA;
	s2 =	sadd.s32 s3, s2  }
0x8d: {  	s2 =	sadd.s32 s2, s16  }
0x8e: {  	[smem:$0x3FBD] =	sst s2  }
0x8f: {  	_ = 	snop  }
0x90: {  	(tm) =	ssettm $0x1  }
0x91: {  	s17 =	sld [smem:$0x3FFB];
	_ =	sdelay $0x3  }
0x92: {  	_ =	strace s17  }
0x93: {  	s2 =	sld [smem:$0x3FFC];
	_ =	sdelay $0x3  }
0x94: {  	_ =	strace s2  }
0x95: {  	s2 =	sld [smem:$0x3FFD];
	_ =	sdelay $0x3  }
0x96: {  	_ =	strace s2  }
0x97: {  	_ =	strace $0x8FFFFFFF  }
0x98: {  	s18 =	sld [smem:$0x3FDB];
	_ =	sdelay $0x1  }
0x99: {  	s19 =	simm.s32 $_scs_section_size  }
0x9a: {  	s4 =	simm.s32 $_size__tile_overlayer_lowered;
	s5 =	simm.s32 $_tile_overlayer_lowered  }
0x9b: {  	s22 =	simm.s32 $0x1BFF;
	s21 =	sshll.u32 s5, $0x1;
	s2 =	sadd.s32 s19, s18  }
0x9c: {  	s6 =	simm.s32 $0x0;
	s20 =	sshll.u32 s4, $0x1;
	s4 =	sadd.s32 s21, s2  }
0x9d: {  	[timem:s6], [sflag:s22] =	dma.local [hbm:s4], s20  }
0x9e: {  	_ =	swait.ge [sflag:s22], s20  }
0x9f: {  	s3 =	ssub.s32 $0x0, s20;
	[sflag:s22] =	ssyncset.done $0x0  }
0xa0: {  	[sflag:s22] =	ssyncadd.s32 s3;
	_ =	sdelay $0x1  }
0xa1: {  	s23 =	simm.s32 $0x1B8B  }
0xa2: {  	_ =	swait.ge [sflag:s23], $0x1  }
0xa3: {  	[sflag:s23] =	ssyncset.done $0x0  }
0xa4: {  	s25 =	simm.s32 $0x1B8E;
	s24 =	sld [smem:$0x3FFE];
	[sflag:s23] =	ssyncadd.s32 $0xFFFFFFFF  }
0xa5: {  	s26 =	simm.s32 $execute0_lowered;
	[smem:$0x3FD2] =	sst s25  }
0xa6: {  	s4 =	sshll.u32 s26, $0x1;
	_ =	strace $0x8000004C;
	[dreg:$0x1] =	wrdreg $0xFFFFFFFF  }
0xa7: {  	s28 =	simm.s32 $_size_execute0_lowered;
	s2 =	sadd.s32 s2, s4;
	[dreg:$0x0] =	wrdreg $0x0  }
0xa8: {  	s4 =	sshll.u32 s28, $0x1;
	[dreg:$0x2] =	wrdreg s2  }
0xa9: {  	[dreg:$0x3] =	wrdreg s4  }
0xaa: {  	[dreg:$0x4] =	wrdreg $0xC0  }
0xab: {  	_ =	task [dreg:s6], $0x5FFFF  }
0xac: {  	[dreg:$0x1] =	wrdreg $0xFFFFFFFF  }
0xad: {  	[dreg:$0x0] =	wrdreg $0x60  }
0xae: {  	[dreg:$0x2] =	wrdreg s24  }
0xaf: {  	[dreg:$0x3] =	wrdreg $0x41000  }
0xb0: {  	[dreg:$0x4] =	wrdreg $0x9  }
0xb1: {  	_ =	task.clear_ibuf [dreg:s6], $0x5FFFF;
	_ =	strace $0x9000004C  }
0xb2: {  	s29 =	simm.s32 $0x9;
	_ =	strace $0x8000004E  }
0xb3: {  	_ =	swait.ge [sflag:s29], $0x1  }
0xb4: {  	[sflag:s29] =	ssyncadd.s32 $0xFFFFFFFF  }
0xb5: {  	_ =	strace $0x9000004E  }
0xb6: {  	_ =	sfence  }
0xb7: {  	s30 =	sld [smem:$0x0];
	_ =	sdelay $0x2  }
0xb8: {  	s31 =	sshll.u32 s1, $0xD;
	s1 =	sshrl.u32 s1, $0x2  }
0xb9: {  	s3 =	sand.u32 $0x4000, s31;
	s1 =	sadd.s32 s1, s30  }
0xba: {  	s0 =	sor.u32 s3, s0;
	s1 =	sshll.u32 s1, $0x11  }
0xbb: {  	s0 =	sor.u32 s1, s0  }
0xbc: {  	s0 =	sadd.s32 $0x8F2B, s0  }
0xbd: {  	[sflag:s0] =	ssyncadd.remote.s32 $0x1  }
0xbe: {  	_ =	sfence.sel $0xFFFF  }
0xbf: {  	[dreg:$0x0] =	wrdreg $0xFFFFFFFF;
	(pc) =	sbr.abs _section_cstart, $3  }
0xc0: {  	[dreg:$0x1] =	wrdreg $0xFFFFFFFF  }
0xc1: {  	_ =	task.clear_ibuf [dreg:s6], $0x2FFFF;
	_ =	strace $0x9FFFFFFF  }
0xc2: {  	(tm) =	ssettm $0x7FFFFFFF  }
0xc3: {  	_ =	shalt  }
tec
execute0_lowered:
.L_overlay_start_1:
0x0: {  	(tag) =	ssettag $0x1  }
0x1: {  	s14 =	rddreg [dreg:$0x0]  }
0x2: {  	s1 =	rddreg [dreg:$0x1]  }
0x3: {  	s0 =	rddreg [dreg:$0x2];
	s3 =	simm.s32 $0x0;
	s2 =	stileid.u32  }
0x4: {  	s4 =	srdreg.scid;
	s22 =	simm.s32 $0x10C00;
	s23 =	simm.s32 $0x0  }
0x5: {  	[smem:$0x7FF] =	sst s3;
	s8 =	sshll.u32 s2, $0x6;
	s10 =	smul.u32 $0x280, s2  }
0x6: {  	s16 =	sand.u32 $0x1, s4;
	s7 =	smul.u32 $0x50000, s2;
	s4 =	sadd.s32 $0x74E00, s14  }
0x7: {  	s5 =	sadd.s32 $0x10400, s14;
	s21 =	smul.u32 $0x2800, s2;
	_ =	strace $0x8000004D  }
0x8: {  	s18 =	sadd.s32 s8, s14;
	s6 =	ssub.s32 $0x2, s16;
	s8 =	sor.u32 $0x1C02, s8  }
0x9: {  	p0 =	seq.s32 s16, $0x0;
	s30 =	sshll.u32 s16, $0x5;
	s9 =	sshrl.u32 s6, $0x1  }
0xa: {  	s7 =	sshrl.u32 s7, $0x2;
	s15 =	sadd.s32 $0x80, s10;
	s17 =	sadd.s32 $0x100, s10  }
0xb: {  	s19 =	sadd.s32 $0x180, s10;
	s20 =	sadd.s32 $0x200, s10;
	s22 =	simm.s32 @!p0 $0x38C00  }
0xc: {  	s31 =	sadd.s32 s30, s18;
	s13 =	ssub.s32 s6, s9;
	s6 =	sshll.u32 s2, $0x1  }
0xd: {  	s7 =	sadd.s32 s7, s1;
	s28 =	sshll.u32 s15, $0x7;
	s11 =	sshll.u32 s17, $0x7  }
0xe: {  	s29 =	sshll.u32 s19, $0x7;
	s12 =	sshll.u32 s20, $0x7;
	s15 =	sshll.u32 s15, $0x4  }
0xf: {  	s17 =	sshll.u32 s17, $0x4;
	s19 =	sshll.u32 s19, $0x4;
	s20 =	sshll.u32 s20, $0x4  }
0x10: {  	s22 =	sadd.s32 s22, s14;
	s9 =	sadd.s32 s28, s1;
	s10 =	sadd.s32 s11, s1  }
0x11: {  	s11 =	sadd.s32 s29, s1;
	s12 =	sadd.s32 s12, s1;
	s13 =	smax.u32 s13, $0x1  }
0x12: {  	s14 =	sadd.s32 s22, s21;
	s15 =	sadd.s32 s22, s15;
	s16 =	sadd.s32 s22, s17  }
0x13: {  	s17 =	sadd.s32 s22, s19;
	s18 =	sadd.s32 s22, s20;
	s19 =	sadd.s32 $0x61400, s31  }
0x14: {  	s20 =	sshrl.u32 s7, $0x3;
	s21 =	simm.s32 $0x2;
	s22 =	simm.s32 $0x100  }
.LBB2_1:
0x15: {  	[spmem:s20], [sflag:s8] =	dma.local [hbm:s5], $0x800  }
0x16: {  	_ =	swait.ge [sflag:s21], $0x800  }
0x17: {  	[sflag:s21] =	ssyncset.done $0x0  }
0x18: {  	s24 =	sshrl.u32 s9, $0x3;
	[sflag:s21] =	ssyncadd.s32 $0xFFFFF800  }
0x19: {  	[spmem:s24], [sflag:s8] =	dma.local [hbm:s5], $0x800  }
0x1a: {  	_ =	swait.ge [sflag:s21], $0x800  }
0x1b: {  	[sflag:s21] =	ssyncset.done $0x0  }
0x1c: {  	s26 =	sshrl.u32 s10, $0x3;
	[sflag:s21] =	ssyncadd.s32 $0xFFFFF800  }
0x1d: {  	[spmem:s26], [sflag:s8] =	dma.local [hbm:s5], $0x800  }
0x1e: {  	_ =	swait.ge [sflag:s21], $0x800  }
0x1f: {  	[sflag:s21] =	ssyncset.done $0x0  }
0x20: {  	s28 =	sshrl.u32 s11, $0x3;
	[sflag:s21] =	ssyncadd.s32 $0xFFFFF800  }
0x21: {  	[spmem:s28], [sflag:s8] =	dma.local [hbm:s5], $0x800  }
0x22: {  	_ =	swait.ge [sflag:s21], $0x800  }
0x23: {  	[sflag:s21] =	ssyncset.done $0x0  }
0x24: {  	s29 =	sshrl.u32 s12, $0x3;
	[sflag:s21] =	ssyncadd.s32 $0xFFFFF800  }
0x25: {  	[spmem:s29], [sflag:s8] =	dma.local [hbm:s5], $0x800  }
0x26: {  	_ =	swait.ge [sflag:s21], $0x800  }
0x27: {  	s30 =	sadd.s32 $0x0, s6;
	[sflag:s21] =	ssyncset.done $0x0  }
0x28: {  	p0 =	sgt.u32 s30, $0x9C3;
	[sflag:s21] =	ssyncadd.s32 $0xFFFFF800  }
0x29: {  	s25 =	simm.s32 @!p0 $0x3;
	s24 =	simm.s32 @!p0 $0x0;
	[bflag:$0x0] =	sbarrier.arrive $0xFFFF  }
0x2a: {  	[tilespmem:s24], [sflag:$0x3] =	stream.linear.gather @!p0 [hbm4b:s19+s24], $0x100, $0x38;
	[tilespmem:$0x18100] =	vst v63  }
0x2b: {  	_ =	swait.ge @!p0 [sflag:s25], $0x100  }
0x2c: {  	s26 =	simm.s32 @!p0 $0x1;
	[sflag:s25] =	ssyncset.done @!p0 $0x0  }
0x2d: {  	s28 =	simm.s32 @!p0 $0x100;
	[sflag:s25] =	ssyncadd.s32 @!p0 $0xFFFFFF00;
	s25 =	simm.s32 @!p0 $0x80  }
0x2e: {  	[tilespmem:s28], [sflag:$0x1] =	stream.indirect.gather @!p0 [hbm4b:s4+s25], $0x80, s24, s25, $0xb8;
	[tilespmem:$0x18100] =	vst v63  }
0x2f: {  	p1 =	por p0, p0;
	_ =	swait.ge @!p0 [sflag:s26], $0x4000  }
0x30: {  	[sflag:s26] =	ssyncset.done @!p1 $0x0  }
0x31: {  	[sflag:s26] =	ssyncadd.s32 @!p1 $0xFFFFC000;
	s26 =	simm.s32 @!p1 $0x2  }
0x32: {  	[spmem:s1] =	stream.indirect.scatter.add.f32 @!p1 [tilespmem:s28], [sflag:$0x2], $0x80, s25, s25, $0xb8;
	[tilespmem:$0x18100] =	vst v63  }
0x33: {  	s31 =	sadd.s32 $0x20, s6;
	s24 =	simm.s32 $0x40;
	_ =	swait.ge @!p1 [sflag:s26], $0x4000  }
0x34: {  	p0 =	sgt.u32 s31, $0x9C3;
	s25 =	sadd.s32 $0x400, s19;
	[sflag:s26] =	ssyncset.done @!p1 $0x0  }
.LBB2_2:
0x35: {  	s28 =	simm.s32 @!p0 $0x0;
	s29 =	simm.s32 @!p0 $0x3;
	[sflag:s26] =	ssyncadd.s32 @!p1 $0xFFFFC000  }
0x36: {  	[tilespmem:s28], [sflag:$0x3] =	stream.linear.gather @!p0 [hbm4b:s25+s28], $0x100, $0x38;
	[tilespmem:$0x18100] =	vst v63  }
0x37: {  	s30 =	smov.u32 s24;
	s24 =	sadd.s32 $0x20, s24;
	_ =	swait.ge @!p0 [sflag:s29], $0x100  }
0x38: {  	s26 =	simm.s32 @!p0 $0x1;
	p2 =	sne.s32 s24, $0x9E0;
	[sflag:s29] =	ssyncset.done @!p0 $0x0  }
0x39: {  	s31 =	simm.s32 @!p0 $0x100;
	[sflag:s29] =	ssyncadd.s32 @!p0 $0xFFFFFF00;
	s29 =	simm.s32 @!p0 $0x80  }
0x3a: {  	[tilespmem:s31], [sflag:$0x1] =	stream.indirect.gather @!p0 [hbm4b:s4+s29], $0x80, s28, s29, $0xb8;
	[tilespmem:$0x18100] =	vst v63  }
0x3b: {  	p1 =	por p0, p0;
	_ =	swait.ge @!p0 [sflag:s26], $0x4000  }
.Ltmp0:
0x3c: {  	[sflag:s26] =	ssyncset.done @!p1 $0x0;
	(pc) =	sbr.rel @p2 .LBB2_2-.Ltmp0, $4  }
0x3d: {  	[sflag:s26] =	ssyncadd.s32 @!p1 $0xFFFFC000;
	s26 =	simm.s32 @!p1 $0x2  }
0x3e: {  	[spmem:s1] =	stream.indirect.scatter.add.f32 @!p1 [tilespmem:s31], [sflag:$0x2], $0x80, s29, s29, $0xb8;
	[tilespmem:$0x18100] =	vst v63  }
0x3f: {  	s28 =	sadd.s32 s30, s6;
	_ =	swait.ge @!p1 [sflag:s26], $0x4000  }
0x40: {  	s25 =	sadd.s32 $0x400, s25;
	p0 =	sgt.u32 s28, $0x9C3;
	[sflag:s26] =	ssyncset.done @!p1 $0x0  }
0x41: {  	s24 =	simm.s32 @!p0 $0x0;
	s28 =	simm.s32 @!p0 $0x3;
	[sflag:s26] =	ssyncadd.s32 @!p1 $0xFFFFC000  }
0x42: {  	[tilespmem:s24], [sflag:$0x3] =	stream.linear.gather @!p0 [hbm4b:s25+s24], $0x100, $0x38;
	[tilespmem:$0x18100] =	vst v63  }
0x43: {  	_ =	swait.ge @!p0 [sflag:s28], $0x100  }
0x44: {  	s26 =	simm.s32 @!p0 $0x80;
	[sflag:s28] =	ssyncset.done @!p0 $0x0  }
0x45: {  	s25 =	simm.s32 @!p0 $0x1;
	[sflag:s28] =	ssyncadd.s32 @!p0 $0xFFFFFF00;
	s28 =	simm.s32 @!p0 $0x100  }
0x46: {  	[tilespmem:s28], [sflag:$0x1] =	stream.indirect.gather @!p0 [hbm4b:s4+s26], $0x80, s24, s26, $0xb8;
	[tilespmem:$0x18100] =	vst v63  }
0x47: {  	_ =	swait.ge @!p0 [sflag:s25], $0x4000;
	p0 =	por p0, p0  }
0x48: {  	[sflag:s25] =	ssyncset.done @!p0 $0x0  }
0x49: {  	s24 =	simm.s32 @!p0 $0x2;
	[sflag:s25] =	ssyncadd.s32 @!p0 $0xFFFFC000  }
0x4a: {  	[spmem:s1] =	stream.indirect.scatter.add.f32 @!p0 [tilespmem:s28], [sflag:$0x2], $0x80, s26, s26, $0xb8;
	[tilespmem:$0x18100] =	vst v63  }
0x4b: {  	_ =	swait.ge @!p0 [sflag:s24], $0x4000  }
0x4c: {  	[sflag:s24] =	ssyncset.done @!p0 $0x0  }
0x4d: {  	[sflag:s24] =	ssyncadd.s32 @!p0 $0xFFFFC000  }
0x4e: {  	[bflag:$0x0] =	sbarrier.arrive $0xFFFF  }
0x4f: {  	[tilespmem:s22], [sflag:$0x2] =	stream.linear.gather [spmem:s7], $0x4000, $0x38;
	[tilespmem:$0x18100] =	vst v63  }
0x50: {  	_ =	swait.ge [sflag:s21], $0x4000  }
0x51: {  	[sflag:s21] =	ssyncset.done $0x0  }
0x52: {  	[sflag:s21] =	ssyncadd.s32 $0xFFFFC000  }
0x53: {  	[hbm4b:s14+s3] =	stream.linear.scatter [tilespmem:s22], [sflag:$0x2], $0x4000, $0x38;
	[tilespmem:$0x18100] =	vst v63  }
0x54: {  	_ =	swait.ge [sflag:s21], $0x4000  }
0x55: {  	[sflag:s21] =	ssyncset.done $0x0  }
0x56: {  	[sflag:s21] =	ssyncadd.s32 $0xFFFFC000  }
0x57: {  	[tilespmem:s22], [sflag:$0x2] =	stream.linear.gather [spmem:s9], $0x4000, $0x38;
	[tilespmem:$0x18100] =	vst v63  }
0x58: {  	_ =	swait.ge [sflag:s21], $0x4000  }
0x59: {  	[sflag:s21] =	ssyncset.done $0x0  }
0x5a: {  	[sflag:s21] =	ssyncadd.s32 $0xFFFFC000  }
0x5b: {  	[hbm4b:s15+s3] =	stream.linear.scatter [tilespmem:s22], [sflag:$0x2], $0x4000, $0x38;
	[tilespmem:$0x18100] =	vst v63  }
0x5c: {  	_ =	swait.ge [sflag:s21], $0x4000  }
0x5d: {  	[sflag:s21] =	ssyncset.done $0x0  }
0x5e: {  	[sflag:s21] =	ssyncadd.s32 $0xFFFFC000  }
0x5f: {  	[tilespmem:s22], [sflag:$0x2] =	stream.linear.gather [spmem:s10], $0x4000, $0x38;
	[tilespmem:$0x18100] =	vst v63  }
0x60: {  	_ =	swait.ge [sflag:s21], $0x4000  }
0x61: {  	[sflag:s21] =	ssyncset.done $0x0  }
0x62: {  	[sflag:s21] =	ssyncadd.s32 $0xFFFFC000  }
0x63: {  	[hbm4b:s16+s3] =	stream.linear.scatter [tilespmem:s22], [sflag:$0x2], $0x4000, $0x38;
	[tilespmem:$0x18100] =	vst v63  }
0x64: {  	_ =	swait.ge [sflag:s21], $0x4000  }
0x65: {  	[sflag:s21] =	ssyncset.done $0x0  }
0x66: {  	[sflag:s21] =	ssyncadd.s32 $0xFFFFC000  }
0x67: {  	[tilespmem:s22], [sflag:$0x2] =	stream.linear.gather [spmem:s11], $0x4000, $0x38;
	[tilespmem:$0x18100] =	vst v63  }
0x68: {  	_ =	swait.ge [sflag:s21], $0x4000  }
0x69: {  	[sflag:s21] =	ssyncset.done $0x0  }
0x6a: {  	[sflag:s21] =	ssyncadd.s32 $0xFFFFC000  }
0x6b: {  	[hbm4b:s17+s3] =	stream.linear.scatter [tilespmem:s22], [sflag:$0x2], $0x4000, $0x38;
	[tilespmem:$0x18100] =	vst v63  }
0x6c: {  	_ =	swait.ge [sflag:s21], $0x4000  }
0x6d: {  	[sflag:s21] =	ssyncset.done $0x0  }
0x6e: {  	[sflag:s21] =	ssyncadd.s32 $0xFFFFC000  }
0x6f: {  	[tilespmem:s22], [sflag:$0x2] =	stream.linear.gather [spmem:s12], $0x4000, $0x38;
	[tilespmem:$0x18100] =	vst v63  }
0x70: {  	s23 =	sadd.s32 $0x1, s23;
	_ =	swait.ge [sflag:s21], $0x4000  }
0x71: {  	p0 =	sne.s32 s23, s13;
	[sflag:s21] =	ssyncset.done $0x0  }
.Ltmp1:
0x72: {  	[sflag:s21] =	ssyncadd.s32 $0xFFFFC000;
	(pc) =	sbr.rel @p0 .LBB2_1-.Ltmp1, $4  }
0x73: {  	[hbm4b:s18+s3] =	stream.linear.scatter [tilespmem:s22], [sflag:$0x2], $0x4000, $0x38;
	[tilespmem:$0x18100] =	vst v63  }
0x74: {  	_ =	swait.ge [sflag:s21], $0x4000  }
0x75: {  	[sflag:s21] =	ssyncset.done $0x0  }
0x76: {  	[sflag:s21] =	ssyncadd.s32 $0xFFFFC000  }
0x77: {  	_ =	sfence.sel $0x180000  }
0x78: {  	[bflag:$0x0] =	sbarrier.arrive $0xFFFF  }
0x79: {  	p0 =	sne.s32 s2, $0x0;
	_ =	strace $0x9000004D  }
0x7a: {  	s0 =	sadd.s32 @!p0 $0x100000, s0;
	[bflag:$0x2] =	sbarrier.arrive $0xFFFF  }
0x7b: {  	[sflag:s0] =	ssyncadd.tile.s32 @!p0 $0x1;
	_ =	shalt  }
.Lfunc_end2:
_tile_overlayer_lowered:
.L_overlay_start_2:
0x7c: {  	(tag) =	ssettag $0x2  }
0x7d: {  	s0 =	rddreg [dreg:$0x0];
	s2 =	stileid.u32  }
0x7e: {  	s1 =	rddreg [dreg:$0x1];
	p0 =	sne.s32 s2, $0x0  }
0x7f: {  	s3 =	rddreg [dreg:$0x2];
	[bflag:$0x3] =	sbarrier.arrive $0xFFFF;
	s2 =	simm.s32 @!p0 $0x1C02  }
0x80: {  	[timem:s3], [sflag:s2] =	dma.local @!p0 [hbm:s0], s1  }
0x81: {  	s0 =	simm.s32 @!p0 $0x2  }
0x82: {  	_ =	swait.ge @!p0 [sflag:s0], s1  }
0x83: {  	s1 =	ssub.s32 @!p0 $0x0, s1;
	[sflag:s0] =	ssyncset.done @!p0 $0x0  }
0x84: {  	[sflag:s0] =	ssyncadd.s32 @!p0 s1  }
0x85: {  	[bflag:$0x3] =	sbarrier.arrive $0xFFFF  }
0x86: {  	_ =	shalt  }

// kernel: kernel.20.cloned.1.call-start
scs
__scs_entry_jumppad:
0x0: {  	(pc) =	sbr.rel $0x88, $3  }
0x1: {  	(tag) =	ssettag $0x0;
	lr =	simm.s32 $0x1  }
0x2: {  	[smem:$0x3F96] =	sst lr;
	_ =	strace $0xD0000000  }
0x3: {  	_ = 	snop  }
0x4: {  	_ = 	snop  }
0x5: {  	_ = 	snop  }
0x6: {  	_ = 	snop  }
0x7: {  	_ = 	snop  }
__scs_overlays_trampoline_lowered:
0x8: {  	[smem:$0x3FA5] =	sst s0  }
0x9: {  	[smem:$0x3FA6] =	sst s1  }
0xa: {  	[smem:$0x3FA7] =	sst s2  }
0xb: {  	[smem:$0x3FA8] =	sst s3  }
0xc: {  	[smem:$0x3FA9] =	sst s4  }
0xd: {  	[smem:$0x3FAA] =	sst s5  }
0xe: {  	[smem:$0x3FAB] =	sst s6  }
0xf: {  	[smem:$0x3FAC] =	sst s7  }
0x10: {  	[smem:$0x3FAD] =	sst s8  }
0x11: {  	[smem:$0x3FAE] =	sst s9;
	s0 =	simm.s32 @!p0 $0x0  }
0x12: {  	s1 =	sld [smem:$0x3F94];
	s0 =	simm.s32 @p0 $0x1  }
0x13: {  	[smem:$0x3FAF] =	sst s0;
	s0 =	simm.s32 @!p1 $0x0  }
0x14: {  	s2 =	sld [smem:$0x3F93];
	s0 =	simm.s32 @p1 $0x1  }
0x15: {  	[smem:$0x3FB0] =	sst s0;
	s0 =	simm.s32 @!p2 $0x0  }
0x16: {  	s3 =	sld [smem:$0x3FDB];
	s0 =	simm.s32 @p2 $0x1  }
0x17: {  	s4 =	simm.s32 $0x1BF5;
	[smem:$0x3FB2] =	sst s0  }
0x18: {  	s0 =	sld [smem:$0x3F95];
	_ =	swait.ge [sflag:s4], $0x0  }
0x19: {  	s7 =	sld [smem:$0x3F96]  }
0x1a: {  	s8 =	sadd.s32 $0xFFFFE003, lr  }
0x1b: {  	s9 =	sadd.s32 $0xFFFFFEF7, lr;
	s5 =	simm.s32 $0xFFFFFFFF;
	p2 =	slt.u32 s8, $0xFFFFF086  }
0x1c: {  	p1 =	slt.u32 s9, $0xF7A;
	s5 =	simm.s32 @!p2 $0x0  }
0x1d: {  	s5 =	simm.s32 @p1 $0x1;
	p0 =	seq.s32 s7, s2  }
0x1e: {  	s7 =	smul.u32 @!p0 $0xF7A, s2;
	p2 =	seq.s32 @!p0 s5, $0x0  }
0x1f: {  	s9 =	smul.u32 $0xF7A, s1;
	s8 =	simm.s32 @!p0 $0x1BF5;
	p2 =	por !p2, p0  }
0x20: {  	[sflag:s8] =	ssyncset.s32 @!p0 $0xFFFFF086;
	s6 =	sadd.s32 @!p0 s3, s7;
	s7 =	simm.s32 @!p0 $0x108  }
0x21: {  	s3 =	sadd.s32 s3, s9;
	s6 =	sadd.s32 @!p0 $0x88, s6;
	s7 =	simm.s32 @p2 $0x1082  }
0x22: {  	[simem:s7], [sflag:s8] =	dma.local @!p0 [hbm:s6], $0xF7A  }
0x23: {  	s9 =	sor.u32 $0xD0000000, s2;
	s6 =	simm.s32 $0x108;
	_ =	swait.ge @!p0 [sflag:s8], $0x0  }
0x24: {  	s3 =	sadd.s32 $0x88, s3;
	s6 =	simm.s32 @!p1 $0x1082;
	[sflag:s4] =	ssyncset.s32 $0xFFFFF086  }
0x25: {  	[simem:s6], [sflag:s4] =	dma.local [hbm:s3], $0xF7A  }
0x26: {  	[smem:$0x3F96] =	sst s1;
	(tag) =	ssettag s2;
	_ =	strace s9  }
0x27: {  	s1 =	sld [smem:$0x3FA6]  }
0x28: {  	s2 =	sld [smem:$0x3FA7]  }
0x29: {  	s4 =	sld [smem:$0x3FA9]  }
0x2a: {  	p0 =	seq.s32 s5, $0x0;
	s5 =	sld [smem:$0x3FAA]  }
0x2b: {  	s6 =	sld [smem:$0x3FAB]  }
0x2c: {  	s7 =	sld [smem:$0x3FAC]  }
0x2d: {  	s3 =	simm.s32 $0x108;
	s8 =	sld [smem:$0x3FAD]  }
0x2e: {  	s3 =	simm.s32 @!p0 $0x1082;
	s9 =	sld [smem:$0x3FAE]  }
0x2f: {  	lr =	sadd.s32 s0, s3;
	s0 =	sld [smem:$0x3FA5]  }
0x30: {  	s3 =	sld [smem:$0x3FA8]  }
0x31: {  	[smem:$0x3FB1] =	sst s10  }
0x32: {  	s10 =	sld [smem:$0x3FAF];
	_ =	sdelay $0x3  }
0x33: {  	p0 =	seq.s32 s10, $0x1;
	s10 =	sld [smem:$0x3FB1];
	_ =	sdelay $0x3  }
0x34: {  	[smem:$0x3FB1] =	sst s10  }
0x35: {  	s10 =	sld [smem:$0x3FB0];
	_ =	sdelay $0x3  }
0x36: {  	p1 =	seq.s32 s10, $0x1;
	s10 =	sld [smem:$0x3FB1];
	_ =	sdelay $0x3  }
0x37: {  	[smem:$0x3FB1] =	sst s10  }
0x38: {  	s10 =	sld [smem:$0x3FB2]  }
0x39: {  	_ = 	snop;
	(pc) =	sbr.ind lr, $3  }
0x3a: {  	_ = 	snop  }
0x3b: {  	_ = 	snop  }
0x3c: {  	p2 =	seq.s32 s10, $0x1;
	s10 =	sld [smem:$0x3FB1]  }
0x3d: {  	_ =	shalt  }
0x3e: {  	_ =	shalt  }
0x3f: {  	_ =	shalt  }
0x40: {  	_ =	shalt  }
0x41: {  	_ =	shalt  }
0x42: {  	_ =	shalt  }
0x43: {  	_ =	shalt  }
0x44: {  	_ =	shalt  }
0x45: {  	_ =	shalt  }
0x46: {  	_ =	shalt  }
0x47: {  	_ =	shalt  }
0x48: {  	_ =	shalt  }
0x49: {  	_ =	shalt  }
0x4a: {  	_ =	shalt  }
0x4b: {  	_ =	shalt  }
0x4c: {  	_ =	shalt  }
0x4d: {  	_ =	shalt  }
0x4e: {  	_ =	shalt  }
0x4f: {  	_ =	shalt  }
0x50: {  	_ =	shalt  }
0x51: {  	_ =	shalt  }
0x52: {  	_ =	shalt  }
0x53: {  	_ =	shalt  }
0x54: {  	_ =	shalt  }
0x55: {  	_ =	shalt  }
0x56: {  	_ =	shalt  }
0x57: {  	_ =	shalt  }
0x58: {  	_ =	shalt  }
0x59: {  	_ =	shalt  }
0x5a: {  	_ =	shalt  }
0x5b: {  	_ =	shalt  }
0x5c: {  	_ =	shalt  }
0x5d: {  	_ =	shalt  }
0x5e: {  	_ =	shalt  }
0x5f: {  	_ =	shalt  }
0x60: {  	_ =	shalt  }
0x61: {  	_ =	shalt  }
0x62: {  	_ =	shalt  }
0x63: {  	_ =	shalt  }
0x64: {  	_ =	shalt  }
0x65: {  	_ =	shalt  }
0x66: {  	_ =	shalt  }
0x67: {  	_ =	shalt  }
0x68: {  	_ =	shalt  }
0x69: {  	_ =	shalt  }
0x6a: {  	_ =	shalt  }
0x6b: {  	_ =	shalt  }
0x6c: {  	_ =	shalt  }
0x6d: {  	_ =	shalt  }
0x6e: {  	_ =	shalt  }
0x6f: {  	_ =	shalt  }
0x70: {  	_ =	shalt  }
0x71: {  	_ =	shalt  }
0x72: {  	_ =	shalt  }
0x73: {  	_ =	shalt  }
0x74: {  	_ =	shalt  }
0x75: {  	_ =	shalt  }
0x76: {  	_ =	shalt  }
0x77: {  	_ =	shalt  }
0x78: {  	_ =	shalt  }
0x79: {  	_ =	shalt  }
0x7a: {  	_ =	shalt  }
0x7b: {  	_ =	shalt  }
0x7c: {  	_ =	shalt  }
0x7d: {  	_ =	shalt  }
0x7e: {  	_ =	shalt  }
0x7f: {  	_ =	shalt  }
0x80: {  	_ =	shalt  }
0x81: {  	_ =	shalt  }
0x82: {  	_ =	shalt  }
0x83: {  	_ =	shalt  }
0x84: {  	_ =	shalt  }
0x85: {  	_ =	shalt  }
0x86: {  	_ =	shalt  }
0x87: {  	_ =	shalt  }
.Lfunc_end0:
.L_simem_size_0:
called_computation.3_lowered:
.L_overlay_start_0:
0x88: {  	s2 =	sld [smem:$0x3FD9]  }
0x89: {  	s3 =	sld [smem:$0x3FFE];
	_ =	sdelay $0x1  }
0x8a: {  	s1 =	srdreg.scid  }
0x8b: {  	s0 =	sand.u32 $0x1, s1  }
0x8c: {  	s16 =	sshll.u32 s0, $0xA;
	s2 =	sadd.s32 s3, s2  }
0x8d: {  	s2 =	sadd.s32 s2, s16  }
0x8e: {  	[smem:$0x3FBD] =	sst s2  }
0x8f: {  	_ = 	snop  }
0x90: {  	(tm) =	ssettm $0x1  }
0x91: {  	s17 =	sld [smem:$0x3FFB];
	_ =	sdelay $0x3  }
0x92: {  	_ =	strace s17  }
0x93: {  	s2 =	sld [smem:$0x3FFC];
	_ =	sdelay $0x3  }
0x94: {  	_ =	strace s2  }
0x95: {  	s2 =	sld [smem:$0x3FFD];
	_ =	sdelay $0x3  }
0x96: {  	_ =	strace s2  }
0x97: {  	_ =	strace $0x8FFFFFFF  }
0x98: {  	s18 =	sld [smem:$0x3FDB];
	_ =	sdelay $0x1  }
0x99: {  	s19 =	simm.s32 $_scs_section_size  }
0x9a: {  	s4 =	simm.s32 $_size__tile_overlayer_lowered;
	s5 =	simm.s32 $_tile_overlayer_lowered  }
0x9b: {  	s22 =	simm.s32 $0x1BFF;
	s21 =	sshll.u32 s5, $0x1;
	s2 =	sadd.s32 s19, s18  }
0x9c: {  	s6 =	simm.s32 $0x0;
	s20 =	sshll.u32 s4, $0x1;
	s4 =	sadd.s32 s21, s2  }
0x9d: {  	[timem:s6], [sflag:s22] =	dma.local [hbm:s4], s20  }
0x9e: {  	_ =	swait.ge [sflag:s22], s20  }
0x9f: {  	s3 =	ssub.s32 $0x0, s20;
	[sflag:s22] =	ssyncset.done $0x0  }
0xa0: {  	[sflag:s22] =	ssyncadd.s32 s3;
	_ =	sdelay $0x1  }
0xa1: {  	s23 =	simm.s32 $0x1B8B  }
0xa2: {  	_ =	swait.ge [sflag:s23], $0x1  }
0xa3: {  	[sflag:s23] =	ssyncset.done $0x0  }
0xa4: {  	s25 =	simm.s32 $0x1B8E;
	s24 =	sld [smem:$0x3FFE];
	[sflag:s23] =	ssyncadd.s32 $0xFFFFFFFF  }
0xa5: {  	s26 =	simm.s32 $execute0_lowered;
	[smem:$0x3FD2] =	sst s25  }
0xa6: {  	s4 =	sshll.u32 s26, $0x1;
	_ =	strace $0x8000004F;
	[dreg:$0x1] =	wrdreg $0xFFFFFFFF  }
0xa7: {  	s28 =	simm.s32 $_size_execute0_lowered;
	s2 =	sadd.s32 s2, s4;
	[dreg:$0x0] =	wrdreg $0x0  }
0xa8: {  	s4 =	sshll.u32 s28, $0x1;
	[dreg:$0x2] =	wrdreg s2  }
0xa9: {  	[dreg:$0x3] =	wrdreg s4  }
0xaa: {  	[dreg:$0x4] =	wrdreg $0xC0  }
0xab: {  	_ =	task [dreg:s6], $0x5FFFF  }
0xac: {  	[dreg:$0x1] =	wrdreg $0xFFFFFFFF  }
0xad: {  	[dreg:$0x0] =	wrdreg $0x60  }
0xae: {  	[dreg:$0x2] =	wrdreg s24  }
0xaf: {  	[dreg:$0x3] =	wrdreg $0x41000  }
0xb0: {  	[dreg:$0x4] =	wrdreg $0x9  }
0xb1: {  	_ =	task.clear_ibuf [dreg:s6], $0x5FFFF;
	_ =	strace $0x9000004F  }
0xb2: {  	s29 =	simm.s32 $0x9;
	_ =	strace $0x80000051  }
0xb3: {  	_ =	swait.ge [sflag:s29], $0x1  }
0xb4: {  	[sflag:s29] =	ssyncadd.s32 $0xFFFFFFFF  }
0xb5: {  	_ =	strace $0x90000051  }
0xb6: {  	_ =	sfence  }
0xb7: {  	s30 =	sld [smem:$0x0];
	_ =	sdelay $0x2  }
0xb8: {  	s31 =	sshll.u32 s1, $0xD;
	s1 =	sshrl.u32 s1, $0x2  }
0xb9: {  	s3 =	sand.u32 $0x4000, s31;
	s1 =	sadd.s32 s1, s30  }
0xba: {  	s0 =	sor.u32 s3, s0;
	s1 =	sshll.u32 s1, $0x11  }
0xbb: {  	s0 =	sor.u32 s1, s0  }
0xbc: {  	s0 =	sadd.s32 $0x8F2B, s0  }
0xbd: {  	[sflag:s0] =	ssyncadd.remote.s32 $0x1  }
0xbe: {  	_ =	sfence.sel $0xFFFF  }
0xbf: {  	[dreg:$0x0] =	wrdreg $0xFFFFFFFF;
	(pc) =	sbr.abs _section_cstart, $3  }
0xc0: {  	[dreg:$0x1] =	wrdreg $0xFFFFFFFF  }
0xc1: {  	_ =	task.clear_ibuf [dreg:s6], $0x2FFFF;
	_ =	strace $0x9FFFFFFF  }
0xc2: {  	(tm) =	ssettm $0x7FFFFFFF  }
0xc3: {  	_ =	shalt  }
tec
execute0_lowered:
.L_overlay_start_1:
0x0: {  	(tag) =	ssettag $0x1  }
0x1: {  	s14 =	rddreg [dreg:$0x0]  }
0x2: {  	s1 =	rddreg [dreg:$0x1]  }
0x3: {  	s0 =	rddreg [dreg:$0x2];
	s3 =	simm.s32 $0x0;
	s2 =	stileid.u32  }
0x4: {  	s4 =	srdreg.scid;
	s22 =	simm.s32 $0x10C00;
	s23 =	simm.s32 $0x0  }
0x5: {  	[smem:$0x7FF] =	sst s3;
	s8 =	sshll.u32 s2, $0x6;
	s10 =	smul.u32 $0x280, s2  }
0x6: {  	s16 =	sand.u32 $0x1, s4;
	s7 =	smul.u32 $0x50000, s2;
	s4 =	sadd.s32 $0x74E00, s14  }
0x7: {  	s5 =	sadd.s32 $0x10400, s14;
	s21 =	smul.u32 $0x2800, s2;
	_ =	strace $0x80000050  }
0x8: {  	s18 =	sadd.s32 s8, s14;
	s6 =	ssub.s32 $0x2, s16;
	s8 =	sor.u32 $0x1C02, s8  }
0x9: {  	p0 =	seq.s32 s16, $0x0;
	s30 =	sshll.u32 s16, $0x5;
	s9 =	sshrl.u32 s6, $0x1  }
0xa: {  	s7 =	sshrl.u32 s7, $0x2;
	s15 =	sadd.s32 $0x80, s10;
	s17 =	sadd.s32 $0x100, s10  }
0xb: {  	s19 =	sadd.s32 $0x180, s10;
	s20 =	sadd.s32 $0x200, s10;
	s22 =	simm.s32 @!p0 $0x38C00  }
0xc: {  	s31 =	sadd.s32 s30, s18;
	s13 =	ssub.s32 s6, s9;
	s6 =	sshll.u32 s2, $0x1  }
0xd: {  	s7 =	sadd.s32 s7, s1;
	s28 =	sshll.u32 s15, $0x7;
	s11 =	sshll.u32 s17, $0x7  }
0xe: {  	s29 =	sshll.u32 s19, $0x7;
	s12 =	sshll.u32 s20, $0x7;
	s15 =	sshll.u32 s15, $0x4  }
0xf: {  	s17 =	sshll.u32 s17, $0x4;
	s19 =	sshll.u32 s19, $0x4;
	s20 =	sshll.u32 s20, $0x4  }
0x10: {  	s22 =	sadd.s32 s22, s14;
	s9 =	sadd.s32 s28, s1;
	s10 =	sadd.s32 s11, s1  }
0x11: {  	s11 =	sadd.s32 s29, s1;
	s12 =	sadd.s32 s12, s1;
	s13 =	smax.u32 s13, $0x1  }
0x12: {  	s14 =	sadd.s32 s22, s21;
	s15 =	sadd.s32 s22, s15;
	s16 =	sadd.s32 s22, s17  }
0x13: {  	s17 =	sadd.s32 s22, s19;
	s18 =	sadd.s32 s22, s20;
	s19 =	sadd.s32 $0x61400, s31  }
0x14: {  	s20 =	sshrl.u32 s7, $0x3;
	s21 =	simm.s32 $0x2;
	s22 =	simm.s32 $0x100  }
.LBB2_1:
0x15: {  	[spmem:s20], [sflag:s8] =	dma.local [hbm:s5], $0x800  }
0x16: {  	_ =	swait.ge [sflag:s21], $0x800  }
0x17: {  	[sflag:s21] =	ssyncset.done $0x0  }
0x18: {  	s24 =	sshrl.u32 s9, $0x3;
	[sflag:s21] =	ssyncadd.s32 $0xFFFFF800  }
0x19: {  	[spmem:s24], [sflag:s8] =	dma.local [hbm:s5], $0x800  }
0x1a: {  	_ =	swait.ge [sflag:s21], $0x800  }
0x1b: {  	[sflag:s21] =	ssyncset.done $0x0  }
0x1c: {  	s26 =	sshrl.u32 s10, $0x3;
	[sflag:s21] =	ssyncadd.s32 $0xFFFFF800  }
0x1d: {  	[spmem:s26], [sflag:s8] =	dma.local [hbm:s5], $0x800  }
0x1e: {  	_ =	swait.ge [sflag:s21], $0x800  }
0x1f: {  	[sflag:s21] =	ssyncset.done $0x0  }
0x20: {  	s28 =	sshrl.u32 s11, $0x3;
	[sflag:s21] =	ssyncadd.s32 $0xFFFFF800  }
0x21: {  	[spmem:s28], [sflag:s8] =	dma.local [hbm:s5], $0x800  }
0x22: {  	_ =	swait.ge [sflag:s21], $0x800  }
0x23: {  	[sflag:s21] =	ssyncset.done $0x0  }
0x24: {  	s29 =	sshrl.u32 s12, $0x3;
	[sflag:s21] =	ssyncadd.s32 $0xFFFFF800  }
0x25: {  	[spmem:s29], [sflag:s8] =	dma.local [hbm:s5], $0x800  }
0x26: {  	_ =	swait.ge [sflag:s21], $0x800  }
0x27: {  	s30 =	sadd.s32 $0x0, s6;
	[sflag:s21] =	ssyncset.done $0x0  }
0x28: {  	p0 =	sgt.u32 s30, $0x9C3;
	[sflag:s21] =	ssyncadd.s32 $0xFFFFF800  }
0x29: {  	s25 =	simm.s32 @!p0 $0x3;
	s24 =	simm.s32 @!p0 $0x0;
	[bflag:$0x0] =	sbarrier.arrive $0xFFFF  }
0x2a: {  	[tilespmem:s24], [sflag:$0x3] =	stream.linear.gather @!p0 [hbm4b:s19+s24], $0x100, $0x38;
	[tilespmem:$0x18100] =	vst v63  }
0x2b: {  	_ =	swait.ge @!p0 [sflag:s25], $0x100  }
0x2c: {  	s26 =	simm.s32 @!p0 $0x1;
	[sflag:s25] =	ssyncset.done @!p0 $0x0  }
0x2d: {  	s28 =	simm.s32 @!p0 $0x100;
	[sflag:s25] =	ssyncadd.s32 @!p0 $0xFFFFFF00;
	s25 =	simm.s32 @!p0 $0x80  }
0x2e: {  	[tilespmem:s28], [sflag:$0x1] =	stream.indirect.gather @!p0 [hbm4b:s4+s25], $0x80, s24, s25, $0xb8;
	[tilespmem:$0x18100] =	vst v63  }
0x2f: {  	p1 =	por p0, p0;
	_ =	swait.ge @!p0 [sflag:s26], $0x4000  }
0x30: {  	[sflag:s26] =	ssyncset.done @!p1 $0x0  }
0x31: {  	[sflag:s26] =	ssyncadd.s32 @!p1 $0xFFFFC000;
	s26 =	simm.s32 @!p1 $0x2  }
0x32: {  	[spmem:s1] =	stream.indirect.scatter.add.f32 @!p1 [tilespmem:s28], [sflag:$0x2], $0x80, s25, s25, $0xb8;
	[tilespmem:$0x18100] =	vst v63  }
0x33: {  	s31 =	sadd.s32 $0x20, s6;
	s24 =	simm.s32 $0x40;
	_ =	swait.ge @!p1 [sflag:s26], $0x4000  }
0x34: {  	p0 =	sgt.u32 s31, $0x9C3;
	s25 =	sadd.s32 $0x400, s19;
	[sflag:s26] =	ssyncset.done @!p1 $0x0  }
.LBB2_2:
0x35: {  	s28 =	simm.s32 @!p0 $0x0;
	s29 =	simm.s32 @!p0 $0x3;
	[sflag:s26] =	ssyncadd.s32 @!p1 $0xFFFFC000  }
0x36: {  	[tilespmem:s28], [sflag:$0x3] =	stream.linear.gather @!p0 [hbm4b:s25+s28], $0x100, $0x38;
	[tilespmem:$0x18100] =	vst v63  }
0x37: {  	s30 =	smov.u32 s24;
	s24 =	sadd.s32 $0x20, s24;
	_ =	swait.ge @!p0 [sflag:s29], $0x100  }
0x38: {  	s26 =	simm.s32 @!p0 $0x1;
	p2 =	sne.s32 s24, $0x9E0;
	[sflag:s29] =	ssyncset.done @!p0 $0x0  }
0x39: {  	s31 =	simm.s32 @!p0 $0x100;
	[sflag:s29] =	ssyncadd.s32 @!p0 $0xFFFFFF00;
	s29 =	simm.s32 @!p0 $0x80  }
0x3a: {  	[tilespmem:s31], [sflag:$0x1] =	stream.indirect.gather @!p0 [hbm4b:s4+s29], $0x80, s28, s29, $0xb8;
	[tilespmem:$0x18100] =	vst v63  }
0x3b: {  	p1 =	por p0, p0;
	_ =	swait.ge @!p0 [sflag:s26], $0x4000  }
.Ltmp0:
0x3c: {  	[sflag:s26] =	ssyncset.done @!p1 $0x0;
	(pc) =	sbr.rel @p2 .LBB2_2-.Ltmp0, $4  }
0x3d: {  	[sflag:s26] =	ssyncadd.s32 @!p1 $0xFFFFC000;
	s26 =	simm.s32 @!p1 $0x2  }
0x3e: {  	[spmem:s1] =	stream.indirect.scatter.add.f32 @!p1 [tilespmem:s31], [sflag:$0x2], $0x80, s29, s29, $0xb8;
	[tilespmem:$0x18100] =	vst v63  }
0x3f: {  	s28 =	sadd.s32 s30, s6;
	_ =	swait.ge @!p1 [sflag:s26], $0x4000  }
0x40: {  	s25 =	sadd.s32 $0x400, s25;
	p0 =	sgt.u32 s28, $0x9C3;
	[sflag:s26] =	ssyncset.done @!p1 $0x0  }
0x41: {  	s24 =	simm.s32 @!p0 $0x0;
	s28 =	simm.s32 @!p0 $0x3;
	[sflag:s26] =	ssyncadd.s32 @!p1 $0xFFFFC000  }
0x42: {  	[tilespmem:s24], [sflag:$0x3] =	stream.linear.gather @!p0 [hbm4b:s25+s24], $0x100, $0x38;
	[tilespmem:$0x18100] =	vst v63  }
0x43: {  	_ =	swait.ge @!p0 [sflag:s28], $0x100  }
0x44: {  	s26 =	simm.s32 @!p0 $0x80;
	[sflag:s28] =	ssyncset.done @!p0 $0x0  }
0x45: {  	s25 =	simm.s32 @!p0 $0x1;
	[sflag:s28] =	ssyncadd.s32 @!p0 $0xFFFFFF00;
	s28 =	simm.s32 @!p0 $0x100  }
0x46: {  	[tilespmem:s28], [sflag:$0x1] =	stream.indirect.gather @!p0 [hbm4b:s4+s26], $0x80, s24, s26, $0xb8;
	[tilespmem:$0x18100] =	vst v63  }
0x47: {  	_ =	swait.ge @!p0 [sflag:s25], $0x4000;
	p0 =	por p0, p0  }
0x48: {  	[sflag:s25] =	ssyncset.done @!p0 $0x0  }
0x49: {  	s24 =	simm.s32 @!p0 $0x2;
	[sflag:s25] =	ssyncadd.s32 @!p0 $0xFFFFC000  }
0x4a: {  	[spmem:s1] =	stream.indirect.scatter.add.f32 @!p0 [tilespmem:s28], [sflag:$0x2], $0x80, s26, s26, $0xb8;
	[tilespmem:$0x18100] =	vst v63  }
0x4b: {  	_ =	swait.ge @!p0 [sflag:s24], $0x4000  }
0x4c: {  	[sflag:s24] =	ssyncset.done @!p0 $0x0  }
0x4d: {  	[sflag:s24] =	ssyncadd.s32 @!p0 $0xFFFFC000  }
0x4e: {  	[bflag:$0x0] =	sbarrier.arrive $0xFFFF  }
0x4f: {  	[tilespmem:s22], [sflag:$0x2] =	stream.linear.gather [spmem:s7], $0x4000, $0x38;
	[tilespmem:$0x18100] =	vst v63  }
0x50: {  	_ =	swait.ge [sflag:s21], $0x4000  }
0x51: {  	[sflag:s21] =	ssyncset.done $0x0  }
0x52: {  	[sflag:s21] =	ssyncadd.s32 $0xFFFFC000  }
0x53: {  	[hbm4b:s14+s3] =	stream.linear.scatter [tilespmem:s22], [sflag:$0x2], $0x4000, $0x38;
	[tilespmem:$0x18100] =	vst v63  }
0x54: {  	_ =	swait.ge [sflag:s21], $0x4000  }
0x55: {  	[sflag:s21] =	ssyncset.done $0x0  }
0x56: {  	[sflag:s21] =	ssyncadd.s32 $0xFFFFC000  }
0x57: {  	[tilespmem:s22], [sflag:$0x2] =	stream.linear.gather [spmem:s9], $0x4000, $0x38;
	[tilespmem:$0x18100] =	vst v63  }
0x58: {  	_ =	swait.ge [sflag:s21], $0x4000  }
0x59: {  	[sflag:s21] =	ssyncset.done $0x0  }
0x5a: {  	[sflag:s21] =	ssyncadd.s32 $0xFFFFC000  }
0x5b: {  	[hbm4b:s15+s3] =	stream.linear.scatter [tilespmem:s22], [sflag:$0x2], $0x4000, $0x38;
	[tilespmem:$0x18100] =	vst v63  }
0x5c: {  	_ =	swait.ge [sflag:s21], $0x4000  }
0x5d: {  	[sflag:s21] =	ssyncset.done $0x0  }
0x5e: {  	[sflag:s21] =	ssyncadd.s32 $0xFFFFC000  }
0x5f: {  	[tilespmem:s22], [sflag:$0x2] =	stream.linear.gather [spmem:s10], $0x4000, $0x38;
	[tilespmem:$0x18100] =	vst v63  }
0x60: {  	_ =	swait.ge [sflag:s21], $0x4000  }
0x61: {  	[sflag:s21] =	ssyncset.done $0x0  }
0x62: {  	[sflag:s21] =	ssyncadd.s32 $0xFFFFC000  }
0x63: {  	[hbm4b:s16+s3] =	stream.linear.scatter [tilespmem:s22], [sflag:$0x2], $0x4000, $0x38;
	[tilespmem:$0x18100] =	vst v63  }
0x64: {  	_ =	swait.ge [sflag:s21], $0x4000  }
0x65: {  	[sflag:s21] =	ssyncset.done $0x0  }
0x66: {  	[sflag:s21] =	ssyncadd.s32 $0xFFFFC000  }
0x67: {  	[tilespmem:s22], [sflag:$0x2] =	stream.linear.gather [spmem:s11], $0x4000, $0x38;
	[tilespmem:$0x18100] =	vst v63  }
0x68: {  	_ =	swait.ge [sflag:s21], $0x4000  }
0x69: {  	[sflag:s21] =	ssyncset.done $0x0  }
0x6a: {  	[sflag:s21] =	ssyncadd.s32 $0xFFFFC000  }
0x6b: {  	[hbm4b:s17+s3] =	stream.linear.scatter [tilespmem:s22], [sflag:$0x2], $0x4000, $0x38;
	[tilespmem:$0x18100] =	vst v63  }
0x6c: {  	_ =	swait.ge [sflag:s21], $0x4000  }
0x6d: {  	[sflag:s21] =	ssyncset.done $0x0  }
0x6e: {  	[sflag:s21] =	ssyncadd.s32 $0xFFFFC000  }
0x6f: {  	[tilespmem:s22], [sflag:$0x2] =	stream.linear.gather [spmem:s12], $0x4000, $0x38;
	[tilespmem:$0x18100] =	vst v63  }
0x70: {  	s23 =	sadd.s32 $0x1, s23;
	_ =	swait.ge [sflag:s21], $0x4000  }
0x71: {  	p0 =	sne.s32 s23, s13;
	[sflag:s21] =	ssyncset.done $0x0  }
.Ltmp1:
0x72: {  	[sflag:s21] =	ssyncadd.s32 $0xFFFFC000;
	(pc) =	sbr.rel @p0 .LBB2_1-.Ltmp1, $4  }
0x73: {  	[hbm4b:s18+s3] =	stream.linear.scatter [tilespmem:s22], [sflag:$0x2], $0x4000, $0x38;
	[tilespmem:$0x18100] =	vst v63  }
0x74: {  	_ =	swait.ge [sflag:s21], $0x4000  }
0x75: {  	[sflag:s21] =	ssyncset.done $0x0  }
0x76: {  	[sflag:s21] =	ssyncadd.s32 $0xFFFFC000  }
0x77: {  	_ =	sfence.sel $0x180000  }
0x78: {  	[bflag:$0x0] =	sbarrier.arrive $0xFFFF  }
0x79: {  	p0 =	sne.s32 s2, $0x0;
	_ =	strace $0x90000050  }
0x7a: {  	s0 =	sadd.s32 @!p0 $0x100000, s0;
	[bflag:$0x2] =	sbarrier.arrive $0xFFFF  }
0x7b: {  	[sflag:s0] =	ssyncadd.tile.s32 @!p0 $0x1;
	_ =	shalt  }
.Lfunc_end2:
_tile_overlayer_lowered:
.L_overlay_start_2:
0x7c: {  	(tag) =	ssettag $0x2  }
0x7d: {  	s0 =	rddreg [dreg:$0x0];
	s2 =	stileid.u32  }
0x7e: {  	s1 =	rddreg [dreg:$0x1];
	p0 =	sne.s32 s2, $0x0  }
0x7f: {  	s3 =	rddreg [dreg:$0x2];
	[bflag:$0x3] =	sbarrier.arrive $0xFFFF;
	s2 =	simm.s32 @!p0 $0x1C02  }
0x80: {  	[timem:s3], [sflag:s2] =	dma.local @!p0 [hbm:s0], s1  }
0x81: {  	s0 =	simm.s32 @!p0 $0x2  }
0x82: {  	_ =	swait.ge @!p0 [sflag:s0], s1  }
0x83: {  	s1 =	ssub.s32 @!p0 $0x0, s1;
	[sflag:s0] =	ssyncset.done @!p0 $0x0  }
0x84: {  	[sflag:s0] =	ssyncadd.s32 @!p0 s1  }
0x85: {  	[bflag:$0x3] =	sbarrier.arrive $0xFFFF  }
0x86: {  	_ =	shalt  }

</sc_bundles>
